<compile_context>
chip_gen: v7x
topology: tpu7x:2x2x1
jax: 0.10.2.dev20260603
libtpu: 0.0.44.dev20260713+nightly
codegen_flags: <defaults>
</compile_context>

<pallas_src>
import jax
import jax.numpy as jnp
from jax import lax
from jax.experimental import pallas as pl
from jax.experimental.pallas import tpu as pltpu
from jax.experimental.pallas import tpu_sc as plsc

_NC = 2
_NS = 16
_NW = _NC * _NS

_BATCH = 4
_SEQ = 8192
_B = _BATCH * _SEQ
_D = 768
_BPW = _B // _NW
_WPB = _SEQ // _BPW
_C = 32
_NCHUNK = _BPW // _C
_NBUF = 4


def _emb_body(idx_hbm, table_hbm, out_hbm, idx_v, bufs, sems, wsems):
    wid = lax.axis_index("c") * _NS + lax.axis_index("s")
    b = wid // _WPB
    col = (wid % _WPB) * _BPW
    pltpu.sync_copy(idx_hbm.at[b].at[pl.ds(col, _BPW)], idx_v)

    gathers = [None] * _NBUF
    writes = [None] * _NBUF
    for g in range(_NCHUNK + _NBUF - 1):
        if g < _NCHUNK:
            s = g % _NBUF
            if g >= _NBUF:
                writes[s].wait()
            gathers[s] = pltpu.async_copy(
                table_hbm.at[idx_v.at[pl.ds(g * _C, _C)]], bufs[s], sems[s]
            )
        d = g - (_NBUF - 1)
        if d >= 0:
            p = d % _NBUF
            gathers[p].wait()
            writes[p] = pltpu.async_copy(
                bufs[p], out_hbm.at[b].at[pl.ds(col + d * _C, _C)], wsems[p]
            )
    for p in range(_NBUF):
        writes[p].wait()


_emb_call = pl.kernel(
    _emb_body,
    out_type=jax.ShapeDtypeStruct((_BATCH, _SEQ, _D), jnp.float32),
    mesh=plsc.VectorSubcoreMesh(core_axis_name="c", subcore_axis_name="s"),
    scratch_types=[
        pltpu.VMEM((_BPW,), jnp.int32),
        [pltpu.VMEM((_C, _D), jnp.float32) for _ in range(_NBUF)],
        [pltpu.SemaphoreType.DMA for _ in range(_NBUF)],
        [pltpu.SemaphoreType.DMA for _ in range(_NBUF)],
    ],
)


@jax.jit
def kernel(pos_ids, wpe):
    return _emb_call(pos_ids.astype(jnp.int32), wpe)

# --- scband reference (transcript-rebuilt; emitter-appended) ---
"""Pipeline reference for scband-positional-embedding-84241488544281 (READ-ONLY COPY).

The authoritative reference and input builder live on the scoring server;
editing this copy changes nothing except your own understanding.
"""

import jax, jax.numpy as jnp
import numpy as np

BLOCK_SIZE = 8192
N_EMBD = 768
BATCH = 4
SEQ = 8192

def setup_inputs(seed: int = 0) -> dict:
    key = jax.random.key(seed)
    k1, k2 = jax.random.split(key)
    pos_ids = jax.random.randint(k1, (BATCH, SEQ), 0, BLOCK_SIZE, dtype=jnp.int64 if jax.config.jax_enable_x64 else jnp.int32)
    wpe = jax.random.normal(k2, (BLOCK_SIZE, N_EMBD), dtype=jnp.float32) * 0.02
    return {"pos_ids": pos_ids, "wpe": wpe}

def reference(pos_ids, wpe):
    # nn.Embedding lookup: wpe(pos_ids)
    return jnp.take(wpe, pos_ids, axis=0)

if __name__ == "__main__":
    import jax
    _d = setup_inputs()
    print(jax.jit(kernel)(*tuple(_d.values())))

</pallas_src>

<mosaic_0001>
#map = affine_map<(d0, d1) -> (0, 0)>
#map1 = affine_map<(d0, d1) -> (0, 0, 0)>
module attributes {stable_mosaic.version = 14 : i64} {
  func.func @_emb_body(%arg0: i32, %arg1: i32, %arg2: memref<4x8192xi32, #tpu.memory_space<hbm>>, %arg3: memref<8192x768xf32, #tpu.memory_space<hbm>>, %arg4: memref<4x8192x768xf32, #tpu.memory_space<hbm>>, %arg5: memref<1024xi32, #tpu.memory_space<vmem>>, %arg6: memref<32x768xf32, #tpu.memory_space<vmem>>, %arg7: memref<32x768xf32, #tpu.memory_space<vmem>>, %arg8: memref<32x768xf32, #tpu.memory_space<vmem>>, %arg9: memref<32x768xf32, #tpu.memory_space<vmem>>, %arg10: memref<!tpu.dma_semaphore, #tpu.memory_space<semaphore_mem>>, %arg11: memref<!tpu.dma_semaphore, #tpu.memory_space<semaphore_mem>>, %arg12: memref<!tpu.dma_semaphore, #tpu.memory_space<semaphore_mem>>, %arg13: memref<!tpu.dma_semaphore, #tpu.memory_space<semaphore_mem>>, %arg14: memref<!tpu.dma_semaphore, #tpu.memory_space<semaphore_mem>>, %arg15: memref<!tpu.dma_semaphore, #tpu.memory_space<semaphore_mem>>, %arg16: memref<!tpu.dma_semaphore, #tpu.memory_space<semaphore_mem>>, %arg17: memref<!tpu.dma_semaphore, #tpu.memory_space<semaphore_mem>>) attributes {dimension_semantics = [#tpu.dimension_semantics<core_parallel>, #tpu.dimension_semantics<subcore_parallel>], iteration_bounds = array<i64: 2, 16>, scalar_prefetch = 0 : i64, scratch_operands = 13 : i64, tpu.core_type = #tpu.core_type<sc_vector_subcore>, window_params = [{transform_indices = #map}, {transform_indices = #map}, {transform_indices = #map1}]} {
    %mul3A = arith.constant 16 : i32
    %mul3A_0 = arith.muli %arg0, %mul3A : i32
    %add3A = arith.addi %mul3A_0, %arg1 : i32
    %jit3A = arith.constant 8 : i32
    %div3A = arith.divsi %add3A, %jit3A : i32
    %sign3A = arith.constant 0 : i32
    %sign3A_1 = arith.cmpi sgt, %add3A, %sign3A : i32
    %sign3A_2 = arith.extui %sign3A_1 : i1 to i32
    %sign3A_3 = arith.constant 0 : i32
    %sign3A_4 = arith.cmpi slt, %add3A, %sign3A_3 : i32
    %sign3A_5 = arith.extui %sign3A_4 : i1 to i32
    %sign3A_6 = arith.subi %sign3A_2, %sign3A_5 : i32
    %sign3A_7 = arith.constant 0 : i32
    %sign3A_8 = arith.cmpi sgt, %jit3A, %sign3A_7 : i32
    %sign3A_9 = arith.extui %sign3A_8 : i1 to i32
    %sign3A_10 = arith.constant 0 : i32
    %sign3A_11 = arith.cmpi slt, %jit3A, %sign3A_10 : i32
    %sign3A_12 = arith.extui %sign3A_11 : i1 to i32
    %sign3A_13 = arith.subi %sign3A_9, %sign3A_12 : i32
    %ne3A = arith.cmpi ne, %sign3A_6, %sign3A_13 : i32
    %rem3A = arith.remsi %add3A, %jit3A : i32
    %ne3A_14 = arith.constant 0 : i32
    %ne3A_15 = arith.cmpi ne, %rem3A, %ne3A_14 : i32
    %and3A = arith.andi %ne3A, %ne3A_15 : i1
    %sub3A = arith.constant 1 : i32
    %sub3A_16 = arith.subi %div3A, %sub3A : i32
    %select_n3A = arith.select %and3A, %sub3A_16, %div3A : i32
    %jit3A_17 = arith.constant 8 : i32
    %eq3A = arith.constant 0 : i32
    %eq3A_18 = arith.cmpi eq, %jit3A_17, %eq3A : i32
    %jit3A_19 = arith.constant 1 : i32
    %select_n3A_20 = arith.select %eq3A_18, %jit3A_19, %jit3A_17 : i32
    %rem3A_21 = arith.remsi %add3A, %select_n3A_20 : i32
    %ne3A_22 = arith.constant 0 : i32
    %ne3A_23 = arith.cmpi ne, %rem3A_21, %ne3A_22 : i32
    %lt3A = arith.constant 0 : i32
    %lt3A_24 = arith.cmpi slt, %rem3A_21, %lt3A : i32
    %lt3A_25 = arith.constant 0 : i32
    %lt3A_26 = arith.cmpi slt, %select_n3A_20, %lt3A_25 : i32
    %ne3A_27 = arith.xori %lt3A_24, %lt3A_26 : i1
    %and3A_28 = arith.andi %ne3A_27, %ne3A_23 : i1
    %add3A_29 = arith.addi %rem3A_21, %select_n3A_20 : i32
    %select_n3A_30 = arith.select %and3A_28, %add3A_29, %rem3A_21 : i32
    %mul3A_31 = arith.constant 1024 : i32
    %mul3A_32 = arith.muli %select_n3A_30, %mul3A_31 : i32
    "tpu.region"() ({
      %run_scoped3A = tpu.sem_alloc : memref<!tpu.dma_semaphore, #tpu.memory_space<semaphore_mem>>
      %dma_start3A_1183 = arith.constant 0 : i32
      %dma_start3A_1184 = tpu.memref_slice %arg2[%select_n3A, %dma_start3A_1183] : memref<4x8192xi32, #tpu.memory_space<hbm>> -> memref<1x8192xi32, #tpu.memory_space<hbm>>
      %dma_start3A_1185 = tpu.memref_squeeze %dma_start3A_1184 : memref<1x8192xi32, #tpu.memory_space<hbm>> -> memref<8192xi32, #tpu.memory_space<hbm>>
      %dma_start3A_1186 = tpu.memref_slice %dma_start3A_1185[%mul3A_32] : memref<8192xi32, #tpu.memory_space<hbm>> -> memref<1024xi32, #tpu.memory_space<hbm>>
      %dma_start3A_1187 = arith.constant 0 : i32
      %dma_start3A_1188 = tpu.memref_slice %arg2[%select_n3A, %dma_start3A_1187] : memref<4x8192xi32, #tpu.memory_space<hbm>> -> memref<1x8192xi32, #tpu.memory_space<hbm>>
      %dma_start3A_1189 = tpu.memref_squeeze %dma_start3A_1188 : memref<1x8192xi32, #tpu.memory_space<hbm>> -> memref<8192xi32, #tpu.memory_space<hbm>>
      %dma_start3A_1190 = tpu.memref_slice %dma_start3A_1189[%mul3A_32] : memref<8192xi32, #tpu.memory_space<hbm>> -> memref<1024xi32, #tpu.memory_space<hbm>>
      tpu.enqueue_dma source(%dma_start3A_1190 : memref<1024xi32, #tpu.memory_space<hbm>>) target(%arg5 : memref<1024xi32, #tpu.memory_space<vmem>>) target_semaphore(%run_scoped3A : memref<!tpu.dma_semaphore, #tpu.memory_space<semaphore_mem>>)
      %dma_wait3A_1191 = arith.constant 0 : i32
      %dma_wait3A_1192 = tpu.memref_slice %arg2[%select_n3A, %dma_wait3A_1191] : memref<4x8192xi32, #tpu.memory_space<hbm>> -> memref<1x8192xi32, #tpu.memory_space<hbm>>
      %dma_wait3A_1193 = tpu.memref_squeeze %dma_wait3A_1192 : memref<1x8192xi32, #tpu.memory_space<hbm>> -> memref<8192xi32, #tpu.memory_space<hbm>>
      %dma_wait3A_1194 = tpu.memref_slice %dma_wait3A_1193[%mul3A_32] : memref<8192xi32, #tpu.memory_space<hbm>> -> memref<1024xi32, #tpu.memory_space<hbm>>
      %dma_wait3A_1195 = arith.constant 0 : i32
      %dma_wait3A_1196 = tpu.memref_slice %arg2[%select_n3A, %dma_wait3A_1195] : memref<4x8192xi32, #tpu.memory_space<hbm>> -> memref<1x8192xi32, #tpu.memory_space<hbm>>
      %dma_wait3A_1197 = tpu.memref_squeeze %dma_wait3A_1196 : memref<1x8192xi32, #tpu.memory_space<hbm>> -> memref<8192xi32, #tpu.memory_space<hbm>>
      %dma_wait3A_1198 = tpu.memref_slice %dma_wait3A_1197[%mul3A_32] : memref<8192xi32, #tpu.memory_space<hbm>> -> memref<1024xi32, #tpu.memory_space<hbm>>
      tpu.wait_dma2 semaphore(%run_scoped3A : memref<!tpu.dma_semaphore, #tpu.memory_space<semaphore_mem>>) src(%dma_wait3A_1198 : memref<1024xi32, #tpu.memory_space<hbm>>) dst(%arg5 : memref<1024xi32, #tpu.memory_space<vmem>>)
      tpu.yield
    }) : () -> ()
    %dma_start3A = arith.constant 0 : i32
    %dma_start3A_33 = tpu.memref_slice %arg5[%dma_start3A] : memref<1024xi32, #tpu.memory_space<vmem>> -> memref<32xi32, #tpu.memory_space<vmem>>
    %dma_start3A_34 = arith.constant 0 : i32
    %dma_start3A_35 = arith.constant 0 : i32
    %dma_start3A_36 = tpu.memref_slice %arg3[%dma_start3A_34, %dma_start3A_35] : memref<8192x768xf32, #tpu.memory_space<hbm>> -> memref<8192x768xf32, #tpu.memory_space<hbm>>
    tpu.enqueue_indirect_dma source(%dma_start3A_36 : memref<8192x768xf32, #tpu.memory_space<hbm>>) target(%arg6 : memref<32x768xf32, #tpu.memory_space<vmem>>) offsets(%dma_start3A_33 : memref<32xi32, #tpu.memory_space<vmem>>) semaphore(%arg10 : memref<!tpu.dma_semaphore, #tpu.memory_space<semaphore_mem>>)
    %dma_start3A_37 = arith.constant 32 : i32
    %dma_start3A_38 = tpu.memref_slice %arg5[%dma_start3A_37] : memref<1024xi32, #tpu.memory_space<vmem>> -> memref<32xi32, #tpu.memory_space<vmem>>
    %dma_start3A_39 = arith.constant 0 : i32
    %dma_start3A_40 = arith.constant 0 : i32
    %dma_start3A_41 = tpu.memref_slice %arg3[%dma_start3A_39, %dma_start3A_40] : memref<8192x768xf32, #tpu.memory_space<hbm>> -> memref<8192x768xf32, #tpu.memory_space<hbm>>
    tpu.enqueue_indirect_dma source(%dma_start3A_41 : memref<8192x768xf32, #tpu.memory_space<hbm>>) target(%arg7 : memref<32x768xf32, #tpu.memory_space<vmem>>) offsets(%dma_start3A_38 : memref<32xi32, #tpu.memory_space<vmem>>) semaphore(%arg11 : memref<!tpu.dma_semaphore, #tpu.memory_space<semaphore_mem>>)
    %dma_start3A_42 = arith.constant 64 : i32
    %dma_start3A_43 = tpu.memref_slice %arg5[%dma_start3A_42] : memref<1024xi32, #tpu.memory_space<vmem>> -> memref<32xi32, #tpu.memory_space<vmem>>
    %dma_start3A_44 = arith.constant 0 : i32
    %dma_start3A_45 = arith.constant 0 : i32
    %dma_start3A_46 = tpu.memref_slice %arg3[%dma_start3A_44, %dma_start3A_45] : memref<8192x768xf32, #tpu.memory_space<hbm>> -> memref<8192x768xf32, #tpu.memory_space<hbm>>
    tpu.enqueue_indirect_dma source(%dma_start3A_46 : memref<8192x768xf32, #tpu.memory_space<hbm>>) target(%arg8 : memref<32x768xf32, #tpu.memory_space<vmem>>) offsets(%dma_start3A_43 : memref<32xi32, #tpu.memory_space<vmem>>) semaphore(%arg12 : memref<!tpu.dma_semaphore, #tpu.memory_space<semaphore_mem>>)
    %dma_start3A_47 = arith.constant 96 : i32
    %dma_start3A_48 = tpu.memref_slice %arg5[%dma_start3A_47] : memref<1024xi32, #tpu.memory_space<vmem>> -> memref<32xi32, #tpu.memory_space<vmem>>
    %dma_start3A_49 = arith.constant 0 : i32
    %dma_start3A_50 = arith.constant 0 : i32
    %dma_start3A_51 = tpu.memref_slice %arg3[%dma_start3A_49, %dma_start3A_50] : memref<8192x768xf32, #tpu.memory_space<hbm>> -> memref<8192x768xf32, #tpu.memory_space<hbm>>
    tpu.enqueue_indirect_dma source(%dma_start3A_51 : memref<8192x768xf32, #tpu.memory_space<hbm>>) target(%arg9 : memref<32x768xf32, #tpu.memory_space<vmem>>) offsets(%dma_start3A_48 : memref<32xi32, #tpu.memory_space<vmem>>) semaphore(%arg13 : memref<!tpu.dma_semaphore, #tpu.memory_space<semaphore_mem>>)
    %dma_wait3A = arith.constant 0 : i32
    %dma_wait3A_52 = tpu.memref_slice %arg5[%dma_wait3A] : memref<1024xi32, #tpu.memory_space<vmem>> -> memref<32xi32, #tpu.memory_space<vmem>>
    %dma_wait3A_53 = arith.constant 0 : i32
    %dma_wait3A_54 = arith.constant 0 : i32
    %dma_wait3A_55 = tpu.memref_slice %arg3[%dma_wait3A_53, %dma_wait3A_54] : memref<8192x768xf32, #tpu.memory_space<hbm>> -> memref<8192x768xf32, #tpu.memory_space<hbm>>
    tpu.wait_indirect_dma semaphore(%arg10 : memref<!tpu.dma_semaphore, #tpu.memory_space<semaphore_mem>>) src(%dma_wait3A_55 : memref<8192x768xf32, #tpu.memory_space<hbm>>) dst(%arg6 : memref<32x768xf32, #tpu.memory_space<vmem>>)
    %add3A_56 = arith.constant 0 : i32
    %add3A_57 = arith.addi %mul3A_32, %add3A_56 : i32
    %dma_start3A_58 = arith.constant 0 : i32
    %dma_start3A_59 = arith.constant 0 : i32
    %dma_start3A_60 = tpu.memref_slice %arg4[%select_n3A, %dma_start3A_58, %dma_start3A_59] : memref<4x8192x768xf32, #tpu.memory_space<hbm>> -> memref<1x8192x768xf32, #tpu.memory_space<hbm>>
    %dma_start3A_61 = tpu.memref_squeeze %dma_start3A_60 : memref<1x8192x768xf32, #tpu.memory_space<hbm>> -> memref<8192x768xf32, #tpu.memory_space<hbm>>
    %dma_start3A_62 = arith.constant 0 : i32
    %dma_start3A_63 = tpu.memref_slice %dma_start3A_61[%add3A_57, %dma_start3A_62] : memref<8192x768xf32, #tpu.memory_space<hbm>> -> memref<32x768xf32, #tpu.memory_space<hbm>>
    %dma_start3A_64 = arith.constant 0 : i32
    %dma_start3A_65 = arith.constant 0 : i32
    %dma_start3A_66 = tpu.memref_slice %arg4[%select_n3A, %dma_start3A_64, %dma_start3A_65] : memref<4x8192x768xf32, #tpu.memory_space<hbm>> -> memref<1x8192x768xf32, #tpu.memory_space<hbm>>
    %dma_start3A_67 = tpu.memref_squeeze %dma_start3A_66 : memref<1x8192x768xf32, #tpu.memory_space<hbm>> -> memref<8192x768xf32, #tpu.memory_space<hbm>>
    %dma_start3A_68 = arith.constant 0 : i32
    %dma_start3A_69 = tpu.memref_slice %dma_start3A_67[%add3A_57, %dma_start3A_68] : memref<8192x768xf32, #tpu.memory_space<hbm>> -> memref<32x768xf32, #tpu.memory_space<hbm>>
    tpu.enqueue_dma source(%arg6 : memref<32x768xf32, #tpu.memory_space<vmem>>) target(%dma_start3A_69 : memref<32x768xf32, #tpu.memory_space<hbm>>) target_semaphore(%arg14 : memref<!tpu.dma_semaphore, #tpu.memory_space<semaphore_mem>>)
    %dma_wait3A_70 = arith.constant 0 : i32
    %dma_wait3A_71 = arith.constant 0 : i32
    %dma_wait3A_72 = tpu.memref_slice %arg4[%select_n3A, %dma_wait3A_70, %dma_wait3A_71] : memref<4x8192x768xf32, #tpu.memory_space<hbm>> -> memref<1x8192x768xf32, #tpu.memory_space<hbm>>
    %dma_wait3A_73 = tpu.memref_squeeze %dma_wait3A_72 : memref<1x8192x768xf32, #tpu.memory_space<hbm>> -> memref<8192x768xf32, #tpu.memory_space<hbm>>
    %dma_wait3A_74 = arith.constant 0 : i32
    %dma_wait3A_75 = tpu.memref_slice %dma_wait3A_73[%add3A_57, %dma_wait3A_74] : memref<8192x768xf32, #tpu.memory_space<hbm>> -> memref<32x768xf32, #tpu.memory_space<hbm>>
    %dma_wait3A_76 = arith.constant 0 : i32
    %dma_wait3A_77 = arith.constant 0 : i32
    %dma_wait3A_78 = tpu.memref_slice %arg4[%select_n3A, %dma_wait3A_76, %dma_wait3A_77] : memref<4x8192x768xf32, #tpu.memory_space<hbm>> -> memref<1x8192x768xf32, #tpu.memory_space<hbm>>
    %dma_wait3A_79 = tpu.memref_squeeze %dma_wait3A_78 : memref<1x8192x768xf32, #tpu.memory_space<hbm>> -> memref<8192x768xf32, #tpu.memory_space<hbm>>
    %dma_wait3A_80 = arith.constant 0 : i32
    %dma_wait3A_81 = tpu.memref_slice %dma_wait3A_79[%add3A_57, %dma_wait3A_80] : memref<8192x768xf32, #tpu.memory_space<hbm>> -> memref<32x768xf32, #tpu.memory_space<hbm>>
    tpu.wait_dma2 semaphore(%arg14 : memref<!tpu.dma_semaphore, #tpu.memory_space<semaphore_mem>>) src(%arg6 : memref<32x768xf32, #tpu.memory_space<vmem>>) dst(%dma_wait3A_81 : memref<32x768xf32, #tpu.memory_space<hbm>>)
    %dma_start3A_82 = arith.constant 128 : i32
    %dma_start3A_83 = tpu.memref_slice %arg5[%dma_start3A_82] : memref<1024xi32, #tpu.memory_space<vmem>> -> memref<32xi32, #tpu.memory_space<vmem>>
    %dma_start3A_84 = arith.constant 0 : i32
    %dma_start3A_85 = arith.constant 0 : i32
    %dma_start3A_86 = tpu.memref_slice %arg3[%dma_start3A_84, %dma_start3A_85] : memref<8192x768xf32, #tpu.memory_space<hbm>> -> memref<8192x768xf32, #tpu.memory_space<hbm>>
    tpu.enqueue_indirect_dma source(%dma_start3A_86 : memref<8192x768xf32, #tpu.memory_space<hbm>>) target(%arg6 : memref<32x768xf32, #tpu.memory_space<vmem>>) offsets(%dma_start3A_83 : memref<32xi32, #tpu.memory_space<vmem>>) semaphore(%arg10 : memref<!tpu.dma_semaphore, #tpu.memory_space<semaphore_mem>>)
    %dma_wait3A_87 = arith.constant 32 : i32
    %dma_wait3A_88 = tpu.memref_slice %arg5[%dma_wait3A_87] : memref<1024xi32, #tpu.memory_space<vmem>> -> memref<32xi32, #tpu.memory_space<vmem>>
    %dma_wait3A_89 = arith.constant 0 : i32
    %dma_wait3A_90 = arith.constant 0 : i32
    %dma_wait3A_91 = tpu.memref_slice %arg3[%dma_wait3A_89, %dma_wait3A_90] : memref<8192x768xf32, #tpu.memory_space<hbm>> -> memref<8192x768xf32, #tpu.memory_space<hbm>>
    tpu.wait_indirect_dma semaphore(%arg11 : memref<!tpu.dma_semaphore, #tpu.memory_space<semaphore_mem>>) src(%dma_wait3A_91 : memref<8192x768xf32, #tpu.memory_space<hbm>>) dst(%arg7 : memref<32x768xf32, #tpu.memory_space<vmem>>)
    %add3A_92 = arith.constant 32 : i32
    %add3A_93 = arith.addi %mul3A_32, %add3A_92 : i32
    %dma_start3A_94 = arith.constant 0 : i32
    %dma_start3A_95 = arith.constant 0 : i32
    %dma_start3A_96 = tpu.memref_slice %arg4[%select_n3A, %dma_start3A_94, %dma_start3A_95] : memref<4x8192x768xf32, #tpu.memory_space<hbm>> -> memref<1x8192x768xf32, #tpu.memory_space<hbm>>
    %dma_start3A_97 = tpu.memref_squeeze %dma_start3A_96 : memref<1x8192x768xf32, #tpu.memory_space<hbm>> -> memref<8192x768xf32, #tpu.memory_space<hbm>>
    %dma_start3A_98 = arith.constant 0 : i32
    %dma_start3A_99 = tpu.memref_slice %dma_start3A_97[%add3A_93, %dma_start3A_98] : memref<8192x768xf32, #tpu.memory_space<hbm>> -> memref<32x768xf32, #tpu.memory_space<hbm>>
    %dma_start3A_100 = arith.constant 0 : i32
    %dma_start3A_101 = arith.constant 0 : i32
    %dma_start3A_102 = tpu.memref_slice %arg4[%select_n3A, %dma_start3A_100, %dma_start3A_101] : memref<4x8192x768xf32, #tpu.memory_space<hbm>> -> memref<1x8192x768xf32, #tpu.memory_space<hbm>>
    %dma_start3A_103 = tpu.memref_squeeze %dma_start3A_102 : memref<1x8192x768xf32, #tpu.memory_space<hbm>> -> memref<8192x768xf32, #tpu.memory_space<hbm>>
    %dma_start3A_104 = arith.constant 0 : i32
    %dma_start3A_105 = tpu.memref_slice %dma_start3A_103[%add3A_93, %dma_start3A_104] : memref<8192x768xf32, #tpu.memory_space<hbm>> -> memref<32x768xf32, #tpu.memory_space<hbm>>
    tpu.enqueue_dma source(%arg7 : memref<32x768xf32, #tpu.memory_space<vmem>>) target(%dma_start3A_105 : memref<32x768xf32, #tpu.memory_space<hbm>>) target_semaphore(%arg15 : memref<!tpu.dma_semaphore, #tpu.memory_space<semaphore_mem>>)
    %dma_wait3A_106 = arith.constant 0 : i32
    %dma_wait3A_107 = arith.constant 0 : i32
    %dma_wait3A_108 = tpu.memref_slice %arg4[%select_n3A, %dma_wait3A_106, %dma_wait3A_107] : memref<4x8192x768xf32, #tpu.memory_space<hbm>> -> memref<1x8192x768xf32, #tpu.memory_space<hbm>>
    %dma_wait3A_109 = tpu.memref_squeeze %dma_wait3A_108 : memref<1x8192x768xf32, #tpu.memory_space<hbm>> -> memref<8192x768xf32, #tpu.memory_space<hbm>>
    %dma_wait3A_110 = arith.constant 0 : i32
    %dma_wait3A_111 = tpu.memref_slice %dma_wait3A_109[%add3A_93, %dma_wait3A_110] : memref<8192x768xf32, #tpu.memory_space<hbm>> -> memref<32x768xf32, #tpu.memory_space<hbm>>
    %dma_wait3A_112 = arith.constant 0 : i32
    %dma_wait3A_113 = arith.constant 0 : i32
    %dma_wait3A_114 = tpu.memref_slice %arg4[%select_n3A, %dma_wait3A_112, %dma_wait3A_113] : memref<4x8192x768xf32, #tpu.memory_space<hbm>> -> memref<1x8192x768xf32, #tpu.memory_space<hbm>>
    %dma_wait3A_115 = tpu.memref_squeeze %dma_wait3A_114 : memref<1x8192x768xf32, #tpu.memory_space<hbm>> -> memref<8192x768xf32, #tpu.memory_space<hbm>>
    %dma_wait3A_116 = arith.constant 0 : i32
    %dma_wait3A_117 = tpu.memref_slice %dma_wait3A_115[%add3A_93, %dma_wait3A_116] : memref<8192x768xf32, #tpu.memory_space<hbm>> -> memref<32x768xf32, #tpu.memory_space<hbm>>
    tpu.wait_dma2 semaphore(%arg15 : memref<!tpu.dma_semaphore, #tpu.memory_space<semaphore_mem>>) src(%arg7 : memref<32x768xf32, #tpu.memory_space<vmem>>) dst(%dma_wait3A_117 : memref<32x768xf32, #tpu.memory_space<hbm>>)
    %dma_start3A_118 = arith.constant 160 : i32
    %dma_start3A_119 = tpu.memref_slice %arg5[%dma_start3A_118] : memref<1024xi32, #tpu.memory_space<vmem>> -> memref<32xi32, #tpu.memory_space<vmem>>
    %dma_start3A_120 = arith.constant 0 : i32
    %dma_start3A_121 = arith.constant 0 : i32
    %dma_start3A_122 = tpu.memref_slice %arg3[%dma_start3A_120, %dma_start3A_121] : memref<8192x768xf32, #tpu.memory_space<hbm>> -> memref<8192x768xf32, #tpu.memory_space<hbm>>
    tpu.enqueue_indirect_dma source(%dma_start3A_122 : memref<8192x768xf32, #tpu.memory_space<hbm>>) target(%arg7 : memref<32x768xf32, #tpu.memory_space<vmem>>) offsets(%dma_start3A_119 : memref<32xi32, #tpu.memory_space<vmem>>) semaphore(%arg11 : memref<!tpu.dma_semaphore, #tpu.memory_space<semaphore_mem>>)
    %dma_wait3A_123 = arith.constant 64 : i32
    %dma_wait3A_124 = tpu.memref_slice %arg5[%dma_wait3A_123] : memref<1024xi32, #tpu.memory_space<vmem>> -> memref<32xi32, #tpu.memory_space<vmem>>
    %dma_wait3A_125 = arith.constant 0 : i32
    %dma_wait3A_126 = arith.constant 0 : i32
    %dma_wait3A_127 = tpu.memref_slice %arg3[%dma_wait3A_125, %dma_wait3A_126] : memref<8192x768xf32, #tpu.memory_space<hbm>> -> memref<8192x768xf32, #tpu.memory_space<hbm>>
    tpu.wait_indirect_dma semaphore(%arg12 : memref<!tpu.dma_semaphore, #tpu.memory_space<semaphore_mem>>) src(%dma_wait3A_127 : memref<8192x768xf32, #tpu.memory_space<hbm>>) dst(%arg8 : memref<32x768xf32, #tpu.memory_space<vmem>>)
    %add3A_128 = arith.constant 64 : i32
    %add3A_129 = arith.addi %mul3A_32, %add3A_128 : i32
    %dma_start3A_130 = arith.constant 0 : i32
    %dma_start3A_131 = arith.constant 0 : i32
    %dma_start3A_132 = tpu.memref_slice %arg4[%select_n3A, %dma_start3A_130, %dma_start3A_131] : memref<4x8192x768xf32, #tpu.memory_space<hbm>> -> memref<1x8192x768xf32, #tpu.memory_space<hbm>>
    %dma_start3A_133 = tpu.memref_squeeze %dma_start3A_132 : memref<1x8192x768xf32, #tpu.memory_space<hbm>> -> memref<8192x768xf32, #tpu.memory_space<hbm>>
    %dma_start3A_134 = arith.constant 0 : i32
    %dma_start3A_135 = tpu.memref_slice %dma_start3A_133[%add3A_129, %dma_start3A_134] : memref<8192x768xf32, #tpu.memory_space<hbm>> -> memref<32x768xf32, #tpu.memory_space<hbm>>
    %dma_start3A_136 = arith.constant 0 : i32
    %dma_start3A_137 = arith.constant 0 : i32
    %dma_start3A_138 = tpu.memref_slice %arg4[%select_n3A, %dma_start3A_136, %dma_start3A_137] : memref<4x8192x768xf32, #tpu.memory_space<hbm>> -> memref<1x8192x768xf32, #tpu.memory_space<hbm>>
    %dma_start3A_139 = tpu.memref_squeeze %dma_start3A_138 : memref<1x8192x768xf32, #tpu.memory_space<hbm>> -> memref<8192x768xf32, #tpu.memory_space<hbm>>
    %dma_start3A_140 = arith.constant 0 : i32
    %dma_start3A_141 = tpu.memref_slice %dma_start3A_139[%add3A_129, %dma_start3A_140] : memref<8192x768xf32, #tpu.memory_space<hbm>> -> memref<32x768xf32, #tpu.memory_space<hbm>>
    tpu.enqueue_dma source(%arg8 : memref<32x768xf32, #tpu.memory_space<vmem>>) target(%dma_start3A_141 : memref<32x768xf32, #tpu.memory_space<hbm>>) target_semaphore(%arg16 : memref<!tpu.dma_semaphore, #tpu.memory_space<semaphore_mem>>)
    %dma_wait3A_142 = arith.constant 0 : i32
    %dma_wait3A_143 = arith.constant 0 : i32
    %dma_wait3A_144 = tpu.memref_slice %arg4[%select_n3A, %dma_wait3A_142, %dma_wait3A_143] : memref<4x8192x768xf32, #tpu.memory_space<hbm>> -> memref<1x8192x768xf32, #tpu.memory_space<hbm>>
    %dma_wait3A_145 = tpu.memref_squeeze %dma_wait3A_144 : memref<1x8192x768xf32, #tpu.memory_space<hbm>> -> memref<8192x768xf32, #tpu.memory_space<hbm>>
    %dma_wait3A_146 = arith.constant 0 : i32
    %dma_wait3A_147 = tpu.memref_slice %dma_wait3A_145[%add3A_129, %dma_wait3A_146] : memref<8192x768xf32, #tpu.memory_space<hbm>> -> memref<32x768xf32, #tpu.memory_space<hbm>>
    %dma_wait3A_148 = arith.constant 0 : i32
    %dma_wait3A_149 = arith.constant 0 : i32
    %dma_wait3A_150 = tpu.memref_slice %arg4[%select_n3A, %dma_wait3A_148, %dma_wait3A_149] : memref<4x8192x768xf32, #tpu.memory_space<hbm>> -> memref<1x8192x768xf32, #tpu.memory_space<hbm>>
    %dma_wait3A_151 = tpu.memref_squeeze %dma_wait3A_150 : memref<1x8192x768xf32, #tpu.memory_space<hbm>> -> memref<8192x768xf32, #tpu.memory_space<hbm>>
    %dma_wait3A_152 = arith.constant 0 : i32
    %dma_wait3A_153 = tpu.memref_slice %dma_wait3A_151[%add3A_129, %dma_wait3A_152] : memref<8192x768xf32, #tpu.memory_space<hbm>> -> memref<32x768xf32, #tpu.memory_space<hbm>>
    tpu.wait_dma2 semaphore(%arg16 : memref<!tpu.dma_semaphore, #tpu.memory_space<semaphore_mem>>) src(%arg8 : memref<32x768xf32, #tpu.memory_space<vmem>>) dst(%dma_wait3A_153 : memref<32x768xf32, #tpu.memory_space<hbm>>)
    %dma_start3A_154 = arith.constant 192 : i32
    %dma_start3A_155 = tpu.memref_slice %arg5[%dma_start3A_154] : memref<1024xi32, #tpu.memory_space<vmem>> -> memref<32xi32, #tpu.memory_space<vmem>>
    %dma_start3A_156 = arith.constant 0 : i32
    %dma_start3A_157 = arith.constant 0 : i32
    %dma_start3A_158 = tpu.memref_slice %arg3[%dma_start3A_156, %dma_start3A_157] : memref<8192x768xf32, #tpu.memory_space<hbm>> -> memref<8192x768xf32, #tpu.memory_space<hbm>>
    tpu.enqueue_indirect_dma source(%dma_start3A_158 : memref<8192x768xf32, #tpu.memory_space<hbm>>) target(%arg8 : memref<32x768xf32, #tpu.memory_space<vmem>>) offsets(%dma_start3A_155 : memref<32xi32, #tpu.memory_space<vmem>>) semaphore(%arg12 : memref<!tpu.dma_semaphore, #tpu.memory_space<semaphore_mem>>)
    %dma_wait3A_159 = arith.constant 96 : i32
    %dma_wait3A_160 = tpu.memref_slice %arg5[%dma_wait3A_159] : memref<1024xi32, #tpu.memory_space<vmem>> -> memref<32xi32, #tpu.memory_space<vmem>>
    %dma_wait3A_161 = arith.constant 0 : i32
    %dma_wait3A_162 = arith.constant 0 : i32
    %dma_wait3A_163 = tpu.memref_slice %arg3[%dma_wait3A_161, %dma_wait3A_162] : memref<8192x768xf32, #tpu.memory_space<hbm>> -> memref<8192x768xf32, #tpu.memory_space<hbm>>
    tpu.wait_indirect_dma semaphore(%arg13 : memref<!tpu.dma_semaphore, #tpu.memory_space<semaphore_mem>>) src(%dma_wait3A_163 : memref<8192x768xf32, #tpu.memory_space<hbm>>) dst(%arg9 : memref<32x768xf32, #tpu.memory_space<vmem>>)
    %add3A_164 = arith.constant 96 : i32
    %add3A_165 = arith.addi %mul3A_32, %add3A_164 : i32
    %dma_start3A_166 = arith.constant 0 : i32
    %dma_start3A_167 = arith.constant 0 : i32
    %dma_start3A_168 = tpu.memref_slice %arg4[%select_n3A, %dma_start3A_166, %dma_start3A_167] : memref<4x8192x768xf32, #tpu.memory_space<hbm>> -> memref<1x8192x768xf32, #tpu.memory_space<hbm>>
    %dma_start3A_169 = tpu.memref_squeeze %dma_start3A_168 : memref<1x8192x768xf32, #tpu.memory_space<hbm>> -> memref<8192x768xf32, #tpu.memory_space<hbm>>
    %dma_start3A_170 = arith.constant 0 : i32
    %dma_start3A_171 = tpu.memref_slice %dma_start3A_169[%add3A_165, %dma_start3A_170] : memref<8192x768xf32, #tpu.memory_space<hbm>> -> memref<32x768xf32, #tpu.memory_space<hbm>>
    %dma_start3A_172 = arith.constant 0 : i32
    %dma_start3A_173 = arith.constant 0 : i32
    %dma_start3A_174 = tpu.memref_slice %arg4[%select_n3A, %dma_start3A_172, %dma_start3A_173] : memref<4x8192x768xf32, #tpu.memory_space<hbm>> -> memref<1x8192x768xf32, #tpu.memory_space<hbm>>
    %dma_start3A_175 = tpu.memref_squeeze %dma_start3A_174 : memref<1x8192x768xf32, #tpu.memory_space<hbm>> -> memref<8192x768xf32, #tpu.memory_space<hbm>>
    %dma_start3A_176 = arith.constant 0 : i32
    %dma_start3A_177 = tpu.memref_slice %dma_start3A_175[%add3A_165, %dma_start3A_176] : memref<8192x768xf32, #tpu.memory_space<hbm>> -> memref<32x768xf32, #tpu.memory_space<hbm>>
    tpu.enqueue_dma source(%arg9 : memref<32x768xf32, #tpu.memory_space<vmem>>) target(%dma_start3A_177 : memref<32x768xf32, #tpu.memory_space<hbm>>) target_semaphore(%arg17 : memref<!tpu.dma_semaphore, #tpu.memory_space<semaphore_mem>>)
    %dma_wait3A_178 = arith.constant 0 : i32
    %dma_wait3A_179 = arith.constant 0 : i32
    %dma_wait3A_180 = tpu.memref_slice %arg4[%select_n3A, %dma_wait3A_178, %dma_wait3A_179] : memref<4x8192x768xf32, #tpu.memory_space<hbm>> -> memref<1x8192x768xf32, #tpu.memory_space<hbm>>
    %dma_wait3A_181 = tpu.memref_squeeze %dma_wait3A_180 : memref<1x8192x768xf32, #tpu.memory_space<hbm>> -> memref<8192x768xf32, #tpu.memory_space<hbm>>
    %dma_wait3A_182 = arith.constant 0 : i32
    %dma_wait3A_183 = tpu.memref_slice %dma_wait3A_181[%add3A_165, %dma_wait3A_182] : memref<8192x768xf32, #tpu.memory_space<hbm>> -> memref<32x768xf32, #tpu.memory_space<hbm>>
    %dma_wait3A_184 = arith.constant 0 : i32
    %dma_wait3A_185 = arith.constant 0 : i32
    %dma_wait3A_186 = tpu.memref_slice %arg4[%select_n3A, %dma_wait3A_184, %dma_wait3A_185] : memref<4x8192x768xf32, #tpu.memory_space<hbm>> -> memref<1x8192x768xf32, #tpu.memory_space<hbm>>
    %dma_wait3A_187 = tpu.memref_squeeze %dma_wait3A_186 : memref<1x8192x768xf32, #tpu.memory_space<hbm>> -> memref<8192x768xf32, #tpu.memory_space<hbm>>
    %dma_wait3A_188 = arith.constant 0 : i32
    %dma_wait3A_189 = tpu.memref_slice %dma_wait3A_187[%add3A_165, %dma_wait3A_188] : memref<8192x768xf32, #tpu.memory_space<hbm>> -> memref<32x768xf32, #tpu.memory_space<hbm>>
    tpu.wait_dma2 semaphore(%arg17 : memref<!tpu.dma_semaphore, #tpu.memory_space<semaphore_mem>>) src(%arg9 : memref<32x768xf32, #tpu.memory_space<vmem>>) dst(%dma_wait3A_189 : memref<32x768xf32, #tpu.memory_space<hbm>>)
    %dma_start3A_190 = arith.constant 224 : i32
    %dma_start3A_191 = tpu.memref_slice %arg5[%dma_start3A_190] : memref<1024xi32, #tpu.memory_space<vmem>> -> memref<32xi32, #tpu.memory_space<vmem>>
    %dma_start3A_192 = arith.constant 0 : i32
    %dma_start3A_193 = arith.constant 0 : i32
    %dma_start3A_194 = tpu.memref_slice %arg3[%dma_start3A_192, %dma_start3A_193] : memref<8192x768xf32, #tpu.memory_space<hbm>> -> memref<8192x768xf32, #tpu.memory_space<hbm>>
    tpu.enqueue_indirect_dma source(%dma_start3A_194 : memref<8192x768xf32, #tpu.memory_space<hbm>>) target(%arg9 : memref<32x768xf32, #tpu.memory_space<vmem>>) offsets(%dma_start3A_191 : memref<32xi32, #tpu.memory_space<vmem>>) semaphore(%arg13 : memref<!tpu.dma_semaphore, #tpu.memory_space<semaphore_mem>>)
    %dma_wait3A_195 = arith.constant 128 : i32
    %dma_wait3A_196 = tpu.memref_slice %arg5[%dma_wait3A_195] : memref<1024xi32, #tpu.memory_space<vmem>> -> memref<32xi32, #tpu.memory_space<vmem>>
    %dma_wait3A_197 = arith.constant 0 : i32
    %dma_wait3A_198 = arith.constant 0 : i32
    %dma_wait3A_199 = tpu.memref_slice %arg3[%dma_wait3A_197, %dma_wait3A_198] : memref<8192x768xf32, #tpu.memory_space<hbm>> -> memref<8192x768xf32, #tpu.memory_space<hbm>>
    tpu.wait_indirect_dma semaphore(%arg10 : memref<!tpu.dma_semaphore, #tpu.memory_space<semaphore_mem>>) src(%dma_wait3A_199 : memref<8192x768xf32, #tpu.memory_space<hbm>>) dst(%arg6 : memref<32x768xf32, #tpu.memory_space<vmem>>)
    %add3A_200 = arith.constant 128 : i32
    %add3A_201 = arith.addi %mul3A_32, %add3A_200 : i32
    %dma_start3A_202 = arith.constant 0 : i32
    %dma_start3A_203 = arith.constant 0 : i32
    %dma_start3A_204 = tpu.memref_slice %arg4[%select_n3A, %dma_start3A_202, %dma_start3A_203] : memref<4x8192x768xf32, #tpu.memory_space<hbm>> -> memref<1x8192x768xf32, #tpu.memory_space<hbm>>
    %dma_start3A_205 = tpu.memref_squeeze %dma_start3A_204 : memref<1x8192x768xf32, #tpu.memory_space<hbm>> -> memref<8192x768xf32, #tpu.memory_space<hbm>>
    %dma_start3A_206 = arith.constant 0 : i32
    %dma_start3A_207 = tpu.memref_slice %dma_start3A_205[%add3A_201, %dma_start3A_206] : memref<8192x768xf32, #tpu.memory_space<hbm>> -> memref<32x768xf32, #tpu.memory_space<hbm>>
    %dma_start3A_208 = arith.constant 0 : i32
    %dma_start3A_209 = arith.constant 0 : i32
    %dma_start3A_210 = tpu.memref_slice %arg4[%select_n3A, %dma_start3A_208, %dma_start3A_209] : memref<4x8192x768xf32, #tpu.memory_space<hbm>> -> memref<1x8192x768xf32, #tpu.memory_space<hbm>>
    %dma_start3A_211 = tpu.memref_squeeze %dma_start3A_210 : memref<1x8192x768xf32, #tpu.memory_space<hbm>> -> memref<8192x768xf32, #tpu.memory_space<hbm>>
    %dma_start3A_212 = arith.constant 0 : i32
    %dma_start3A_213 = tpu.memref_slice %dma_start3A_211[%add3A_201, %dma_start3A_212] : memref<8192x768xf32, #tpu.memory_space<hbm>> -> memref<32x768xf32, #tpu.memory_space<hbm>>
    tpu.enqueue_dma source(%arg6 : memref<32x768xf32, #tpu.memory_space<vmem>>) target(%dma_start3A_213 : memref<32x768xf32, #tpu.memory_space<hbm>>) target_semaphore(%arg14 : memref<!tpu.dma_semaphore, #tpu.memory_space<semaphore_mem>>)
    %dma_wait3A_214 = arith.constant 0 : i32
    %dma_wait3A_215 = arith.constant 0 : i32
    %dma_wait3A_216 = tpu.memref_slice %arg4[%select_n3A, %dma_wait3A_214, %dma_wait3A_215] : memref<4x8192x768xf32, #tpu.memory_space<hbm>> -> memref<1x8192x768xf32, #tpu.memory_space<hbm>>
    %dma_wait3A_217 = tpu.memref_squeeze %dma_wait3A_216 : memref<1x8192x768xf32, #tpu.memory_space<hbm>> -> memref<8192x768xf32, #tpu.memory_space<hbm>>
    %dma_wait3A_218 = arith.constant 0 : i32
    %dma_wait3A_219 = tpu.memref_slice %dma_wait3A_217[%add3A_201, %dma_wait3A_218] : memref<8192x768xf32, #tpu.memory_space<hbm>> -> memref<32x768xf32, #tpu.memory_space<hbm>>
    %dma_wait3A_220 = arith.constant 0 : i32
    %dma_wait3A_221 = arith.constant 0 : i32
    %dma_wait3A_222 = tpu.memref_slice %arg4[%select_n3A, %dma_wait3A_220, %dma_wait3A_221] : memref<4x8192x768xf32, #tpu.memory_space<hbm>> -> memref<1x8192x768xf32, #tpu.memory_space<hbm>>
    %dma_wait3A_223 = tpu.memref_squeeze %dma_wait3A_222 : memref<1x8192x768xf32, #tpu.memory_space<hbm>> -> memref<8192x768xf32, #tpu.memory_space<hbm>>
    %dma_wait3A_224 = arith.constant 0 : i32
    %dma_wait3A_225 = tpu.memref_slice %dma_wait3A_223[%add3A_201, %dma_wait3A_224] : memref<8192x768xf32, #tpu.memory_space<hbm>> -> memref<32x768xf32, #tpu.memory_space<hbm>>
    tpu.wait_dma2 semaphore(%arg14 : memref<!tpu.dma_semaphore, #tpu.memory_space<semaphore_mem>>) src(%arg6 : memref<32x768xf32, #tpu.memory_space<vmem>>) dst(%dma_wait3A_225 : memref<32x768xf32, #tpu.memory_space<hbm>>)
    %dma_start3A_226 = arith.constant 256 : i32
    %dma_start3A_227 = tpu.memref_slice %arg5[%dma_start3A_226] : memref<1024xi32, #tpu.memory_space<vmem>> -> memref<32xi32, #tpu.memory_space<vmem>>
    %dma_start3A_228 = arith.constant 0 : i32
    %dma_start3A_229 = arith.constant 0 : i32
    %dma_start3A_230 = tpu.memref_slice %arg3[%dma_start3A_228, %dma_start3A_229] : memref<8192x768xf32, #tpu.memory_space<hbm>> -> memref<8192x768xf32, #tpu.memory_space<hbm>>
    tpu.enqueue_indirect_dma source(%dma_start3A_230 : memref<8192x768xf32, #tpu.memory_space<hbm>>) target(%arg6 : memref<32x768xf32, #tpu.memory_space<vmem>>) offsets(%dma_start3A_227 : memref<32xi32, #tpu.memory_space<vmem>>) semaphore(%arg10 : memref<!tpu.dma_semaphore, #tpu.memory_space<semaphore_mem>>)
    %dma_wait3A_231 = arith.constant 160 : i32
    %dma_wait3A_232 = tpu.memref_slice %arg5[%dma_wait3A_231] : memref<1024xi32, #tpu.memory_space<vmem>> -> memref<32xi32, #tpu.memory_space<vmem>>
    %dma_wait3A_233 = arith.constant 0 : i32
    %dma_wait3A_234 = arith.constant 0 : i32
    %dma_wait3A_235 = tpu.memref_slice %arg3[%dma_wait3A_233, %dma_wait3A_234] : memref<8192x768xf32, #tpu.memory_space<hbm>> -> memref<8192x768xf32, #tpu.memory_space<hbm>>
    tpu.wait_indirect_dma semaphore(%arg11 : memref<!tpu.dma_semaphore, #tpu.memory_space<semaphore_mem>>) src(%dma_wait3A_235 : memref<8192x768xf32, #tpu.memory_space<hbm>>) dst(%arg7 : memref<32x768xf32, #tpu.memory_space<vmem>>)
    %add3A_236 = arith.constant 160 : i32
    %add3A_237 = arith.addi %mul3A_32, %add3A_236 : i32
    %dma_start3A_238 = arith.constant 0 : i32
    %dma_start3A_239 = arith.constant 0 : i32
    %dma_start3A_240 = tpu.memref_slice %arg4[%select_n3A, %dma_start3A_238, %dma_start3A_239] : memref<4x8192x768xf32, #tpu.memory_space<hbm>> -> memref<1x8192x768xf32, #tpu.memory_space<hbm>>
    %dma_start3A_241 = tpu.memref_squeeze %dma_start3A_240 : memref<1x8192x768xf32, #tpu.memory_space<hbm>> -> memref<8192x768xf32, #tpu.memory_space<hbm>>
    %dma_start3A_242 = arith.constant 0 : i32
    %dma_start3A_243 = tpu.memref_slice %dma_start3A_241[%add3A_237, %dma_start3A_242] : memref<8192x768xf32, #tpu.memory_space<hbm>> -> memref<32x768xf32, #tpu.memory_space<hbm>>
    %dma_start3A_244 = arith.constant 0 : i32
    %dma_start3A_245 = arith.constant 0 : i32
    %dma_start3A_246 = tpu.memref_slice %arg4[%select_n3A, %dma_start3A_244, %dma_start3A_245] : memref<4x8192x768xf32, #tpu.memory_space<hbm>> -> memref<1x8192x768xf32, #tpu.memory_space<hbm>>
    %dma_start3A_247 = tpu.memref_squeeze %dma_start3A_246 : memref<1x8192x768xf32, #tpu.memory_space<hbm>> -> memref<8192x768xf32, #tpu.memory_space<hbm>>
    %dma_start3A_248 = arith.constant 0 : i32
    %dma_start3A_249 = tpu.memref_slice %dma_start3A_247[%add3A_237, %dma_start3A_248] : memref<8192x768xf32, #tpu.memory_space<hbm>> -> memref<32x768xf32, #tpu.memory_space<hbm>>
    tpu.enqueue_dma source(%arg7 : memref<32x768xf32, #tpu.memory_space<vmem>>) target(%dma_start3A_249 : memref<32x768xf32, #tpu.memory_space<hbm>>) target_semaphore(%arg15 : memref<!tpu.dma_semaphore, #tpu.memory_space<semaphore_mem>>)
    %dma_wait3A_250 = arith.constant 0 : i32
    %dma_wait3A_251 = arith.constant 0 : i32
    %dma_wait3A_252 = tpu.memref_slice %arg4[%select_n3A, %dma_wait3A_250, %dma_wait3A_251] : memref<4x8192x768xf32, #tpu.memory_space<hbm>> -> memref<1x8192x768xf32, #tpu.memory_space<hbm>>
    %dma_wait3A_253 = tpu.memref_squeeze %dma_wait3A_252 : memref<1x8192x768xf32, #tpu.memory_space<hbm>> -> memref<8192x768xf32, #tpu.memory_space<hbm>>
    %dma_wait3A_254 = arith.constant 0 : i32
    %dma_wait3A_255 = tpu.memref_slice %dma_wait3A_253[%add3A_237, %dma_wait3A_254] : memref<8192x768xf32, #tpu.memory_space<hbm>> -> memref<32x768xf32, #tpu.memory_space<hbm>>
    %dma_wait3A_256 = arith.constant 0 : i32
    %dma_wait3A_257 = arith.constant 0 : i32
    %dma_wait3A_258 = tpu.memref_slice %arg4[%select_n3A, %dma_wait3A_256, %dma_wait3A_257] : memref<4x8192x768xf32, #tpu.memory_space<hbm>> -> memref<1x8192x768xf32, #tpu.memory_space<hbm>>
    %dma_wait3A_259 = tpu.memref_squeeze %dma_wait3A_258 : memref<1x8192x768xf32, #tpu.memory_space<hbm>> -> memref<8192x768xf32, #tpu.memory_space<hbm>>
    %dma_wait3A_260 = arith.constant 0 : i32
    %dma_wait3A_261 = tpu.memref_slice %dma_wait3A_259[%add3A_237, %dma_wait3A_260] : memref<8192x768xf32, #tpu.memory_space<hbm>> -> memref<32x768xf32, #tpu.memory_space<hbm>>
    tpu.wait_dma2 semaphore(%arg15 : memref<!tpu.dma_semaphore, #tpu.memory_space<semaphore_mem>>) src(%arg7 : memref<32x768xf32, #tpu.memory_space<vmem>>) dst(%dma_wait3A_261 : memref<32x768xf32, #tpu.memory_space<hbm>>)
    %dma_start3A_262 = arith.constant 288 : i32
    %dma_start3A_263 = tpu.memref_slice %arg5[%dma_start3A_262] : memref<1024xi32, #tpu.memory_space<vmem>> -> memref<32xi32, #tpu.memory_space<vmem>>
    %dma_start3A_264 = arith.constant 0 : i32
    %dma_start3A_265 = arith.constant 0 : i32
    %dma_start3A_266 = tpu.memref_slice %arg3[%dma_start3A_264, %dma_start3A_265] : memref<8192x768xf32, #tpu.memory_space<hbm>> -> memref<8192x768xf32, #tpu.memory_space<hbm>>
    tpu.enqueue_indirect_dma source(%dma_start3A_266 : memref<8192x768xf32, #tpu.memory_space<hbm>>) target(%arg7 : memref<32x768xf32, #tpu.memory_space<vmem>>) offsets(%dma_start3A_263 : memref<32xi32, #tpu.memory_space<vmem>>) semaphore(%arg11 : memref<!tpu.dma_semaphore, #tpu.memory_space<semaphore_mem>>)
    %dma_wait3A_267 = arith.constant 192 : i32
    %dma_wait3A_268 = tpu.memref_slice %arg5[%dma_wait3A_267] : memref<1024xi32, #tpu.memory_space<vmem>> -> memref<32xi32, #tpu.memory_space<vmem>>
    %dma_wait3A_269 = arith.constant 0 : i32
    %dma_wait3A_270 = arith.constant 0 : i32
    %dma_wait3A_271 = tpu.memref_slice %arg3[%dma_wait3A_269, %dma_wait3A_270] : memref<8192x768xf32, #tpu.memory_space<hbm>> -> memref<8192x768xf32, #tpu.memory_space<hbm>>
    tpu.wait_indirect_dma semaphore(%arg12 : memref<!tpu.dma_semaphore, #tpu.memory_space<semaphore_mem>>) src(%dma_wait3A_271 : memref<8192x768xf32, #tpu.memory_space<hbm>>) dst(%arg8 : memref<32x768xf32, #tpu.memory_space<vmem>>)
    %add3A_272 = arith.constant 192 : i32
    %add3A_273 = arith.addi %mul3A_32, %add3A_272 : i32
    %dma_start3A_274 = arith.constant 0 : i32
    %dma_start3A_275 = arith.constant 0 : i32
    %dma_start3A_276 = tpu.memref_slice %arg4[%select_n3A, %dma_start3A_274, %dma_start3A_275] : memref<4x8192x768xf32, #tpu.memory_space<hbm>> -> memref<1x8192x768xf32, #tpu.memory_space<hbm>>
    %dma_start3A_277 = tpu.memref_squeeze %dma_start3A_276 : memref<1x8192x768xf32, #tpu.memory_space<hbm>> -> memref<8192x768xf32, #tpu.memory_space<hbm>>
    %dma_start3A_278 = arith.constant 0 : i32
    %dma_start3A_279 = tpu.memref_slice %dma_start3A_277[%add3A_273, %dma_start3A_278] : memref<8192x768xf32, #tpu.memory_space<hbm>> -> memref<32x768xf32, #tpu.memory_space<hbm>>
    %dma_start3A_280 = arith.constant 0 : i32
    %dma_start3A_281 = arith.constant 0 : i32
    %dma_start3A_282 = tpu.memref_slice %arg4[%select_n3A, %dma_start3A_280, %dma_start3A_281] : memref<4x8192x768xf32, #tpu.memory_space<hbm>> -> memref<1x8192x768xf32, #tpu.memory_space<hbm>>
    %dma_start3A_283 = tpu.memref_squeeze %dma_start3A_282 : memref<1x8192x768xf32, #tpu.memory_space<hbm>> -> memref<8192x768xf32, #tpu.memory_space<hbm>>
    %dma_start3A_284 = arith.constant 0 : i32
    %dma_start3A_285 = tpu.memref_slice %dma_start3A_283[%add3A_273, %dma_start3A_284] : memref<8192x768xf32, #tpu.memory_space<hbm>> -> memref<32x768xf32, #tpu.memory_space<hbm>>
    tpu.enqueue_dma source(%arg8 : memref<32x768xf32, #tpu.memory_space<vmem>>) target(%dma_start3A_285 : memref<32x768xf32, #tpu.memory_space<hbm>>) target_semaphore(%arg16 : memref<!tpu.dma_semaphore, #tpu.memory_space<semaphore_mem>>)
    %dma_wait3A_286 = arith.constant 0 : i32
    %dma_wait3A_287 = arith.constant 0 : i32
    %dma_wait3A_288 = tpu.memref_slice %arg4[%select_n3A, %dma_wait3A_286, %dma_wait3A_287] : memref<4x8192x768xf32, #tpu.memory_space<hbm>> -> memref<1x8192x768xf32, #tpu.memory_space<hbm>>
    %dma_wait3A_289 = tpu.memref_squeeze %dma_wait3A_288 : memref<1x8192x768xf32, #tpu.memory_space<hbm>> -> memref<8192x768xf32, #tpu.memory_space<hbm>>
    %dma_wait3A_290 = arith.constant 0 : i32
    %dma_wait3A_291 = tpu.memref_slice %dma_wait3A_289[%add3A_273, %dma_wait3A_290] : memref<8192x768xf32, #tpu.memory_space<hbm>> -> memref<32x768xf32, #tpu.memory_space<hbm>>
    %dma_wait3A_292 = arith.constant 0 : i32
    %dma_wait3A_293 = arith.constant 0 : i32
    %dma_wait3A_294 = tpu.memref_slice %arg4[%select_n3A, %dma_wait3A_292, %dma_wait3A_293] : memref<4x8192x768xf32, #tpu.memory_space<hbm>> -> memref<1x8192x768xf32, #tpu.memory_space<hbm>>
    %dma_wait3A_295 = tpu.memref_squeeze %dma_wait3A_294 : memref<1x8192x768xf32, #tpu.memory_space<hbm>> -> memref<8192x768xf32, #tpu.memory_space<hbm>>
    %dma_wait3A_296 = arith.constant 0 : i32
    %dma_wait3A_297 = tpu.memref_slice %dma_wait3A_295[%add3A_273, %dma_wait3A_296] : memref<8192x768xf32, #tpu.memory_space<hbm>> -> memref<32x768xf32, #tpu.memory_space<hbm>>
    tpu.wait_dma2 semaphore(%arg16 : memref<!tpu.dma_semaphore, #tpu.memory_space<semaphore_mem>>) src(%arg8 : memref<32x768xf32, #tpu.memory_space<vmem>>) dst(%dma_wait3A_297 : memref<32x768xf32, #tpu.memory_space<hbm>>)
    %dma_start3A_298 = arith.constant 320 : i32
    %dma_start3A_299 = tpu.memref_slice %arg5[%dma_start3A_298] : memref<1024xi32, #tpu.memory_space<vmem>> -> memref<32xi32, #tpu.memory_space<vmem>>
    %dma_start3A_300 = arith.constant 0 : i32
    %dma_start3A_301 = arith.constant 0 : i32
    %dma_start3A_302 = tpu.memref_slice %arg3[%dma_start3A_300, %dma_start3A_301] : memref<8192x768xf32, #tpu.memory_space<hbm>> -> memref<8192x768xf32, #tpu.memory_space<hbm>>
    tpu.enqueue_indirect_dma source(%dma_start3A_302 : memref<8192x768xf32, #tpu.memory_space<hbm>>) target(%arg8 : memref<32x768xf32, #tpu.memory_space<vmem>>) offsets(%dma_start3A_299 : memref<32xi32, #tpu.memory_space<vmem>>) semaphore(%arg12 : memref<!tpu.dma_semaphore, #tpu.memory_space<semaphore_mem>>)
    %dma_wait3A_303 = arith.constant 224 : i32
    %dma_wait3A_304 = tpu.memref_slice %arg5[%dma_wait3A_303] : memref<1024xi32, #tpu.memory_space<vmem>> -> memref<32xi32, #tpu.memory_space<vmem>>
    %dma_wait3A_305 = arith.constant 0 : i32
    %dma_wait3A_306 = arith.constant 0 : i32
    %dma_wait3A_307 = tpu.memref_slice %arg3[%dma_wait3A_305, %dma_wait3A_306] : memref<8192x768xf32, #tpu.memory_space<hbm>> -> memref<8192x768xf32, #tpu.memory_space<hbm>>
    tpu.wait_indirect_dma semaphore(%arg13 : memref<!tpu.dma_semaphore, #tpu.memory_space<semaphore_mem>>) src(%dma_wait3A_307 : memref<8192x768xf32, #tpu.memory_space<hbm>>) dst(%arg9 : memref<32x768xf32, #tpu.memory_space<vmem>>)
    %add3A_308 = arith.constant 224 : i32
    %add3A_309 = arith.addi %mul3A_32, %add3A_308 : i32
    %dma_start3A_310 = arith.constant 0 : i32
    %dma_start3A_311 = arith.constant 0 : i32
    %dma_start3A_312 = tpu.memref_slice %arg4[%select_n3A, %dma_start3A_310, %dma_start3A_311] : memref<4x8192x768xf32, #tpu.memory_space<hbm>> -> memref<1x8192x768xf32, #tpu.memory_space<hbm>>
    %dma_start3A_313 = tpu.memref_squeeze %dma_start3A_312 : memref<1x8192x768xf32, #tpu.memory_space<hbm>> -> memref<8192x768xf32, #tpu.memory_space<hbm>>
    %dma_start3A_314 = arith.constant 0 : i32
    %dma_start3A_315 = tpu.memref_slice %dma_start3A_313[%add3A_309, %dma_start3A_314] : memref<8192x768xf32, #tpu.memory_space<hbm>> -> memref<32x768xf32, #tpu.memory_space<hbm>>
    %dma_start3A_316 = arith.constant 0 : i32
    %dma_start3A_317 = arith.constant 0 : i32
    %dma_start3A_318 = tpu.memref_slice %arg4[%select_n3A, %dma_start3A_316, %dma_start3A_317] : memref<4x8192x768xf32, #tpu.memory_space<hbm>> -> memref<1x8192x768xf32, #tpu.memory_space<hbm>>
    %dma_start3A_319 = tpu.memref_squeeze %dma_start3A_318 : memref<1x8192x768xf32, #tpu.memory_space<hbm>> -> memref<8192x768xf32, #tpu.memory_space<hbm>>
    %dma_start3A_320 = arith.constant 0 : i32
    %dma_start3A_321 = tpu.memref_slice %dma_start3A_319[%add3A_309, %dma_start3A_320] : memref<8192x768xf32, #tpu.memory_space<hbm>> -> memref<32x768xf32, #tpu.memory_space<hbm>>
    tpu.enqueue_dma source(%arg9 : memref<32x768xf32, #tpu.memory_space<vmem>>) target(%dma_start3A_321 : memref<32x768xf32, #tpu.memory_space<hbm>>) target_semaphore(%arg17 : memref<!tpu.dma_semaphore, #tpu.memory_space<semaphore_mem>>)
    %dma_wait3A_322 = arith.constant 0 : i32
    %dma_wait3A_323 = arith.constant 0 : i32
    %dma_wait3A_324 = tpu.memref_slice %arg4[%select_n3A, %dma_wait3A_322, %dma_wait3A_323] : memref<4x8192x768xf32, #tpu.memory_space<hbm>> -> memref<1x8192x768xf32, #tpu.memory_space<hbm>>
    %dma_wait3A_325 = tpu.memref_squeeze %dma_wait3A_324 : memref<1x8192x768xf32, #tpu.memory_space<hbm>> -> memref<8192x768xf32, #tpu.memory_space<hbm>>
    %dma_wait3A_326 = arith.constant 0 : i32
    %dma_wait3A_327 = tpu.memref_slice %dma_wait3A_325[%add3A_309, %dma_wait3A_326] : memref<8192x768xf32, #tpu.memory_space<hbm>> -> memref<32x768xf32, #tpu.memory_space<hbm>>
    %dma_wait3A_328 = arith.constant 0 : i32
    %dma_wait3A_329 = arith.constant 0 : i32
    %dma_wait3A_330 = tpu.memref_slice %arg4[%select_n3A, %dma_wait3A_328, %dma_wait3A_329] : memref<4x8192x768xf32, #tpu.memory_space<hbm>> -> memref<1x8192x768xf32, #tpu.memory_space<hbm>>
    %dma_wait3A_331 = tpu.memref_squeeze %dma_wait3A_330 : memref<1x8192x768xf32, #tpu.memory_space<hbm>> -> memref<8192x768xf32, #tpu.memory_space<hbm>>
    %dma_wait3A_332 = arith.constant 0 : i32
    %dma_wait3A_333 = tpu.memref_slice %dma_wait3A_331[%add3A_309, %dma_wait3A_332] : memref<8192x768xf32, #tpu.memory_space<hbm>> -> memref<32x768xf32, #tpu.memory_space<hbm>>
    tpu.wait_dma2 semaphore(%arg17 : memref<!tpu.dma_semaphore, #tpu.memory_space<semaphore_mem>>) src(%arg9 : memref<32x768xf32, #tpu.memory_space<vmem>>) dst(%dma_wait3A_333 : memref<32x768xf32, #tpu.memory_space<hbm>>)
    %dma_start3A_334 = arith.constant 352 : i32
    %dma_start3A_335 = tpu.memref_slice %arg5[%dma_start3A_334] : memref<1024xi32, #tpu.memory_space<vmem>> -> memref<32xi32, #tpu.memory_space<vmem>>
    %dma_start3A_336 = arith.constant 0 : i32
    %dma_start3A_337 = arith.constant 0 : i32
    %dma_start3A_338 = tpu.memref_slice %arg3[%dma_start3A_336, %dma_start3A_337] : memref<8192x768xf32, #tpu.memory_space<hbm>> -> memref<8192x768xf32, #tpu.memory_space<hbm>>
    tpu.enqueue_indirect_dma source(%dma_start3A_338 : memref<8192x768xf32, #tpu.memory_space<hbm>>) target(%arg9 : memref<32x768xf32, #tpu.memory_space<vmem>>) offsets(%dma_start3A_335 : memref<32xi32, #tpu.memory_space<vmem>>) semaphore(%arg13 : memref<!tpu.dma_semaphore, #tpu.memory_space<semaphore_mem>>)
    %dma_wait3A_339 = arith.constant 256 : i32
    %dma_wait3A_340 = tpu.memref_slice %arg5[%dma_wait3A_339] : memref<1024xi32, #tpu.memory_space<vmem>> -> memref<32xi32, #tpu.memory_space<vmem>>
    %dma_wait3A_341 = arith.constant 0 : i32
    %dma_wait3A_342 = arith.constant 0 : i32
    %dma_wait3A_343 = tpu.memref_slice %arg3[%dma_wait3A_341, %dma_wait3A_342] : memref<8192x768xf32, #tpu.memory_space<hbm>> -> memref<8192x768xf32, #tpu.memory_space<hbm>>
    tpu.wait_indirect_dma semaphore(%arg10 : memref<!tpu.dma_semaphore, #tpu.memory_space<semaphore_mem>>) src(%dma_wait3A_343 : memref<8192x768xf32, #tpu.memory_space<hbm>>) dst(%arg6 : memref<32x768xf32, #tpu.memory_space<vmem>>)
    %add3A_344 = arith.constant 256 : i32
    %add3A_345 = arith.addi %mul3A_32, %add3A_344 : i32
    %dma_start3A_346 = arith.constant 0 : i32
    %dma_start3A_347 = arith.constant 0 : i32
    %dma_start3A_348 = tpu.memref_slice %arg4[%select_n3A, %dma_start3A_346, %dma_start3A_347] : memref<4x8192x768xf32, #tpu.memory_space<hbm>> -> memref<1x8192x768xf32, #tpu.memory_space<hbm>>
    %dma_start3A_349 = tpu.memref_squeeze %dma_start3A_348 : memref<1x8192x768xf32, #tpu.memory_space<hbm>> -> memref<8192x768xf32, #tpu.memory_space<hbm>>
    %dma_start3A_350 = arith.constant 0 : i32
    %dma_start3A_351 = tpu.memref_slice %dma_start3A_349[%add3A_345, %dma_start3A_350] : memref<8192x768xf32, #tpu.memory_space<hbm>> -> memref<32x768xf32, #tpu.memory_space<hbm>>
    %dma_start3A_352 = arith.constant 0 : i32
    %dma_start3A_353 = arith.constant 0 : i32
    %dma_start3A_354 = tpu.memref_slice %arg4[%select_n3A, %dma_start3A_352, %dma_start3A_353] : memref<4x8192x768xf32, #tpu.memory_space<hbm>> -> memref<1x8192x768xf32, #tpu.memory_space<hbm>>
    %dma_start3A_355 = tpu.memref_squeeze %dma_start3A_354 : memref<1x8192x768xf32, #tpu.memory_space<hbm>> -> memref<8192x768xf32, #tpu.memory_space<hbm>>
    %dma_start3A_356 = arith.constant 0 : i32
    %dma_start3A_357 = tpu.memref_slice %dma_start3A_355[%add3A_345, %dma_start3A_356] : memref<8192x768xf32, #tpu.memory_space<hbm>> -> memref<32x768xf32, #tpu.memory_space<hbm>>
    tpu.enqueue_dma source(%arg6 : memref<32x768xf32, #tpu.memory_space<vmem>>) target(%dma_start3A_357 : memref<32x768xf32, #tpu.memory_space<hbm>>) target_semaphore(%arg14 : memref<!tpu.dma_semaphore, #tpu.memory_space<semaphore_mem>>)
    %dma_wait3A_358 = arith.constant 0 : i32
    %dma_wait3A_359 = arith.constant 0 : i32
    %dma_wait3A_360 = tpu.memref_slice %arg4[%select_n3A, %dma_wait3A_358, %dma_wait3A_359] : memref<4x8192x768xf32, #tpu.memory_space<hbm>> -> memref<1x8192x768xf32, #tpu.memory_space<hbm>>
    %dma_wait3A_361 = tpu.memref_squeeze %dma_wait3A_360 : memref<1x8192x768xf32, #tpu.memory_space<hbm>> -> memref<8192x768xf32, #tpu.memory_space<hbm>>
    %dma_wait3A_362 = arith.constant 0 : i32
    %dma_wait3A_363 = tpu.memref_slice %dma_wait3A_361[%add3A_345, %dma_wait3A_362] : memref<8192x768xf32, #tpu.memory_space<hbm>> -> memref<32x768xf32, #tpu.memory_space<hbm>>
    %dma_wait3A_364 = arith.constant 0 : i32
    %dma_wait3A_365 = arith.constant 0 : i32
    %dma_wait3A_366 = tpu.memref_slice %arg4[%select_n3A, %dma_wait3A_364, %dma_wait3A_365] : memref<4x8192x768xf32, #tpu.memory_space<hbm>> -> memref<1x8192x768xf32, #tpu.memory_space<hbm>>
    %dma_wait3A_367 = tpu.memref_squeeze %dma_wait3A_366 : memref<1x8192x768xf32, #tpu.memory_space<hbm>> -> memref<8192x768xf32, #tpu.memory_space<hbm>>
    %dma_wait3A_368 = arith.constant 0 : i32
    %dma_wait3A_369 = tpu.memref_slice %dma_wait3A_367[%add3A_345, %dma_wait3A_368] : memref<8192x768xf32, #tpu.memory_space<hbm>> -> memref<32x768xf32, #tpu.memory_space<hbm>>
    tpu.wait_dma2 semaphore(%arg14 : memref<!tpu.dma_semaphore, #tpu.memory_space<semaphore_mem>>) src(%arg6 : memref<32x768xf32, #tpu.memory_space<vmem>>) dst(%dma_wait3A_369 : memref<32x768xf32, #tpu.memory_space<hbm>>)
    %dma_start3A_370 = arith.constant 384 : i32
    %dma_start3A_371 = tpu.memref_slice %arg5[%dma_start3A_370] : memref<1024xi32, #tpu.memory_space<vmem>> -> memref<32xi32, #tpu.memory_space<vmem>>
    %dma_start3A_372 = arith.constant 0 : i32
    %dma_start3A_373 = arith.constant 0 : i32
    %dma_start3A_374 = tpu.memref_slice %arg3[%dma_start3A_372, %dma_start3A_373] : memref<8192x768xf32, #tpu.memory_space<hbm>> -> memref<8192x768xf32, #tpu.memory_space<hbm>>
    tpu.enqueue_indirect_dma source(%dma_start3A_374 : memref<8192x768xf32, #tpu.memory_space<hbm>>) target(%arg6 : memref<32x768xf32, #tpu.memory_space<vmem>>) offsets(%dma_start3A_371 : memref<32xi32, #tpu.memory_space<vmem>>) semaphore(%arg10 : memref<!tpu.dma_semaphore, #tpu.memory_space<semaphore_mem>>)
    %dma_wait3A_375 = arith.constant 288 : i32
    %dma_wait3A_376 = tpu.memref_slice %arg5[%dma_wait3A_375] : memref<1024xi32, #tpu.memory_space<vmem>> -> memref<32xi32, #tpu.memory_space<vmem>>
    %dma_wait3A_377 = arith.constant 0 : i32
    %dma_wait3A_378 = arith.constant 0 : i32
    %dma_wait3A_379 = tpu.memref_slice %arg3[%dma_wait3A_377, %dma_wait3A_378] : memref<8192x768xf32, #tpu.memory_space<hbm>> -> memref<8192x768xf32, #tpu.memory_space<hbm>>
    tpu.wait_indirect_dma semaphore(%arg11 : memref<!tpu.dma_semaphore, #tpu.memory_space<semaphore_mem>>) src(%dma_wait3A_379 : memref<8192x768xf32, #tpu.memory_space<hbm>>) dst(%arg7 : memref<32x768xf32, #tpu.memory_space<vmem>>)
    %add3A_380 = arith.constant 288 : i32
    %add3A_381 = arith.addi %mul3A_32, %add3A_380 : i32
    %dma_start3A_382 = arith.constant 0 : i32
    %dma_start3A_383 = arith.constant 0 : i32
    %dma_start3A_384 = tpu.memref_slice %arg4[%select_n3A, %dma_start3A_382, %dma_start3A_383] : memref<4x8192x768xf32, #tpu.memory_space<hbm>> -> memref<1x8192x768xf32, #tpu.memory_space<hbm>>
    %dma_start3A_385 = tpu.memref_squeeze %dma_start3A_384 : memref<1x8192x768xf32, #tpu.memory_space<hbm>> -> memref<8192x768xf32, #tpu.memory_space<hbm>>
    %dma_start3A_386 = arith.constant 0 : i32
    %dma_start3A_387 = tpu.memref_slice %dma_start3A_385[%add3A_381, %dma_start3A_386] : memref<8192x768xf32, #tpu.memory_space<hbm>> -> memref<32x768xf32, #tpu.memory_space<hbm>>
    %dma_start3A_388 = arith.constant 0 : i32
    %dma_start3A_389 = arith.constant 0 : i32
    %dma_start3A_390 = tpu.memref_slice %arg4[%select_n3A, %dma_start3A_388, %dma_start3A_389] : memref<4x8192x768xf32, #tpu.memory_space<hbm>> -> memref<1x8192x768xf32, #tpu.memory_space<hbm>>
    %dma_start3A_391 = tpu.memref_squeeze %dma_start3A_390 : memref<1x8192x768xf32, #tpu.memory_space<hbm>> -> memref<8192x768xf32, #tpu.memory_space<hbm>>
    %dma_start3A_392 = arith.constant 0 : i32
    %dma_start3A_393 = tpu.memref_slice %dma_start3A_391[%add3A_381, %dma_start3A_392] : memref<8192x768xf32, #tpu.memory_space<hbm>> -> memref<32x768xf32, #tpu.memory_space<hbm>>
    tpu.enqueue_dma source(%arg7 : memref<32x768xf32, #tpu.memory_space<vmem>>) target(%dma_start3A_393 : memref<32x768xf32, #tpu.memory_space<hbm>>) target_semaphore(%arg15 : memref<!tpu.dma_semaphore, #tpu.memory_space<semaphore_mem>>)
    %dma_wait3A_394 = arith.constant 0 : i32
    %dma_wait3A_395 = arith.constant 0 : i32
    %dma_wait3A_396 = tpu.memref_slice %arg4[%select_n3A, %dma_wait3A_394, %dma_wait3A_395] : memref<4x8192x768xf32, #tpu.memory_space<hbm>> -> memref<1x8192x768xf32, #tpu.memory_space<hbm>>
    %dma_wait3A_397 = tpu.memref_squeeze %dma_wait3A_396 : memref<1x8192x768xf32, #tpu.memory_space<hbm>> -> memref<8192x768xf32, #tpu.memory_space<hbm>>
    %dma_wait3A_398 = arith.constant 0 : i32
    %dma_wait3A_399 = tpu.memref_slice %dma_wait3A_397[%add3A_381, %dma_wait3A_398] : memref<8192x768xf32, #tpu.memory_space<hbm>> -> memref<32x768xf32, #tpu.memory_space<hbm>>
    %dma_wait3A_400 = arith.constant 0 : i32
    %dma_wait3A_401 = arith.constant 0 : i32
    %dma_wait3A_402 = tpu.memref_slice %arg4[%select_n3A, %dma_wait3A_400, %dma_wait3A_401] : memref<4x8192x768xf32, #tpu.memory_space<hbm>> -> memref<1x8192x768xf32, #tpu.memory_space<hbm>>
    %dma_wait3A_403 = tpu.memref_squeeze %dma_wait3A_402 : memref<1x8192x768xf32, #tpu.memory_space<hbm>> -> memref<8192x768xf32, #tpu.memory_space<hbm>>
    %dma_wait3A_404 = arith.constant 0 : i32
    %dma_wait3A_405 = tpu.memref_slice %dma_wait3A_403[%add3A_381, %dma_wait3A_404] : memref<8192x768xf32, #tpu.memory_space<hbm>> -> memref<32x768xf32, #tpu.memory_space<hbm>>
    tpu.wait_dma2 semaphore(%arg15 : memref<!tpu.dma_semaphore, #tpu.memory_space<semaphore_mem>>) src(%arg7 : memref<32x768xf32, #tpu.memory_space<vmem>>) dst(%dma_wait3A_405 : memref<32x768xf32, #tpu.memory_space<hbm>>)
    %dma_start3A_406 = arith.constant 416 : i32
    %dma_start3A_407 = tpu.memref_slice %arg5[%dma_start3A_406] : memref<1024xi32, #tpu.memory_space<vmem>> -> memref<32xi32, #tpu.memory_space<vmem>>
    %dma_start3A_408 = arith.constant 0 : i32
    %dma_start3A_409 = arith.constant 0 : i32
    %dma_start3A_410 = tpu.memref_slice %arg3[%dma_start3A_408, %dma_start3A_409] : memref<8192x768xf32, #tpu.memory_space<hbm>> -> memref<8192x768xf32, #tpu.memory_space<hbm>>
    tpu.enqueue_indirect_dma source(%dma_start3A_410 : memref<8192x768xf32, #tpu.memory_space<hbm>>) target(%arg7 : memref<32x768xf32, #tpu.memory_space<vmem>>) offsets(%dma_start3A_407 : memref<32xi32, #tpu.memory_space<vmem>>) semaphore(%arg11 : memref<!tpu.dma_semaphore, #tpu.memory_space<semaphore_mem>>)
    %dma_wait3A_411 = arith.constant 320 : i32
    %dma_wait3A_412 = tpu.memref_slice %arg5[%dma_wait3A_411] : memref<1024xi32, #tpu.memory_space<vmem>> -> memref<32xi32, #tpu.memory_space<vmem>>
    %dma_wait3A_413 = arith.constant 0 : i32
    %dma_wait3A_414 = arith.constant 0 : i32
    %dma_wait3A_415 = tpu.memref_slice %arg3[%dma_wait3A_413, %dma_wait3A_414] : memref<8192x768xf32, #tpu.memory_space<hbm>> -> memref<8192x768xf32, #tpu.memory_space<hbm>>
    tpu.wait_indirect_dma semaphore(%arg12 : memref<!tpu.dma_semaphore, #tpu.memory_space<semaphore_mem>>) src(%dma_wait3A_415 : memref<8192x768xf32, #tpu.memory_space<hbm>>) dst(%arg8 : memref<32x768xf32, #tpu.memory_space<vmem>>)
    %add3A_416 = arith.constant 320 : i32
    %add3A_417 = arith.addi %mul3A_32, %add3A_416 : i32
    %dma_start3A_418 = arith.constant 0 : i32
    %dma_start3A_419 = arith.constant 0 : i32
    %dma_start3A_420 = tpu.memref_slice %arg4[%select_n3A, %dma_start3A_418, %dma_start3A_419] : memref<4x8192x768xf32, #tpu.memory_space<hbm>> -> memref<1x8192x768xf32, #tpu.memory_space<hbm>>
    %dma_start3A_421 = tpu.memref_squeeze %dma_start3A_420 : memref<1x8192x768xf32, #tpu.memory_space<hbm>> -> memref<8192x768xf32, #tpu.memory_space<hbm>>
    %dma_start3A_422 = arith.constant 0 : i32
    %dma_start3A_423 = tpu.memref_slice %dma_start3A_421[%add3A_417, %dma_start3A_422] : memref<8192x768xf32, #tpu.memory_space<hbm>> -> memref<32x768xf32, #tpu.memory_space<hbm>>
    %dma_start3A_424 = arith.constant 0 : i32
    %dma_start3A_425 = arith.constant 0 : i32
    %dma_start3A_426 = tpu.memref_slice %arg4[%select_n3A, %dma_start3A_424, %dma_start3A_425] : memref<4x8192x768xf32, #tpu.memory_space<hbm>> -> memref<1x8192x768xf32, #tpu.memory_space<hbm>>
    %dma_start3A_427 = tpu.memref_squeeze %dma_start3A_426 : memref<1x8192x768xf32, #tpu.memory_space<hbm>> -> memref<8192x768xf32, #tpu.memory_space<hbm>>
    %dma_start3A_428 = arith.constant 0 : i32
    %dma_start3A_429 = tpu.memref_slice %dma_start3A_427[%add3A_417, %dma_start3A_428] : memref<8192x768xf32, #tpu.memory_space<hbm>> -> memref<32x768xf32, #tpu.memory_space<hbm>>
    tpu.enqueue_dma source(%arg8 : memref<32x768xf32, #tpu.memory_space<vmem>>) target(%dma_start3A_429 : memref<32x768xf32, #tpu.memory_space<hbm>>) target_semaphore(%arg16 : memref<!tpu.dma_semaphore, #tpu.memory_space<semaphore_mem>>)
    %dma_wait3A_430 = arith.constant 0 : i32
    %dma_wait3A_431 = arith.constant 0 : i32
    %dma_wait3A_432 = tpu.memref_slice %arg4[%select_n3A, %dma_wait3A_430, %dma_wait3A_431] : memref<4x8192x768xf32, #tpu.memory_space<hbm>> -> memref<1x8192x768xf32, #tpu.memory_space<hbm>>
    %dma_wait3A_433 = tpu.memref_squeeze %dma_wait3A_432 : memref<1x8192x768xf32, #tpu.memory_space<hbm>> -> memref<8192x768xf32, #tpu.memory_space<hbm>>
    %dma_wait3A_434 = arith.constant 0 : i32
    %dma_wait3A_435 = tpu.memref_slice %dma_wait3A_433[%add3A_417, %dma_wait3A_434] : memref<8192x768xf32, #tpu.memory_space<hbm>> -> memref<32x768xf32, #tpu.memory_space<hbm>>
    %dma_wait3A_436 = arith.constant 0 : i32
    %dma_wait3A_437 = arith.constant 0 : i32
    %dma_wait3A_438 = tpu.memref_slice %arg4[%select_n3A, %dma_wait3A_436, %dma_wait3A_437] : memref<4x8192x768xf32, #tpu.memory_space<hbm>> -> memref<1x8192x768xf32, #tpu.memory_space<hbm>>
    %dma_wait3A_439 = tpu.memref_squeeze %dma_wait3A_438 : memref<1x8192x768xf32, #tpu.memory_space<hbm>> -> memref<8192x768xf32, #tpu.memory_space<hbm>>
    %dma_wait3A_440 = arith.constant 0 : i32
    %dma_wait3A_441 = tpu.memref_slice %dma_wait3A_439[%add3A_417, %dma_wait3A_440] : memref<8192x768xf32, #tpu.memory_space<hbm>> -> memref<32x768xf32, #tpu.memory_space<hbm>>
    tpu.wait_dma2 semaphore(%arg16 : memref<!tpu.dma_semaphore, #tpu.memory_space<semaphore_mem>>) src(%arg8 : memref<32x768xf32, #tpu.memory_space<vmem>>) dst(%dma_wait3A_441 : memref<32x768xf32, #tpu.memory_space<hbm>>)
    %dma_start3A_442 = arith.constant 448 : i32
    %dma_start3A_443 = tpu.memref_slice %arg5[%dma_start3A_442] : memref<1024xi32, #tpu.memory_space<vmem>> -> memref<32xi32, #tpu.memory_space<vmem>>
    %dma_start3A_444 = arith.constant 0 : i32
    %dma_start3A_445 = arith.constant 0 : i32
    %dma_start3A_446 = tpu.memref_slice %arg3[%dma_start3A_444, %dma_start3A_445] : memref<8192x768xf32, #tpu.memory_space<hbm>> -> memref<8192x768xf32, #tpu.memory_space<hbm>>
    tpu.enqueue_indirect_dma source(%dma_start3A_446 : memref<8192x768xf32, #tpu.memory_space<hbm>>) target(%arg8 : memref<32x768xf32, #tpu.memory_space<vmem>>) offsets(%dma_start3A_443 : memref<32xi32, #tpu.memory_space<vmem>>) semaphore(%arg12 : memref<!tpu.dma_semaphore, #tpu.memory_space<semaphore_mem>>)
    %dma_wait3A_447 = arith.constant 352 : i32
    %dma_wait3A_448 = tpu.memref_slice %arg5[%dma_wait3A_447] : memref<1024xi32, #tpu.memory_space<vmem>> -> memref<32xi32, #tpu.memory_space<vmem>>
    %dma_wait3A_449 = arith.constant 0 : i32
    %dma_wait3A_450 = arith.constant 0 : i32
    %dma_wait3A_451 = tpu.memref_slice %arg3[%dma_wait3A_449, %dma_wait3A_450] : memref<8192x768xf32, #tpu.memory_space<hbm>> -> memref<8192x768xf32, #tpu.memory_space<hbm>>
    tpu.wait_indirect_dma semaphore(%arg13 : memref<!tpu.dma_semaphore, #tpu.memory_space<semaphore_mem>>) src(%dma_wait3A_451 : memref<8192x768xf32, #tpu.memory_space<hbm>>) dst(%arg9 : memref<32x768xf32, #tpu.memory_space<vmem>>)
    %add3A_452 = arith.constant 352 : i32
    %add3A_453 = arith.addi %mul3A_32, %add3A_452 : i32
    %dma_start3A_454 = arith.constant 0 : i32
    %dma_start3A_455 = arith.constant 0 : i32
    %dma_start3A_456 = tpu.memref_slice %arg4[%select_n3A, %dma_start3A_454, %dma_start3A_455] : memref<4x8192x768xf32, #tpu.memory_space<hbm>> -> memref<1x8192x768xf32, #tpu.memory_space<hbm>>
    %dma_start3A_457 = tpu.memref_squeeze %dma_start3A_456 : memref<1x8192x768xf32, #tpu.memory_space<hbm>> -> memref<8192x768xf32, #tpu.memory_space<hbm>>
    %dma_start3A_458 = arith.constant 0 : i32
    %dma_start3A_459 = tpu.memref_slice %dma_start3A_457[%add3A_453, %dma_start3A_458] : memref<8192x768xf32, #tpu.memory_space<hbm>> -> memref<32x768xf32, #tpu.memory_space<hbm>>
    %dma_start3A_460 = arith.constant 0 : i32
    %dma_start3A_461 = arith.constant 0 : i32
    %dma_start3A_462 = tpu.memref_slice %arg4[%select_n3A, %dma_start3A_460, %dma_start3A_461] : memref<4x8192x768xf32, #tpu.memory_space<hbm>> -> memref<1x8192x768xf32, #tpu.memory_space<hbm>>
    %dma_start3A_463 = tpu.memref_squeeze %dma_start3A_462 : memref<1x8192x768xf32, #tpu.memory_space<hbm>> -> memref<8192x768xf32, #tpu.memory_space<hbm>>
    %dma_start3A_464 = arith.constant 0 : i32
    %dma_start3A_465 = tpu.memref_slice %dma_start3A_463[%add3A_453, %dma_start3A_464] : memref<8192x768xf32, #tpu.memory_space<hbm>> -> memref<32x768xf32, #tpu.memory_space<hbm>>
    tpu.enqueue_dma source(%arg9 : memref<32x768xf32, #tpu.memory_space<vmem>>) target(%dma_start3A_465 : memref<32x768xf32, #tpu.memory_space<hbm>>) target_semaphore(%arg17 : memref<!tpu.dma_semaphore, #tpu.memory_space<semaphore_mem>>)
    %dma_wait3A_466 = arith.constant 0 : i32
    %dma_wait3A_467 = arith.constant 0 : i32
    %dma_wait3A_468 = tpu.memref_slice %arg4[%select_n3A, %dma_wait3A_466, %dma_wait3A_467] : memref<4x8192x768xf32, #tpu.memory_space<hbm>> -> memref<1x8192x768xf32, #tpu.memory_space<hbm>>
    %dma_wait3A_469 = tpu.memref_squeeze %dma_wait3A_468 : memref<1x8192x768xf32, #tpu.memory_space<hbm>> -> memref<8192x768xf32, #tpu.memory_space<hbm>>
    %dma_wait3A_470 = arith.constant 0 : i32
    %dma_wait3A_471 = tpu.memref_slice %dma_wait3A_469[%add3A_453, %dma_wait3A_470] : memref<8192x768xf32, #tpu.memory_space<hbm>> -> memref<32x768xf32, #tpu.memory_space<hbm>>
    %dma_wait3A_472 = arith.constant 0 : i32
    %dma_wait3A_473 = arith.constant 0 : i32
    %dma_wait3A_474 = tpu.memref_slice %arg4[%select_n3A, %dma_wait3A_472, %dma_wait3A_473] : memref<4x8192x768xf32, #tpu.memory_space<hbm>> -> memref<1x8192x768xf32, #tpu.memory_space<hbm>>
    %dma_wait3A_475 = tpu.memref_squeeze %dma_wait3A_474 : memref<1x8192x768xf32, #tpu.memory_space<hbm>> -> memref<8192x768xf32, #tpu.memory_space<hbm>>
    %dma_wait3A_476 = arith.constant 0 : i32
    %dma_wait3A_477 = tpu.memref_slice %dma_wait3A_475[%add3A_453, %dma_wait3A_476] : memref<8192x768xf32, #tpu.memory_space<hbm>> -> memref<32x768xf32, #tpu.memory_space<hbm>>
    tpu.wait_dma2 semaphore(%arg17 : memref<!tpu.dma_semaphore, #tpu.memory_space<semaphore_mem>>) src(%arg9 : memref<32x768xf32, #tpu.memory_space<vmem>>) dst(%dma_wait3A_477 : memref<32x768xf32, #tpu.memory_space<hbm>>)
    %dma_start3A_478 = arith.constant 480 : i32
    %dma_start3A_479 = tpu.memref_slice %arg5[%dma_start3A_478] : memref<1024xi32, #tpu.memory_space<vmem>> -> memref<32xi32, #tpu.memory_space<vmem>>
    %dma_start3A_480 = arith.constant 0 : i32
    %dma_start3A_481 = arith.constant 0 : i32
    %dma_start3A_482 = tpu.memref_slice %arg3[%dma_start3A_480, %dma_start3A_481] : memref<8192x768xf32, #tpu.memory_space<hbm>> -> memref<8192x768xf32, #tpu.memory_space<hbm>>
    tpu.enqueue_indirect_dma source(%dma_start3A_482 : memref<8192x768xf32, #tpu.memory_space<hbm>>) target(%arg9 : memref<32x768xf32, #tpu.memory_space<vmem>>) offsets(%dma_start3A_479 : memref<32xi32, #tpu.memory_space<vmem>>) semaphore(%arg13 : memref<!tpu.dma_semaphore, #tpu.memory_space<semaphore_mem>>)
    %dma_wait3A_483 = arith.constant 384 : i32
    %dma_wait3A_484 = tpu.memref_slice %arg5[%dma_wait3A_483] : memref<1024xi32, #tpu.memory_space<vmem>> -> memref<32xi32, #tpu.memory_space<vmem>>
    %dma_wait3A_485 = arith.constant 0 : i32
    %dma_wait3A_486 = arith.constant 0 : i32
    %dma_wait3A_487 = tpu.memref_slice %arg3[%dma_wait3A_485, %dma_wait3A_486] : memref<8192x768xf32, #tpu.memory_space<hbm>> -> memref<8192x768xf32, #tpu.memory_space<hbm>>
    tpu.wait_indirect_dma semaphore(%arg10 : memref<!tpu.dma_semaphore, #tpu.memory_space<semaphore_mem>>) src(%dma_wait3A_487 : memref<8192x768xf32, #tpu.memory_space<hbm>>) dst(%arg6 : memref<32x768xf32, #tpu.memory_space<vmem>>)
    %add3A_488 = arith.constant 384 : i32
    %add3A_489 = arith.addi %mul3A_32, %add3A_488 : i32
    %dma_start3A_490 = arith.constant 0 : i32
    %dma_start3A_491 = arith.constant 0 : i32
    %dma_start3A_492 = tpu.memref_slice %arg4[%select_n3A, %dma_start3A_490, %dma_start3A_491] : memref<4x8192x768xf32, #tpu.memory_space<hbm>> -> memref<1x8192x768xf32, #tpu.memory_space<hbm>>
    %dma_start3A_493 = tpu.memref_squeeze %dma_start3A_492 : memref<1x8192x768xf32, #tpu.memory_space<hbm>> -> memref<8192x768xf32, #tpu.memory_space<hbm>>
    %dma_start3A_494 = arith.constant 0 : i32
    %dma_start3A_495 = tpu.memref_slice %dma_start3A_493[%add3A_489, %dma_start3A_494] : memref<8192x768xf32, #tpu.memory_space<hbm>> -> memref<32x768xf32, #tpu.memory_space<hbm>>
    %dma_start3A_496 = arith.constant 0 : i32
    %dma_start3A_497 = arith.constant 0 : i32
    %dma_start3A_498 = tpu.memref_slice %arg4[%select_n3A, %dma_start3A_496, %dma_start3A_497] : memref<4x8192x768xf32, #tpu.memory_space<hbm>> -> memref<1x8192x768xf32, #tpu.memory_space<hbm>>
    %dma_start3A_499 = tpu.memref_squeeze %dma_start3A_498 : memref<1x8192x768xf32, #tpu.memory_space<hbm>> -> memref<8192x768xf32, #tpu.memory_space<hbm>>
    %dma_start3A_500 = arith.constant 0 : i32
    %dma_start3A_501 = tpu.memref_slice %dma_start3A_499[%add3A_489, %dma_start3A_500] : memref<8192x768xf32, #tpu.memory_space<hbm>> -> memref<32x768xf32, #tpu.memory_space<hbm>>
    tpu.enqueue_dma source(%arg6 : memref<32x768xf32, #tpu.memory_space<vmem>>) target(%dma_start3A_501 : memref<32x768xf32, #tpu.memory_space<hbm>>) target_semaphore(%arg14 : memref<!tpu.dma_semaphore, #tpu.memory_space<semaphore_mem>>)
    %dma_wait3A_502 = arith.constant 0 : i32
    %dma_wait3A_503 = arith.constant 0 : i32
    %dma_wait3A_504 = tpu.memref_slice %arg4[%select_n3A, %dma_wait3A_502, %dma_wait3A_503] : memref<4x8192x768xf32, #tpu.memory_space<hbm>> -> memref<1x8192x768xf32, #tpu.memory_space<hbm>>
    %dma_wait3A_505 = tpu.memref_squeeze %dma_wait3A_504 : memref<1x8192x768xf32, #tpu.memory_space<hbm>> -> memref<8192x768xf32, #tpu.memory_space<hbm>>
    %dma_wait3A_506 = arith.constant 0 : i32
    %dma_wait3A_507 = tpu.memref_slice %dma_wait3A_505[%add3A_489, %dma_wait3A_506] : memref<8192x768xf32, #tpu.memory_space<hbm>> -> memref<32x768xf32, #tpu.memory_space<hbm>>
    %dma_wait3A_508 = arith.constant 0 : i32
    %dma_wait3A_509 = arith.constant 0 : i32
    %dma_wait3A_510 = tpu.memref_slice %arg4[%select_n3A, %dma_wait3A_508, %dma_wait3A_509] : memref<4x8192x768xf32, #tpu.memory_space<hbm>> -> memref<1x8192x768xf32, #tpu.memory_space<hbm>>
    %dma_wait3A_511 = tpu.memref_squeeze %dma_wait3A_510 : memref<1x8192x768xf32, #tpu.memory_space<hbm>> -> memref<8192x768xf32, #tpu.memory_space<hbm>>
    %dma_wait3A_512 = arith.constant 0 : i32
    %dma_wait3A_513 = tpu.memref_slice %dma_wait3A_511[%add3A_489, %dma_wait3A_512] : memref<8192x768xf32, #tpu.memory_space<hbm>> -> memref<32x768xf32, #tpu.memory_space<hbm>>
    tpu.wait_dma2 semaphore(%arg14 : memref<!tpu.dma_semaphore, #tpu.memory_space<semaphore_mem>>) src(%arg6 : memref<32x768xf32, #tpu.memory_space<vmem>>) dst(%dma_wait3A_513 : memref<32x768xf32, #tpu.memory_space<hbm>>)
    %dma_start3A_514 = arith.constant 512 : i32
    %dma_start3A_515 = tpu.memref_slice %arg5[%dma_start3A_514] : memref<1024xi32, #tpu.memory_space<vmem>> -> memref<32xi32, #tpu.memory_space<vmem>>
    %dma_start3A_516 = arith.constant 0 : i32
    %dma_start3A_517 = arith.constant 0 : i32
    %dma_start3A_518 = tpu.memref_slice %arg3[%dma_start3A_516, %dma_start3A_517] : memref<8192x768xf32, #tpu.memory_space<hbm>> -> memref<8192x768xf32, #tpu.memory_space<hbm>>
    tpu.enqueue_indirect_dma source(%dma_start3A_518 : memref<8192x768xf32, #tpu.memory_space<hbm>>) target(%arg6 : memref<32x768xf32, #tpu.memory_space<vmem>>) offsets(%dma_start3A_515 : memref<32xi32, #tpu.memory_space<vmem>>) semaphore(%arg10 : memref<!tpu.dma_semaphore, #tpu.memory_space<semaphore_mem>>)
    %dma_wait3A_519 = arith.constant 416 : i32
    %dma_wait3A_520 = tpu.memref_slice %arg5[%dma_wait3A_519] : memref<1024xi32, #tpu.memory_space<vmem>> -> memref<32xi32, #tpu.memory_space<vmem>>
    %dma_wait3A_521 = arith.constant 0 : i32
    %dma_wait3A_522 = arith.constant 0 : i32
    %dma_wait3A_523 = tpu.memref_slice %arg3[%dma_wait3A_521, %dma_wait3A_522] : memref<8192x768xf32, #tpu.memory_space<hbm>> -> memref<8192x768xf32, #tpu.memory_space<hbm>>
    tpu.wait_indirect_dma semaphore(%arg11 : memref<!tpu.dma_semaphore, #tpu.memory_space<semaphore_mem>>) src(%dma_wait3A_523 : memref<8192x768xf32, #tpu.memory_space<hbm>>) dst(%arg7 : memref<32x768xf32, #tpu.memory_space<vmem>>)
    %add3A_524 = arith.constant 416 : i32
    %add3A_525 = arith.addi %mul3A_32, %add3A_524 : i32
    %dma_start3A_526 = arith.constant 0 : i32
    %dma_start3A_527 = arith.constant 0 : i32
    %dma_start3A_528 = tpu.memref_slice %arg4[%select_n3A, %dma_start3A_526, %dma_start3A_527] : memref<4x8192x768xf32, #tpu.memory_space<hbm>> -> memref<1x8192x768xf32, #tpu.memory_space<hbm>>
    %dma_start3A_529 = tpu.memref_squeeze %dma_start3A_528 : memref<1x8192x768xf32, #tpu.memory_space<hbm>> -> memref<8192x768xf32, #tpu.memory_space<hbm>>
    %dma_start3A_530 = arith.constant 0 : i32
    %dma_start3A_531 = tpu.memref_slice %dma_start3A_529[%add3A_525, %dma_start3A_530] : memref<8192x768xf32, #tpu.memory_space<hbm>> -> memref<32x768xf32, #tpu.memory_space<hbm>>
    %dma_start3A_532 = arith.constant 0 : i32
    %dma_start3A_533 = arith.constant 0 : i32
    %dma_start3A_534 = tpu.memref_slice %arg4[%select_n3A, %dma_start3A_532, %dma_start3A_533] : memref<4x8192x768xf32, #tpu.memory_space<hbm>> -> memref<1x8192x768xf32, #tpu.memory_space<hbm>>
    %dma_start3A_535 = tpu.memref_squeeze %dma_start3A_534 : memref<1x8192x768xf32, #tpu.memory_space<hbm>> -> memref<8192x768xf32, #tpu.memory_space<hbm>>
    %dma_start3A_536 = arith.constant 0 : i32
    %dma_start3A_537 = tpu.memref_slice %dma_start3A_535[%add3A_525, %dma_start3A_536] : memref<8192x768xf32, #tpu.memory_space<hbm>> -> memref<32x768xf32, #tpu.memory_space<hbm>>
    tpu.enqueue_dma source(%arg7 : memref<32x768xf32, #tpu.memory_space<vmem>>) target(%dma_start3A_537 : memref<32x768xf32, #tpu.memory_space<hbm>>) target_semaphore(%arg15 : memref<!tpu.dma_semaphore, #tpu.memory_space<semaphore_mem>>)
    %dma_wait3A_538 = arith.constant 0 : i32
    %dma_wait3A_539 = arith.constant 0 : i32
    %dma_wait3A_540 = tpu.memref_slice %arg4[%select_n3A, %dma_wait3A_538, %dma_wait3A_539] : memref<4x8192x768xf32, #tpu.memory_space<hbm>> -> memref<1x8192x768xf32, #tpu.memory_space<hbm>>
    %dma_wait3A_541 = tpu.memref_squeeze %dma_wait3A_540 : memref<1x8192x768xf32, #tpu.memory_space<hbm>> -> memref<8192x768xf32, #tpu.memory_space<hbm>>
    %dma_wait3A_542 = arith.constant 0 : i32
    %dma_wait3A_543 = tpu.memref_slice %dma_wait3A_541[%add3A_525, %dma_wait3A_542] : memref<8192x768xf32, #tpu.memory_space<hbm>> -> memref<32x768xf32, #tpu.memory_space<hbm>>
    %dma_wait3A_544 = arith.constant 0 : i32
    %dma_wait3A_545 = arith.constant 0 : i32
    %dma_wait3A_546 = tpu.memref_slice %arg4[%select_n3A, %dma_wait3A_544, %dma_wait3A_545] : memref<4x8192x768xf32, #tpu.memory_space<hbm>> -> memref<1x8192x768xf32, #tpu.memory_space<hbm>>
    %dma_wait3A_547 = tpu.memref_squeeze %dma_wait3A_546 : memref<1x8192x768xf32, #tpu.memory_space<hbm>> -> memref<8192x768xf32, #tpu.memory_space<hbm>>
    %dma_wait3A_548 = arith.constant 0 : i32
    %dma_wait3A_549 = tpu.memref_slice %dma_wait3A_547[%add3A_525, %dma_wait3A_548] : memref<8192x768xf32, #tpu.memory_space<hbm>> -> memref<32x768xf32, #tpu.memory_space<hbm>>
    tpu.wait_dma2 semaphore(%arg15 : memref<!tpu.dma_semaphore, #tpu.memory_space<semaphore_mem>>) src(%arg7 : memref<32x768xf32, #tpu.memory_space<vmem>>) dst(%dma_wait3A_549 : memref<32x768xf32, #tpu.memory_space<hbm>>)
    %dma_start3A_550 = arith.constant 544 : i32
    %dma_start3A_551 = tpu.memref_slice %arg5[%dma_start3A_550] : memref<1024xi32, #tpu.memory_space<vmem>> -> memref<32xi32, #tpu.memory_space<vmem>>
    %dma_start3A_552 = arith.constant 0 : i32
    %dma_start3A_553 = arith.constant 0 : i32
    %dma_start3A_554 = tpu.memref_slice %arg3[%dma_start3A_552, %dma_start3A_553] : memref<8192x768xf32, #tpu.memory_space<hbm>> -> memref<8192x768xf32, #tpu.memory_space<hbm>>
    tpu.enqueue_indirect_dma source(%dma_start3A_554 : memref<8192x768xf32, #tpu.memory_space<hbm>>) target(%arg7 : memref<32x768xf32, #tpu.memory_space<vmem>>) offsets(%dma_start3A_551 : memref<32xi32, #tpu.memory_space<vmem>>) semaphore(%arg11 : memref<!tpu.dma_semaphore, #tpu.memory_space<semaphore_mem>>)
    %dma_wait3A_555 = arith.constant 448 : i32
    %dma_wait3A_556 = tpu.memref_slice %arg5[%dma_wait3A_555] : memref<1024xi32, #tpu.memory_space<vmem>> -> memref<32xi32, #tpu.memory_space<vmem>>
    %dma_wait3A_557 = arith.constant 0 : i32
    %dma_wait3A_558 = arith.constant 0 : i32
    %dma_wait3A_559 = tpu.memref_slice %arg3[%dma_wait3A_557, %dma_wait3A_558] : memref<8192x768xf32, #tpu.memory_space<hbm>> -> memref<8192x768xf32, #tpu.memory_space<hbm>>
    tpu.wait_indirect_dma semaphore(%arg12 : memref<!tpu.dma_semaphore, #tpu.memory_space<semaphore_mem>>) src(%dma_wait3A_559 : memref<8192x768xf32, #tpu.memory_space<hbm>>) dst(%arg8 : memref<32x768xf32, #tpu.memory_space<vmem>>)
    %add3A_560 = arith.constant 448 : i32
    %add3A_561 = arith.addi %mul3A_32, %add3A_560 : i32
    %dma_start3A_562 = arith.constant 0 : i32
    %dma_start3A_563 = arith.constant 0 : i32
    %dma_start3A_564 = tpu.memref_slice %arg4[%select_n3A, %dma_start3A_562, %dma_start3A_563] : memref<4x8192x768xf32, #tpu.memory_space<hbm>> -> memref<1x8192x768xf32, #tpu.memory_space<hbm>>
    %dma_start3A_565 = tpu.memref_squeeze %dma_start3A_564 : memref<1x8192x768xf32, #tpu.memory_space<hbm>> -> memref<8192x768xf32, #tpu.memory_space<hbm>>
    %dma_start3A_566 = arith.constant 0 : i32
    %dma_start3A_567 = tpu.memref_slice %dma_start3A_565[%add3A_561, %dma_start3A_566] : memref<8192x768xf32, #tpu.memory_space<hbm>> -> memref<32x768xf32, #tpu.memory_space<hbm>>
    %dma_start3A_568 = arith.constant 0 : i32
    %dma_start3A_569 = arith.constant 0 : i32
    %dma_start3A_570 = tpu.memref_slice %arg4[%select_n3A, %dma_start3A_568, %dma_start3A_569] : memref<4x8192x768xf32, #tpu.memory_space<hbm>> -> memref<1x8192x768xf32, #tpu.memory_space<hbm>>
    %dma_start3A_571 = tpu.memref_squeeze %dma_start3A_570 : memref<1x8192x768xf32, #tpu.memory_space<hbm>> -> memref<8192x768xf32, #tpu.memory_space<hbm>>
    %dma_start3A_572 = arith.constant 0 : i32
    %dma_start3A_573 = tpu.memref_slice %dma_start3A_571[%add3A_561, %dma_start3A_572] : memref<8192x768xf32, #tpu.memory_space<hbm>> -> memref<32x768xf32, #tpu.memory_space<hbm>>
    tpu.enqueue_dma source(%arg8 : memref<32x768xf32, #tpu.memory_space<vmem>>) target(%dma_start3A_573 : memref<32x768xf32, #tpu.memory_space<hbm>>) target_semaphore(%arg16 : memref<!tpu.dma_semaphore, #tpu.memory_space<semaphore_mem>>)
    %dma_wait3A_574 = arith.constant 0 : i32
    %dma_wait3A_575 = arith.constant 0 : i32
    %dma_wait3A_576 = tpu.memref_slice %arg4[%select_n3A, %dma_wait3A_574, %dma_wait3A_575] : memref<4x8192x768xf32, #tpu.memory_space<hbm>> -> memref<1x8192x768xf32, #tpu.memory_space<hbm>>
    %dma_wait3A_577 = tpu.memref_squeeze %dma_wait3A_576 : memref<1x8192x768xf32, #tpu.memory_space<hbm>> -> memref<8192x768xf32, #tpu.memory_space<hbm>>
    %dma_wait3A_578 = arith.constant 0 : i32
    %dma_wait3A_579 = tpu.memref_slice %dma_wait3A_577[%add3A_561, %dma_wait3A_578] : memref<8192x768xf32, #tpu.memory_space<hbm>> -> memref<32x768xf32, #tpu.memory_space<hbm>>
    %dma_wait3A_580 = arith.constant 0 : i32
    %dma_wait3A_581 = arith.constant 0 : i32
    %dma_wait3A_582 = tpu.memref_slice %arg4[%select_n3A, %dma_wait3A_580, %dma_wait3A_581] : memref<4x8192x768xf32, #tpu.memory_space<hbm>> -> memref<1x8192x768xf32, #tpu.memory_space<hbm>>
    %dma_wait3A_583 = tpu.memref_squeeze %dma_wait3A_582 : memref<1x8192x768xf32, #tpu.memory_space<hbm>> -> memref<8192x768xf32, #tpu.memory_space<hbm>>
    %dma_wait3A_584 = arith.constant 0 : i32
    %dma_wait3A_585 = tpu.memref_slice %dma_wait3A_583[%add3A_561, %dma_wait3A_584] : memref<8192x768xf32, #tpu.memory_space<hbm>> -> memref<32x768xf32, #tpu.memory_space<hbm>>
    tpu.wait_dma2 semaphore(%arg16 : memref<!tpu.dma_semaphore, #tpu.memory_space<semaphore_mem>>) src(%arg8 : memref<32x768xf32, #tpu.memory_space<vmem>>) dst(%dma_wait3A_585 : memref<32x768xf32, #tpu.memory_space<hbm>>)
    %dma_start3A_586 = arith.constant 576 : i32
    %dma_start3A_587 = tpu.memref_slice %arg5[%dma_start3A_586] : memref<1024xi32, #tpu.memory_space<vmem>> -> memref<32xi32, #tpu.memory_space<vmem>>
    %dma_start3A_588 = arith.constant 0 : i32
    %dma_start3A_589 = arith.constant 0 : i32
    %dma_start3A_590 = tpu.memref_slice %arg3[%dma_start3A_588, %dma_start3A_589] : memref<8192x768xf32, #tpu.memory_space<hbm>> -> memref<8192x768xf32, #tpu.memory_space<hbm>>
    tpu.enqueue_indirect_dma source(%dma_start3A_590 : memref<8192x768xf32, #tpu.memory_space<hbm>>) target(%arg8 : memref<32x768xf32, #tpu.memory_space<vmem>>) offsets(%dma_start3A_587 : memref<32xi32, #tpu.memory_space<vmem>>) semaphore(%arg12 : memref<!tpu.dma_semaphore, #tpu.memory_space<semaphore_mem>>)
    %dma_wait3A_591 = arith.constant 480 : i32
    %dma_wait3A_592 = tpu.memref_slice %arg5[%dma_wait3A_591] : memref<1024xi32, #tpu.memory_space<vmem>> -> memref<32xi32, #tpu.memory_space<vmem>>
    %dma_wait3A_593 = arith.constant 0 : i32
    %dma_wait3A_594 = arith.constant 0 : i32
    %dma_wait3A_595 = tpu.memref_slice %arg3[%dma_wait3A_593, %dma_wait3A_594] : memref<8192x768xf32, #tpu.memory_space<hbm>> -> memref<8192x768xf32, #tpu.memory_space<hbm>>
    tpu.wait_indirect_dma semaphore(%arg13 : memref<!tpu.dma_semaphore, #tpu.memory_space<semaphore_mem>>) src(%dma_wait3A_595 : memref<8192x768xf32, #tpu.memory_space<hbm>>) dst(%arg9 : memref<32x768xf32, #tpu.memory_space<vmem>>)
    %add3A_596 = arith.constant 480 : i32
    %add3A_597 = arith.addi %mul3A_32, %add3A_596 : i32
    %dma_start3A_598 = arith.constant 0 : i32
    %dma_start3A_599 = arith.constant 0 : i32
    %dma_start3A_600 = tpu.memref_slice %arg4[%select_n3A, %dma_start3A_598, %dma_start3A_599] : memref<4x8192x768xf32, #tpu.memory_space<hbm>> -> memref<1x8192x768xf32, #tpu.memory_space<hbm>>
    %dma_start3A_601 = tpu.memref_squeeze %dma_start3A_600 : memref<1x8192x768xf32, #tpu.memory_space<hbm>> -> memref<8192x768xf32, #tpu.memory_space<hbm>>
    %dma_start3A_602 = arith.constant 0 : i32
    %dma_start3A_603 = tpu.memref_slice %dma_start3A_601[%add3A_597, %dma_start3A_602] : memref<8192x768xf32, #tpu.memory_space<hbm>> -> memref<32x768xf32, #tpu.memory_space<hbm>>
    %dma_start3A_604 = arith.constant 0 : i32
    %dma_start3A_605 = arith.constant 0 : i32
    %dma_start3A_606 = tpu.memref_slice %arg4[%select_n3A, %dma_start3A_604, %dma_start3A_605] : memref<4x8192x768xf32, #tpu.memory_space<hbm>> -> memref<1x8192x768xf32, #tpu.memory_space<hbm>>
    %dma_start3A_607 = tpu.memref_squeeze %dma_start3A_606 : memref<1x8192x768xf32, #tpu.memory_space<hbm>> -> memref<8192x768xf32, #tpu.memory_space<hbm>>
    %dma_start3A_608 = arith.constant 0 : i32
    %dma_start3A_609 = tpu.memref_slice %dma_start3A_607[%add3A_597, %dma_start3A_608] : memref<8192x768xf32, #tpu.memory_space<hbm>> -> memref<32x768xf32, #tpu.memory_space<hbm>>
    tpu.enqueue_dma source(%arg9 : memref<32x768xf32, #tpu.memory_space<vmem>>) target(%dma_start3A_609 : memref<32x768xf32, #tpu.memory_space<hbm>>) target_semaphore(%arg17 : memref<!tpu.dma_semaphore, #tpu.memory_space<semaphore_mem>>)
    %dma_wait3A_610 = arith.constant 0 : i32
    %dma_wait3A_611 = arith.constant 0 : i32
    %dma_wait3A_612 = tpu.memref_slice %arg4[%select_n3A, %dma_wait3A_610, %dma_wait3A_611] : memref<4x8192x768xf32, #tpu.memory_space<hbm>> -> memref<1x8192x768xf32, #tpu.memory_space<hbm>>
    %dma_wait3A_613 = tpu.memref_squeeze %dma_wait3A_612 : memref<1x8192x768xf32, #tpu.memory_space<hbm>> -> memref<8192x768xf32, #tpu.memory_space<hbm>>
    %dma_wait3A_614 = arith.constant 0 : i32
    %dma_wait3A_615 = tpu.memref_slice %dma_wait3A_613[%add3A_597, %dma_wait3A_614] : memref<8192x768xf32, #tpu.memory_space<hbm>> -> memref<32x768xf32, #tpu.memory_space<hbm>>
    %dma_wait3A_616 = arith.constant 0 : i32
    %dma_wait3A_617 = arith.constant 0 : i32
    %dma_wait3A_618 = tpu.memref_slice %arg4[%select_n3A, %dma_wait3A_616, %dma_wait3A_617] : memref<4x8192x768xf32, #tpu.memory_space<hbm>> -> memref<1x8192x768xf32, #tpu.memory_space<hbm>>
    %dma_wait3A_619 = tpu.memref_squeeze %dma_wait3A_618 : memref<1x8192x768xf32, #tpu.memory_space<hbm>> -> memref<8192x768xf32, #tpu.memory_space<hbm>>
    %dma_wait3A_620 = arith.constant 0 : i32
    %dma_wait3A_621 = tpu.memref_slice %dma_wait3A_619[%add3A_597, %dma_wait3A_620] : memref<8192x768xf32, #tpu.memory_space<hbm>> -> memref<32x768xf32, #tpu.memory_space<hbm>>
    tpu.wait_dma2 semaphore(%arg17 : memref<!tpu.dma_semaphore, #tpu.memory_space<semaphore_mem>>) src(%arg9 : memref<32x768xf32, #tpu.memory_space<vmem>>) dst(%dma_wait3A_621 : memref<32x768xf32, #tpu.memory_space<hbm>>)
    %dma_start3A_622 = arith.constant 608 : i32
    %dma_start3A_623 = tpu.memref_slice %arg5[%dma_start3A_622] : memref<1024xi32, #tpu.memory_space<vmem>> -> memref<32xi32, #tpu.memory_space<vmem>>
    %dma_start3A_624 = arith.constant 0 : i32
    %dma_start3A_625 = arith.constant 0 : i32
    %dma_start3A_626 = tpu.memref_slice %arg3[%dma_start3A_624, %dma_start3A_625] : memref<8192x768xf32, #tpu.memory_space<hbm>> -> memref<8192x768xf32, #tpu.memory_space<hbm>>
    tpu.enqueue_indirect_dma source(%dma_start3A_626 : memref<8192x768xf32, #tpu.memory_space<hbm>>) target(%arg9 : memref<32x768xf32, #tpu.memory_space<vmem>>) offsets(%dma_start3A_623 : memref<32xi32, #tpu.memory_space<vmem>>) semaphore(%arg13 : memref<!tpu.dma_semaphore, #tpu.memory_space<semaphore_mem>>)
    %dma_wait3A_627 = arith.constant 512 : i32
    %dma_wait3A_628 = tpu.memref_slice %arg5[%dma_wait3A_627] : memref<1024xi32, #tpu.memory_space<vmem>> -> memref<32xi32, #tpu.memory_space<vmem>>
    %dma_wait3A_629 = arith.constant 0 : i32
    %dma_wait3A_630 = arith.constant 0 : i32
    %dma_wait3A_631 = tpu.memref_slice %arg3[%dma_wait3A_629, %dma_wait3A_630] : memref<8192x768xf32, #tpu.memory_space<hbm>> -> memref<8192x768xf32, #tpu.memory_space<hbm>>
    tpu.wait_indirect_dma semaphore(%arg10 : memref<!tpu.dma_semaphore, #tpu.memory_space<semaphore_mem>>) src(%dma_wait3A_631 : memref<8192x768xf32, #tpu.memory_space<hbm>>) dst(%arg6 : memref<32x768xf32, #tpu.memory_space<vmem>>)
    %add3A_632 = arith.constant 512 : i32
    %add3A_633 = arith.addi %mul3A_32, %add3A_632 : i32
    %dma_start3A_634 = arith.constant 0 : i32
    %dma_start3A_635 = arith.constant 0 : i32
    %dma_start3A_636 = tpu.memref_slice %arg4[%select_n3A, %dma_start3A_634, %dma_start3A_635] : memref<4x8192x768xf32, #tpu.memory_space<hbm>> -> memref<1x8192x768xf32, #tpu.memory_space<hbm>>
    %dma_start3A_637 = tpu.memref_squeeze %dma_start3A_636 : memref<1x8192x768xf32, #tpu.memory_space<hbm>> -> memref<8192x768xf32, #tpu.memory_space<hbm>>
    %dma_start3A_638 = arith.constant 0 : i32
    %dma_start3A_639 = tpu.memref_slice %dma_start3A_637[%add3A_633, %dma_start3A_638] : memref<8192x768xf32, #tpu.memory_space<hbm>> -> memref<32x768xf32, #tpu.memory_space<hbm>>
    %dma_start3A_640 = arith.constant 0 : i32
    %dma_start3A_641 = arith.constant 0 : i32
    %dma_start3A_642 = tpu.memref_slice %arg4[%select_n3A, %dma_start3A_640, %dma_start3A_641] : memref<4x8192x768xf32, #tpu.memory_space<hbm>> -> memref<1x8192x768xf32, #tpu.memory_space<hbm>>
    %dma_start3A_643 = tpu.memref_squeeze %dma_start3A_642 : memref<1x8192x768xf32, #tpu.memory_space<hbm>> -> memref<8192x768xf32, #tpu.memory_space<hbm>>
    %dma_start3A_644 = arith.constant 0 : i32
    %dma_start3A_645 = tpu.memref_slice %dma_start3A_643[%add3A_633, %dma_start3A_644] : memref<8192x768xf32, #tpu.memory_space<hbm>> -> memref<32x768xf32, #tpu.memory_space<hbm>>
    tpu.enqueue_dma source(%arg6 : memref<32x768xf32, #tpu.memory_space<vmem>>) target(%dma_start3A_645 : memref<32x768xf32, #tpu.memory_space<hbm>>) target_semaphore(%arg14 : memref<!tpu.dma_semaphore, #tpu.memory_space<semaphore_mem>>)
    %dma_wait3A_646 = arith.constant 0 : i32
    %dma_wait3A_647 = arith.constant 0 : i32
    %dma_wait3A_648 = tpu.memref_slice %arg4[%select_n3A, %dma_wait3A_646, %dma_wait3A_647] : memref<4x8192x768xf32, #tpu.memory_space<hbm>> -> memref<1x8192x768xf32, #tpu.memory_space<hbm>>
    %dma_wait3A_649 = tpu.memref_squeeze %dma_wait3A_648 : memref<1x8192x768xf32, #tpu.memory_space<hbm>> -> memref<8192x768xf32, #tpu.memory_space<hbm>>
    %dma_wait3A_650 = arith.constant 0 : i32
    %dma_wait3A_651 = tpu.memref_slice %dma_wait3A_649[%add3A_633, %dma_wait3A_650] : memref<8192x768xf32, #tpu.memory_space<hbm>> -> memref<32x768xf32, #tpu.memory_space<hbm>>
    %dma_wait3A_652 = arith.constant 0 : i32
    %dma_wait3A_653 = arith.constant 0 : i32
    %dma_wait3A_654 = tpu.memref_slice %arg4[%select_n3A, %dma_wait3A_652, %dma_wait3A_653] : memref<4x8192x768xf32, #tpu.memory_space<hbm>> -> memref<1x8192x768xf32, #tpu.memory_space<hbm>>
    %dma_wait3A_655 = tpu.memref_squeeze %dma_wait3A_654 : memref<1x8192x768xf32, #tpu.memory_space<hbm>> -> memref<8192x768xf32, #tpu.memory_space<hbm>>
    %dma_wait3A_656 = arith.constant 0 : i32
    %dma_wait3A_657 = tpu.memref_slice %dma_wait3A_655[%add3A_633, %dma_wait3A_656] : memref<8192x768xf32, #tpu.memory_space<hbm>> -> memref<32x768xf32, #tpu.memory_space<hbm>>
    tpu.wait_dma2 semaphore(%arg14 : memref<!tpu.dma_semaphore, #tpu.memory_space<semaphore_mem>>) src(%arg6 : memref<32x768xf32, #tpu.memory_space<vmem>>) dst(%dma_wait3A_657 : memref<32x768xf32, #tpu.memory_space<hbm>>)
    %dma_start3A_658 = arith.constant 640 : i32
    %dma_start3A_659 = tpu.memref_slice %arg5[%dma_start3A_658] : memref<1024xi32, #tpu.memory_space<vmem>> -> memref<32xi32, #tpu.memory_space<vmem>>
    %dma_start3A_660 = arith.constant 0 : i32
    %dma_start3A_661 = arith.constant 0 : i32
    %dma_start3A_662 = tpu.memref_slice %arg3[%dma_start3A_660, %dma_start3A_661] : memref<8192x768xf32, #tpu.memory_space<hbm>> -> memref<8192x768xf32, #tpu.memory_space<hbm>>
    tpu.enqueue_indirect_dma source(%dma_start3A_662 : memref<8192x768xf32, #tpu.memory_space<hbm>>) target(%arg6 : memref<32x768xf32, #tpu.memory_space<vmem>>) offsets(%dma_start3A_659 : memref<32xi32, #tpu.memory_space<vmem>>) semaphore(%arg10 : memref<!tpu.dma_semaphore, #tpu.memory_space<semaphore_mem>>)
    %dma_wait3A_663 = arith.constant 544 : i32
    %dma_wait3A_664 = tpu.memref_slice %arg5[%dma_wait3A_663] : memref<1024xi32, #tpu.memory_space<vmem>> -> memref<32xi32, #tpu.memory_space<vmem>>
    %dma_wait3A_665 = arith.constant 0 : i32
    %dma_wait3A_666 = arith.constant 0 : i32
    %dma_wait3A_667 = tpu.memref_slice %arg3[%dma_wait3A_665, %dma_wait3A_666] : memref<8192x768xf32, #tpu.memory_space<hbm>> -> memref<8192x768xf32, #tpu.memory_space<hbm>>
    tpu.wait_indirect_dma semaphore(%arg11 : memref<!tpu.dma_semaphore, #tpu.memory_space<semaphore_mem>>) src(%dma_wait3A_667 : memref<8192x768xf32, #tpu.memory_space<hbm>>) dst(%arg7 : memref<32x768xf32, #tpu.memory_space<vmem>>)
    %add3A_668 = arith.constant 544 : i32
    %add3A_669 = arith.addi %mul3A_32, %add3A_668 : i32
    %dma_start3A_670 = arith.constant 0 : i32
    %dma_start3A_671 = arith.constant 0 : i32
    %dma_start3A_672 = tpu.memref_slice %arg4[%select_n3A, %dma_start3A_670, %dma_start3A_671] : memref<4x8192x768xf32, #tpu.memory_space<hbm>> -> memref<1x8192x768xf32, #tpu.memory_space<hbm>>
    %dma_start3A_673 = tpu.memref_squeeze %dma_start3A_672 : memref<1x8192x768xf32, #tpu.memory_space<hbm>> -> memref<8192x768xf32, #tpu.memory_space<hbm>>
    %dma_start3A_674 = arith.constant 0 : i32
    %dma_start3A_675 = tpu.memref_slice %dma_start3A_673[%add3A_669, %dma_start3A_674] : memref<8192x768xf32, #tpu.memory_space<hbm>> -> memref<32x768xf32, #tpu.memory_space<hbm>>
    %dma_start3A_676 = arith.constant 0 : i32
    %dma_start3A_677 = arith.constant 0 : i32
    %dma_start3A_678 = tpu.memref_slice %arg4[%select_n3A, %dma_start3A_676, %dma_start3A_677] : memref<4x8192x768xf32, #tpu.memory_space<hbm>> -> memref<1x8192x768xf32, #tpu.memory_space<hbm>>
    %dma_start3A_679 = tpu.memref_squeeze %dma_start3A_678 : memref<1x8192x768xf32, #tpu.memory_space<hbm>> -> memref<8192x768xf32, #tpu.memory_space<hbm>>
    %dma_start3A_680 = arith.constant 0 : i32
    %dma_start3A_681 = tpu.memref_slice %dma_start3A_679[%add3A_669, %dma_start3A_680] : memref<8192x768xf32, #tpu.memory_space<hbm>> -> memref<32x768xf32, #tpu.memory_space<hbm>>
    tpu.enqueue_dma source(%arg7 : memref<32x768xf32, #tpu.memory_space<vmem>>) target(%dma_start3A_681 : memref<32x768xf32, #tpu.memory_space<hbm>>) target_semaphore(%arg15 : memref<!tpu.dma_semaphore, #tpu.memory_space<semaphore_mem>>)
    %dma_wait3A_682 = arith.constant 0 : i32
    %dma_wait3A_683 = arith.constant 0 : i32
    %dma_wait3A_684 = tpu.memref_slice %arg4[%select_n3A, %dma_wait3A_682, %dma_wait3A_683] : memref<4x8192x768xf32, #tpu.memory_space<hbm>> -> memref<1x8192x768xf32, #tpu.memory_space<hbm>>
    %dma_wait3A_685 = tpu.memref_squeeze %dma_wait3A_684 : memref<1x8192x768xf32, #tpu.memory_space<hbm>> -> memref<8192x768xf32, #tpu.memory_space<hbm>>
    %dma_wait3A_686 = arith.constant 0 : i32
    %dma_wait3A_687 = tpu.memref_slice %dma_wait3A_685[%add3A_669, %dma_wait3A_686] : memref<8192x768xf32, #tpu.memory_space<hbm>> -> memref<32x768xf32, #tpu.memory_space<hbm>>
    %dma_wait3A_688 = arith.constant 0 : i32
    %dma_wait3A_689 = arith.constant 0 : i32
    %dma_wait3A_690 = tpu.memref_slice %arg4[%select_n3A, %dma_wait3A_688, %dma_wait3A_689] : memref<4x8192x768xf32, #tpu.memory_space<hbm>> -> memref<1x8192x768xf32, #tpu.memory_space<hbm>>
    %dma_wait3A_691 = tpu.memref_squeeze %dma_wait3A_690 : memref<1x8192x768xf32, #tpu.memory_space<hbm>> -> memref<8192x768xf32, #tpu.memory_space<hbm>>
    %dma_wait3A_692 = arith.constant 0 : i32
    %dma_wait3A_693 = tpu.memref_slice %dma_wait3A_691[%add3A_669, %dma_wait3A_692] : memref<8192x768xf32, #tpu.memory_space<hbm>> -> memref<32x768xf32, #tpu.memory_space<hbm>>
    tpu.wait_dma2 semaphore(%arg15 : memref<!tpu.dma_semaphore, #tpu.memory_space<semaphore_mem>>) src(%arg7 : memref<32x768xf32, #tpu.memory_space<vmem>>) dst(%dma_wait3A_693 : memref<32x768xf32, #tpu.memory_space<hbm>>)
    %dma_start3A_694 = arith.constant 672 : i32
    %dma_start3A_695 = tpu.memref_slice %arg5[%dma_start3A_694] : memref<1024xi32, #tpu.memory_space<vmem>> -> memref<32xi32, #tpu.memory_space<vmem>>
    %dma_start3A_696 = arith.constant 0 : i32
    %dma_start3A_697 = arith.constant 0 : i32
    %dma_start3A_698 = tpu.memref_slice %arg3[%dma_start3A_696, %dma_start3A_697] : memref<8192x768xf32, #tpu.memory_space<hbm>> -> memref<8192x768xf32, #tpu.memory_space<hbm>>
    tpu.enqueue_indirect_dma source(%dma_start3A_698 : memref<8192x768xf32, #tpu.memory_space<hbm>>) target(%arg7 : memref<32x768xf32, #tpu.memory_space<vmem>>) offsets(%dma_start3A_695 : memref<32xi32, #tpu.memory_space<vmem>>) semaphore(%arg11 : memref<!tpu.dma_semaphore, #tpu.memory_space<semaphore_mem>>)
    %dma_wait3A_699 = arith.constant 576 : i32
    %dma_wait3A_700 = tpu.memref_slice %arg5[%dma_wait3A_699] : memref<1024xi32, #tpu.memory_space<vmem>> -> memref<32xi32, #tpu.memory_space<vmem>>
    %dma_wait3A_701 = arith.constant 0 : i32
    %dma_wait3A_702 = arith.constant 0 : i32
    %dma_wait3A_703 = tpu.memref_slice %arg3[%dma_wait3A_701, %dma_wait3A_702] : memref<8192x768xf32, #tpu.memory_space<hbm>> -> memref<8192x768xf32, #tpu.memory_space<hbm>>
    tpu.wait_indirect_dma semaphore(%arg12 : memref<!tpu.dma_semaphore, #tpu.memory_space<semaphore_mem>>) src(%dma_wait3A_703 : memref<8192x768xf32, #tpu.memory_space<hbm>>) dst(%arg8 : memref<32x768xf32, #tpu.memory_space<vmem>>)
    %add3A_704 = arith.constant 576 : i32
    %add3A_705 = arith.addi %mul3A_32, %add3A_704 : i32
    %dma_start3A_706 = arith.constant 0 : i32
    %dma_start3A_707 = arith.constant 0 : i32
    %dma_start3A_708 = tpu.memref_slice %arg4[%select_n3A, %dma_start3A_706, %dma_start3A_707] : memref<4x8192x768xf32, #tpu.memory_space<hbm>> -> memref<1x8192x768xf32, #tpu.memory_space<hbm>>
    %dma_start3A_709 = tpu.memref_squeeze %dma_start3A_708 : memref<1x8192x768xf32, #tpu.memory_space<hbm>> -> memref<8192x768xf32, #tpu.memory_space<hbm>>
    %dma_start3A_710 = arith.constant 0 : i32
    %dma_start3A_711 = tpu.memref_slice %dma_start3A_709[%add3A_705, %dma_start3A_710] : memref<8192x768xf32, #tpu.memory_space<hbm>> -> memref<32x768xf32, #tpu.memory_space<hbm>>
    %dma_start3A_712 = arith.constant 0 : i32
    %dma_start3A_713 = arith.constant 0 : i32
    %dma_start3A_714 = tpu.memref_slice %arg4[%select_n3A, %dma_start3A_712, %dma_start3A_713] : memref<4x8192x768xf32, #tpu.memory_space<hbm>> -> memref<1x8192x768xf32, #tpu.memory_space<hbm>>
    %dma_start3A_715 = tpu.memref_squeeze %dma_start3A_714 : memref<1x8192x768xf32, #tpu.memory_space<hbm>> -> memref<8192x768xf32, #tpu.memory_space<hbm>>
    %dma_start3A_716 = arith.constant 0 : i32
    %dma_start3A_717 = tpu.memref_slice %dma_start3A_715[%add3A_705, %dma_start3A_716] : memref<8192x768xf32, #tpu.memory_space<hbm>> -> memref<32x768xf32, #tpu.memory_space<hbm>>
    tpu.enqueue_dma source(%arg8 : memref<32x768xf32, #tpu.memory_space<vmem>>) target(%dma_start3A_717 : memref<32x768xf32, #tpu.memory_space<hbm>>) target_semaphore(%arg16 : memref<!tpu.dma_semaphore, #tpu.memory_space<semaphore_mem>>)
    %dma_wait3A_718 = arith.constant 0 : i32
    %dma_wait3A_719 = arith.constant 0 : i32
    %dma_wait3A_720 = tpu.memref_slice %arg4[%select_n3A, %dma_wait3A_718, %dma_wait3A_719] : memref<4x8192x768xf32, #tpu.memory_space<hbm>> -> memref<1x8192x768xf32, #tpu.memory_space<hbm>>
    %dma_wait3A_721 = tpu.memref_squeeze %dma_wait3A_720 : memref<1x8192x768xf32, #tpu.memory_space<hbm>> -> memref<8192x768xf32, #tpu.memory_space<hbm>>
    %dma_wait3A_722 = arith.constant 0 : i32
    %dma_wait3A_723 = tpu.memref_slice %dma_wait3A_721[%add3A_705, %dma_wait3A_722] : memref<8192x768xf32, #tpu.memory_space<hbm>> -> memref<32x768xf32, #tpu.memory_space<hbm>>
    %dma_wait3A_724 = arith.constant 0 : i32
    %dma_wait3A_725 = arith.constant 0 : i32
    %dma_wait3A_726 = tpu.memref_slice %arg4[%select_n3A, %dma_wait3A_724, %dma_wait3A_725] : memref<4x8192x768xf32, #tpu.memory_space<hbm>> -> memref<1x8192x768xf32, #tpu.memory_space<hbm>>
    %dma_wait3A_727 = tpu.memref_squeeze %dma_wait3A_726 : memref<1x8192x768xf32, #tpu.memory_space<hbm>> -> memref<8192x768xf32, #tpu.memory_space<hbm>>
    %dma_wait3A_728 = arith.constant 0 : i32
    %dma_wait3A_729 = tpu.memref_slice %dma_wait3A_727[%add3A_705, %dma_wait3A_728] : memref<8192x768xf32, #tpu.memory_space<hbm>> -> memref<32x768xf32, #tpu.memory_space<hbm>>
    tpu.wait_dma2 semaphore(%arg16 : memref<!tpu.dma_semaphore, #tpu.memory_space<semaphore_mem>>) src(%arg8 : memref<32x768xf32, #tpu.memory_space<vmem>>) dst(%dma_wait3A_729 : memref<32x768xf32, #tpu.memory_space<hbm>>)
    %dma_start3A_730 = arith.constant 704 : i32
    %dma_start3A_731 = tpu.memref_slice %arg5[%dma_start3A_730] : memref<1024xi32, #tpu.memory_space<vmem>> -> memref<32xi32, #tpu.memory_space<vmem>>
    %dma_start3A_732 = arith.constant 0 : i32
    %dma_start3A_733 = arith.constant 0 : i32
    %dma_start3A_734 = tpu.memref_slice %arg3[%dma_start3A_732, %dma_start3A_733] : memref<8192x768xf32, #tpu.memory_space<hbm>> -> memref<8192x768xf32, #tpu.memory_space<hbm>>
    tpu.enqueue_indirect_dma source(%dma_start3A_734 : memref<8192x768xf32, #tpu.memory_space<hbm>>) target(%arg8 : memref<32x768xf32, #tpu.memory_space<vmem>>) offsets(%dma_start3A_731 : memref<32xi32, #tpu.memory_space<vmem>>) semaphore(%arg12 : memref<!tpu.dma_semaphore, #tpu.memory_space<semaphore_mem>>)
    %dma_wait3A_735 = arith.constant 608 : i32
    %dma_wait3A_736 = tpu.memref_slice %arg5[%dma_wait3A_735] : memref<1024xi32, #tpu.memory_space<vmem>> -> memref<32xi32, #tpu.memory_space<vmem>>
    %dma_wait3A_737 = arith.constant 0 : i32
    %dma_wait3A_738 = arith.constant 0 : i32
    %dma_wait3A_739 = tpu.memref_slice %arg3[%dma_wait3A_737, %dma_wait3A_738] : memref<8192x768xf32, #tpu.memory_space<hbm>> -> memref<8192x768xf32, #tpu.memory_space<hbm>>
    tpu.wait_indirect_dma semaphore(%arg13 : memref<!tpu.dma_semaphore, #tpu.memory_space<semaphore_mem>>) src(%dma_wait3A_739 : memref<8192x768xf32, #tpu.memory_space<hbm>>) dst(%arg9 : memref<32x768xf32, #tpu.memory_space<vmem>>)
    %add3A_740 = arith.constant 608 : i32
    %add3A_741 = arith.addi %mul3A_32, %add3A_740 : i32
    %dma_start3A_742 = arith.constant 0 : i32
    %dma_start3A_743 = arith.constant 0 : i32
    %dma_start3A_744 = tpu.memref_slice %arg4[%select_n3A, %dma_start3A_742, %dma_start3A_743] : memref<4x8192x768xf32, #tpu.memory_space<hbm>> -> memref<1x8192x768xf32, #tpu.memory_space<hbm>>
    %dma_start3A_745 = tpu.memref_squeeze %dma_start3A_744 : memref<1x8192x768xf32, #tpu.memory_space<hbm>> -> memref<8192x768xf32, #tpu.memory_space<hbm>>
    %dma_start3A_746 = arith.constant 0 : i32
    %dma_start3A_747 = tpu.memref_slice %dma_start3A_745[%add3A_741, %dma_start3A_746] : memref<8192x768xf32, #tpu.memory_space<hbm>> -> memref<32x768xf32, #tpu.memory_space<hbm>>
    %dma_start3A_748 = arith.constant 0 : i32
    %dma_start3A_749 = arith.constant 0 : i32
    %dma_start3A_750 = tpu.memref_slice %arg4[%select_n3A, %dma_start3A_748, %dma_start3A_749] : memref<4x8192x768xf32, #tpu.memory_space<hbm>> -> memref<1x8192x768xf32, #tpu.memory_space<hbm>>
    %dma_start3A_751 = tpu.memref_squeeze %dma_start3A_750 : memref<1x8192x768xf32, #tpu.memory_space<hbm>> -> memref<8192x768xf32, #tpu.memory_space<hbm>>
    %dma_start3A_752 = arith.constant 0 : i32
    %dma_start3A_753 = tpu.memref_slice %dma_start3A_751[%add3A_741, %dma_start3A_752] : memref<8192x768xf32, #tpu.memory_space<hbm>> -> memref<32x768xf32, #tpu.memory_space<hbm>>
    tpu.enqueue_dma source(%arg9 : memref<32x768xf32, #tpu.memory_space<vmem>>) target(%dma_start3A_753 : memref<32x768xf32, #tpu.memory_space<hbm>>) target_semaphore(%arg17 : memref<!tpu.dma_semaphore, #tpu.memory_space<semaphore_mem>>)
    %dma_wait3A_754 = arith.constant 0 : i32
    %dma_wait3A_755 = arith.constant 0 : i32
    %dma_wait3A_756 = tpu.memref_slice %arg4[%select_n3A, %dma_wait3A_754, %dma_wait3A_755] : memref<4x8192x768xf32, #tpu.memory_space<hbm>> -> memref<1x8192x768xf32, #tpu.memory_space<hbm>>
    %dma_wait3A_757 = tpu.memref_squeeze %dma_wait3A_756 : memref<1x8192x768xf32, #tpu.memory_space<hbm>> -> memref<8192x768xf32, #tpu.memory_space<hbm>>
    %dma_wait3A_758 = arith.constant 0 : i32
    %dma_wait3A_759 = tpu.memref_slice %dma_wait3A_757[%add3A_741, %dma_wait3A_758] : memref<8192x768xf32, #tpu.memory_space<hbm>> -> memref<32x768xf32, #tpu.memory_space<hbm>>
    %dma_wait3A_760 = arith.constant 0 : i32
    %dma_wait3A_761 = arith.constant 0 : i32
    %dma_wait3A_762 = tpu.memref_slice %arg4[%select_n3A, %dma_wait3A_760, %dma_wait3A_761] : memref<4x8192x768xf32, #tpu.memory_space<hbm>> -> memref<1x8192x768xf32, #tpu.memory_space<hbm>>
    %dma_wait3A_763 = tpu.memref_squeeze %dma_wait3A_762 : memref<1x8192x768xf32, #tpu.memory_space<hbm>> -> memref<8192x768xf32, #tpu.memory_space<hbm>>
    %dma_wait3A_764 = arith.constant 0 : i32
    %dma_wait3A_765 = tpu.memref_slice %dma_wait3A_763[%add3A_741, %dma_wait3A_764] : memref<8192x768xf32, #tpu.memory_space<hbm>> -> memref<32x768xf32, #tpu.memory_space<hbm>>
    tpu.wait_dma2 semaphore(%arg17 : memref<!tpu.dma_semaphore, #tpu.memory_space<semaphore_mem>>) src(%arg9 : memref<32x768xf32, #tpu.memory_space<vmem>>) dst(%dma_wait3A_765 : memref<32x768xf32, #tpu.memory_space<hbm>>)
    %dma_start3A_766 = arith.constant 736 : i32
    %dma_start3A_767 = tpu.memref_slice %arg5[%dma_start3A_766] : memref<1024xi32, #tpu.memory_space<vmem>> -> memref<32xi32, #tpu.memory_space<vmem>>
    %dma_start3A_768 = arith.constant 0 : i32
    %dma_start3A_769 = arith.constant 0 : i32
    %dma_start3A_770 = tpu.memref_slice %arg3[%dma_start3A_768, %dma_start3A_769] : memref<8192x768xf32, #tpu.memory_space<hbm>> -> memref<8192x768xf32, #tpu.memory_space<hbm>>
    tpu.enqueue_indirect_dma source(%dma_start3A_770 : memref<8192x768xf32, #tpu.memory_space<hbm>>) target(%arg9 : memref<32x768xf32, #tpu.memory_space<vmem>>) offsets(%dma_start3A_767 : memref<32xi32, #tpu.memory_space<vmem>>) semaphore(%arg13 : memref<!tpu.dma_semaphore, #tpu.memory_space<semaphore_mem>>)
    %dma_wait3A_771 = arith.constant 640 : i32
    %dma_wait3A_772 = tpu.memref_slice %arg5[%dma_wait3A_771] : memref<1024xi32, #tpu.memory_space<vmem>> -> memref<32xi32, #tpu.memory_space<vmem>>
    %dma_wait3A_773 = arith.constant 0 : i32
    %dma_wait3A_774 = arith.constant 0 : i32
    %dma_wait3A_775 = tpu.memref_slice %arg3[%dma_wait3A_773, %dma_wait3A_774] : memref<8192x768xf32, #tpu.memory_space<hbm>> -> memref<8192x768xf32, #tpu.memory_space<hbm>>
    tpu.wait_indirect_dma semaphore(%arg10 : memref<!tpu.dma_semaphore, #tpu.memory_space<semaphore_mem>>) src(%dma_wait3A_775 : memref<8192x768xf32, #tpu.memory_space<hbm>>) dst(%arg6 : memref<32x768xf32, #tpu.memory_space<vmem>>)
    %add3A_776 = arith.constant 640 : i32
    %add3A_777 = arith.addi %mul3A_32, %add3A_776 : i32
    %dma_start3A_778 = arith.constant 0 : i32
    %dma_start3A_779 = arith.constant 0 : i32
    %dma_start3A_780 = tpu.memref_slice %arg4[%select_n3A, %dma_start3A_778, %dma_start3A_779] : memref<4x8192x768xf32, #tpu.memory_space<hbm>> -> memref<1x8192x768xf32, #tpu.memory_space<hbm>>
    %dma_start3A_781 = tpu.memref_squeeze %dma_start3A_780 : memref<1x8192x768xf32, #tpu.memory_space<hbm>> -> memref<8192x768xf32, #tpu.memory_space<hbm>>
    %dma_start3A_782 = arith.constant 0 : i32
    %dma_start3A_783 = tpu.memref_slice %dma_start3A_781[%add3A_777, %dma_start3A_782] : memref<8192x768xf32, #tpu.memory_space<hbm>> -> memref<32x768xf32, #tpu.memory_space<hbm>>
    %dma_start3A_784 = arith.constant 0 : i32
    %dma_start3A_785 = arith.constant 0 : i32
    %dma_start3A_786 = tpu.memref_slice %arg4[%select_n3A, %dma_start3A_784, %dma_start3A_785] : memref<4x8192x768xf32, #tpu.memory_space<hbm>> -> memref<1x8192x768xf32, #tpu.memory_space<hbm>>
    %dma_start3A_787 = tpu.memref_squeeze %dma_start3A_786 : memref<1x8192x768xf32, #tpu.memory_space<hbm>> -> memref<8192x768xf32, #tpu.memory_space<hbm>>
    %dma_start3A_788 = arith.constant 0 : i32
    %dma_start3A_789 = tpu.memref_slice %dma_start3A_787[%add3A_777, %dma_start3A_788] : memref<8192x768xf32, #tpu.memory_space<hbm>> -> memref<32x768xf32, #tpu.memory_space<hbm>>
    tpu.enqueue_dma source(%arg6 : memref<32x768xf32, #tpu.memory_space<vmem>>) target(%dma_start3A_789 : memref<32x768xf32, #tpu.memory_space<hbm>>) target_semaphore(%arg14 : memref<!tpu.dma_semaphore, #tpu.memory_space<semaphore_mem>>)
    %dma_wait3A_790 = arith.constant 0 : i32
    %dma_wait3A_791 = arith.constant 0 : i32
    %dma_wait3A_792 = tpu.memref_slice %arg4[%select_n3A, %dma_wait3A_790, %dma_wait3A_791] : memref<4x8192x768xf32, #tpu.memory_space<hbm>> -> memref<1x8192x768xf32, #tpu.memory_space<hbm>>
    %dma_wait3A_793 = tpu.memref_squeeze %dma_wait3A_792 : memref<1x8192x768xf32, #tpu.memory_space<hbm>> -> memref<8192x768xf32, #tpu.memory_space<hbm>>
    %dma_wait3A_794 = arith.constant 0 : i32
    %dma_wait3A_795 = tpu.memref_slice %dma_wait3A_793[%add3A_777, %dma_wait3A_794] : memref<8192x768xf32, #tpu.memory_space<hbm>> -> memref<32x768xf32, #tpu.memory_space<hbm>>
    %dma_wait3A_796 = arith.constant 0 : i32
    %dma_wait3A_797 = arith.constant 0 : i32
    %dma_wait3A_798 = tpu.memref_slice %arg4[%select_n3A, %dma_wait3A_796, %dma_wait3A_797] : memref<4x8192x768xf32, #tpu.memory_space<hbm>> -> memref<1x8192x768xf32, #tpu.memory_space<hbm>>
    %dma_wait3A_799 = tpu.memref_squeeze %dma_wait3A_798 : memref<1x8192x768xf32, #tpu.memory_space<hbm>> -> memref<8192x768xf32, #tpu.memory_space<hbm>>
    %dma_wait3A_800 = arith.constant 0 : i32
    %dma_wait3A_801 = tpu.memref_slice %dma_wait3A_799[%add3A_777, %dma_wait3A_800] : memref<8192x768xf32, #tpu.memory_space<hbm>> -> memref<32x768xf32, #tpu.memory_space<hbm>>
    tpu.wait_dma2 semaphore(%arg14 : memref<!tpu.dma_semaphore, #tpu.memory_space<semaphore_mem>>) src(%arg6 : memref<32x768xf32, #tpu.memory_space<vmem>>) dst(%dma_wait3A_801 : memref<32x768xf32, #tpu.memory_space<hbm>>)
    %dma_start3A_802 = arith.constant 768 : i32
    %dma_start3A_803 = tpu.memref_slice %arg5[%dma_start3A_802] : memref<1024xi32, #tpu.memory_space<vmem>> -> memref<32xi32, #tpu.memory_space<vmem>>
    %dma_start3A_804 = arith.constant 0 : i32
    %dma_start3A_805 = arith.constant 0 : i32
    %dma_start3A_806 = tpu.memref_slice %arg3[%dma_start3A_804, %dma_start3A_805] : memref<8192x768xf32, #tpu.memory_space<hbm>> -> memref<8192x768xf32, #tpu.memory_space<hbm>>
    tpu.enqueue_indirect_dma source(%dma_start3A_806 : memref<8192x768xf32, #tpu.memory_space<hbm>>) target(%arg6 : memref<32x768xf32, #tpu.memory_space<vmem>>) offsets(%dma_start3A_803 : memref<32xi32, #tpu.memory_space<vmem>>) semaphore(%arg10 : memref<!tpu.dma_semaphore, #tpu.memory_space<semaphore_mem>>)
    %dma_wait3A_807 = arith.constant 672 : i32
    %dma_wait3A_808 = tpu.memref_slice %arg5[%dma_wait3A_807] : memref<1024xi32, #tpu.memory_space<vmem>> -> memref<32xi32, #tpu.memory_space<vmem>>
    %dma_wait3A_809 = arith.constant 0 : i32
    %dma_wait3A_810 = arith.constant 0 : i32
    %dma_wait3A_811 = tpu.memref_slice %arg3[%dma_wait3A_809, %dma_wait3A_810] : memref<8192x768xf32, #tpu.memory_space<hbm>> -> memref<8192x768xf32, #tpu.memory_space<hbm>>
    tpu.wait_indirect_dma semaphore(%arg11 : memref<!tpu.dma_semaphore, #tpu.memory_space<semaphore_mem>>) src(%dma_wait3A_811 : memref<8192x768xf32, #tpu.memory_space<hbm>>) dst(%arg7 : memref<32x768xf32, #tpu.memory_space<vmem>>)
    %add3A_812 = arith.constant 672 : i32
    %add3A_813 = arith.addi %mul3A_32, %add3A_812 : i32
    %dma_start3A_814 = arith.constant 0 : i32
    %dma_start3A_815 = arith.constant 0 : i32
    %dma_start3A_816 = tpu.memref_slice %arg4[%select_n3A, %dma_start3A_814, %dma_start3A_815] : memref<4x8192x768xf32, #tpu.memory_space<hbm>> -> memref<1x8192x768xf32, #tpu.memory_space<hbm>>
    %dma_start3A_817 = tpu.memref_squeeze %dma_start3A_816 : memref<1x8192x768xf32, #tpu.memory_space<hbm>> -> memref<8192x768xf32, #tpu.memory_space<hbm>>
    %dma_start3A_818 = arith.constant 0 : i32
    %dma_start3A_819 = tpu.memref_slice %dma_start3A_817[%add3A_813, %dma_start3A_818] : memref<8192x768xf32, #tpu.memory_space<hbm>> -> memref<32x768xf32, #tpu.memory_space<hbm>>
    %dma_start3A_820 = arith.constant 0 : i32
    %dma_start3A_821 = arith.constant 0 : i32
    %dma_start3A_822 = tpu.memref_slice %arg4[%select_n3A, %dma_start3A_820, %dma_start3A_821] : memref<4x8192x768xf32, #tpu.memory_space<hbm>> -> memref<1x8192x768xf32, #tpu.memory_space<hbm>>
    %dma_start3A_823 = tpu.memref_squeeze %dma_start3A_822 : memref<1x8192x768xf32, #tpu.memory_space<hbm>> -> memref<8192x768xf32, #tpu.memory_space<hbm>>
    %dma_start3A_824 = arith.constant 0 : i32
    %dma_start3A_825 = tpu.memref_slice %dma_start3A_823[%add3A_813, %dma_start3A_824] : memref<8192x768xf32, #tpu.memory_space<hbm>> -> memref<32x768xf32, #tpu.memory_space<hbm>>
    tpu.enqueue_dma source(%arg7 : memref<32x768xf32, #tpu.memory_space<vmem>>) target(%dma_start3A_825 : memref<32x768xf32, #tpu.memory_space<hbm>>) target_semaphore(%arg15 : memref<!tpu.dma_semaphore, #tpu.memory_space<semaphore_mem>>)
    %dma_wait3A_826 = arith.constant 0 : i32
    %dma_wait3A_827 = arith.constant 0 : i32
    %dma_wait3A_828 = tpu.memref_slice %arg4[%select_n3A, %dma_wait3A_826, %dma_wait3A_827] : memref<4x8192x768xf32, #tpu.memory_space<hbm>> -> memref<1x8192x768xf32, #tpu.memory_space<hbm>>
    %dma_wait3A_829 = tpu.memref_squeeze %dma_wait3A_828 : memref<1x8192x768xf32, #tpu.memory_space<hbm>> -> memref<8192x768xf32, #tpu.memory_space<hbm>>
    %dma_wait3A_830 = arith.constant 0 : i32
    %dma_wait3A_831 = tpu.memref_slice %dma_wait3A_829[%add3A_813, %dma_wait3A_830] : memref<8192x768xf32, #tpu.memory_space<hbm>> -> memref<32x768xf32, #tpu.memory_space<hbm>>
    %dma_wait3A_832 = arith.constant 0 : i32
    %dma_wait3A_833 = arith.constant 0 : i32
    %dma_wait3A_834 = tpu.memref_slice %arg4[%select_n3A, %dma_wait3A_832, %dma_wait3A_833] : memref<4x8192x768xf32, #tpu.memory_space<hbm>> -> memref<1x8192x768xf32, #tpu.memory_space<hbm>>
    %dma_wait3A_835 = tpu.memref_squeeze %dma_wait3A_834 : memref<1x8192x768xf32, #tpu.memory_space<hbm>> -> memref<8192x768xf32, #tpu.memory_space<hbm>>
    %dma_wait3A_836 = arith.constant 0 : i32
    %dma_wait3A_837 = tpu.memref_slice %dma_wait3A_835[%add3A_813, %dma_wait3A_836] : memref<8192x768xf32, #tpu.memory_space<hbm>> -> memref<32x768xf32, #tpu.memory_space<hbm>>
    tpu.wait_dma2 semaphore(%arg15 : memref<!tpu.dma_semaphore, #tpu.memory_space<semaphore_mem>>) src(%arg7 : memref<32x768xf32, #tpu.memory_space<vmem>>) dst(%dma_wait3A_837 : memref<32x768xf32, #tpu.memory_space<hbm>>)
    %dma_start3A_838 = arith.constant 800 : i32
    %dma_start3A_839 = tpu.memref_slice %arg5[%dma_start3A_838] : memref<1024xi32, #tpu.memory_space<vmem>> -> memref<32xi32, #tpu.memory_space<vmem>>
    %dma_start3A_840 = arith.constant 0 : i32
    %dma_start3A_841 = arith.constant 0 : i32
    %dma_start3A_842 = tpu.memref_slice %arg3[%dma_start3A_840, %dma_start3A_841] : memref<8192x768xf32, #tpu.memory_space<hbm>> -> memref<8192x768xf32, #tpu.memory_space<hbm>>
    tpu.enqueue_indirect_dma source(%dma_start3A_842 : memref<8192x768xf32, #tpu.memory_space<hbm>>) target(%arg7 : memref<32x768xf32, #tpu.memory_space<vmem>>) offsets(%dma_start3A_839 : memref<32xi32, #tpu.memory_space<vmem>>) semaphore(%arg11 : memref<!tpu.dma_semaphore, #tpu.memory_space<semaphore_mem>>)
    %dma_wait3A_843 = arith.constant 704 : i32
    %dma_wait3A_844 = tpu.memref_slice %arg5[%dma_wait3A_843] : memref<1024xi32, #tpu.memory_space<vmem>> -> memref<32xi32, #tpu.memory_space<vmem>>
    %dma_wait3A_845 = arith.constant 0 : i32
    %dma_wait3A_846 = arith.constant 0 : i32
    %dma_wait3A_847 = tpu.memref_slice %arg3[%dma_wait3A_845, %dma_wait3A_846] : memref<8192x768xf32, #tpu.memory_space<hbm>> -> memref<8192x768xf32, #tpu.memory_space<hbm>>
    tpu.wait_indirect_dma semaphore(%arg12 : memref<!tpu.dma_semaphore, #tpu.memory_space<semaphore_mem>>) src(%dma_wait3A_847 : memref<8192x768xf32, #tpu.memory_space<hbm>>) dst(%arg8 : memref<32x768xf32, #tpu.memory_space<vmem>>)
    %add3A_848 = arith.constant 704 : i32
    %add3A_849 = arith.addi %mul3A_32, %add3A_848 : i32
    %dma_start3A_850 = arith.constant 0 : i32
    %dma_start3A_851 = arith.constant 0 : i32
    %dma_start3A_852 = tpu.memref_slice %arg4[%select_n3A, %dma_start3A_850, %dma_start3A_851] : memref<4x8192x768xf32, #tpu.memory_space<hbm>> -> memref<1x8192x768xf32, #tpu.memory_space<hbm>>
    %dma_start3A_853 = tpu.memref_squeeze %dma_start3A_852 : memref<1x8192x768xf32, #tpu.memory_space<hbm>> -> memref<8192x768xf32, #tpu.memory_space<hbm>>
    %dma_start3A_854 = arith.constant 0 : i32
    %dma_start3A_855 = tpu.memref_slice %dma_start3A_853[%add3A_849, %dma_start3A_854] : memref<8192x768xf32, #tpu.memory_space<hbm>> -> memref<32x768xf32, #tpu.memory_space<hbm>>
    %dma_start3A_856 = arith.constant 0 : i32
    %dma_start3A_857 = arith.constant 0 : i32
    %dma_start3A_858 = tpu.memref_slice %arg4[%select_n3A, %dma_start3A_856, %dma_start3A_857] : memref<4x8192x768xf32, #tpu.memory_space<hbm>> -> memref<1x8192x768xf32, #tpu.memory_space<hbm>>
    %dma_start3A_859 = tpu.memref_squeeze %dma_start3A_858 : memref<1x8192x768xf32, #tpu.memory_space<hbm>> -> memref<8192x768xf32, #tpu.memory_space<hbm>>
    %dma_start3A_860 = arith.constant 0 : i32
    %dma_start3A_861 = tpu.memref_slice %dma_start3A_859[%add3A_849, %dma_start3A_860] : memref<8192x768xf32, #tpu.memory_space<hbm>> -> memref<32x768xf32, #tpu.memory_space<hbm>>
    tpu.enqueue_dma source(%arg8 : memref<32x768xf32, #tpu.memory_space<vmem>>) target(%dma_start3A_861 : memref<32x768xf32, #tpu.memory_space<hbm>>) target_semaphore(%arg16 : memref<!tpu.dma_semaphore, #tpu.memory_space<semaphore_mem>>)
    %dma_wait3A_862 = arith.constant 0 : i32
    %dma_wait3A_863 = arith.constant 0 : i32
    %dma_wait3A_864 = tpu.memref_slice %arg4[%select_n3A, %dma_wait3A_862, %dma_wait3A_863] : memref<4x8192x768xf32, #tpu.memory_space<hbm>> -> memref<1x8192x768xf32, #tpu.memory_space<hbm>>
    %dma_wait3A_865 = tpu.memref_squeeze %dma_wait3A_864 : memref<1x8192x768xf32, #tpu.memory_space<hbm>> -> memref<8192x768xf32, #tpu.memory_space<hbm>>
    %dma_wait3A_866 = arith.constant 0 : i32
    %dma_wait3A_867 = tpu.memref_slice %dma_wait3A_865[%add3A_849, %dma_wait3A_866] : memref<8192x768xf32, #tpu.memory_space<hbm>> -> memref<32x768xf32, #tpu.memory_space<hbm>>
    %dma_wait3A_868 = arith.constant 0 : i32
    %dma_wait3A_869 = arith.constant 0 : i32
    %dma_wait3A_870 = tpu.memref_slice %arg4[%select_n3A, %dma_wait3A_868, %dma_wait3A_869] : memref<4x8192x768xf32, #tpu.memory_space<hbm>> -> memref<1x8192x768xf32, #tpu.memory_space<hbm>>
    %dma_wait3A_871 = tpu.memref_squeeze %dma_wait3A_870 : memref<1x8192x768xf32, #tpu.memory_space<hbm>> -> memref<8192x768xf32, #tpu.memory_space<hbm>>
    %dma_wait3A_872 = arith.constant 0 : i32
    %dma_wait3A_873 = tpu.memref_slice %dma_wait3A_871[%add3A_849, %dma_wait3A_872] : memref<8192x768xf32, #tpu.memory_space<hbm>> -> memref<32x768xf32, #tpu.memory_space<hbm>>
    tpu.wait_dma2 semaphore(%arg16 : memref<!tpu.dma_semaphore, #tpu.memory_space<semaphore_mem>>) src(%arg8 : memref<32x768xf32, #tpu.memory_space<vmem>>) dst(%dma_wait3A_873 : memref<32x768xf32, #tpu.memory_space<hbm>>)
    %dma_start3A_874 = arith.constant 832 : i32
    %dma_start3A_875 = tpu.memref_slice %arg5[%dma_start3A_874] : memref<1024xi32, #tpu.memory_space<vmem>> -> memref<32xi32, #tpu.memory_space<vmem>>
    %dma_start3A_876 = arith.constant 0 : i32
    %dma_start3A_877 = arith.constant 0 : i32
    %dma_start3A_878 = tpu.memref_slice %arg3[%dma_start3A_876, %dma_start3A_877] : memref<8192x768xf32, #tpu.memory_space<hbm>> -> memref<8192x768xf32, #tpu.memory_space<hbm>>
    tpu.enqueue_indirect_dma source(%dma_start3A_878 : memref<8192x768xf32, #tpu.memory_space<hbm>>) target(%arg8 : memref<32x768xf32, #tpu.memory_space<vmem>>) offsets(%dma_start3A_875 : memref<32xi32, #tpu.memory_space<vmem>>) semaphore(%arg12 : memref<!tpu.dma_semaphore, #tpu.memory_space<semaphore_mem>>)
    %dma_wait3A_879 = arith.constant 736 : i32
    %dma_wait3A_880 = tpu.memref_slice %arg5[%dma_wait3A_879] : memref<1024xi32, #tpu.memory_space<vmem>> -> memref<32xi32, #tpu.memory_space<vmem>>
    %dma_wait3A_881 = arith.constant 0 : i32
    %dma_wait3A_882 = arith.constant 0 : i32
    %dma_wait3A_883 = tpu.memref_slice %arg3[%dma_wait3A_881, %dma_wait3A_882] : memref<8192x768xf32, #tpu.memory_space<hbm>> -> memref<8192x768xf32, #tpu.memory_space<hbm>>
    tpu.wait_indirect_dma semaphore(%arg13 : memref<!tpu.dma_semaphore, #tpu.memory_space<semaphore_mem>>) src(%dma_wait3A_883 : memref<8192x768xf32, #tpu.memory_space<hbm>>) dst(%arg9 : memref<32x768xf32, #tpu.memory_space<vmem>>)
    %add3A_884 = arith.constant 736 : i32
    %add3A_885 = arith.addi %mul3A_32, %add3A_884 : i32
    %dma_start3A_886 = arith.constant 0 : i32
    %dma_start3A_887 = arith.constant 0 : i32
    %dma_start3A_888 = tpu.memref_slice %arg4[%select_n3A, %dma_start3A_886, %dma_start3A_887] : memref<4x8192x768xf32, #tpu.memory_space<hbm>> -> memref<1x8192x768xf32, #tpu.memory_space<hbm>>
    %dma_start3A_889 = tpu.memref_squeeze %dma_start3A_888 : memref<1x8192x768xf32, #tpu.memory_space<hbm>> -> memref<8192x768xf32, #tpu.memory_space<hbm>>
    %dma_start3A_890 = arith.constant 0 : i32
    %dma_start3A_891 = tpu.memref_slice %dma_start3A_889[%add3A_885, %dma_start3A_890] : memref<8192x768xf32, #tpu.memory_space<hbm>> -> memref<32x768xf32, #tpu.memory_space<hbm>>
    %dma_start3A_892 = arith.constant 0 : i32
    %dma_start3A_893 = arith.constant 0 : i32
    %dma_start3A_894 = tpu.memref_slice %arg4[%select_n3A, %dma_start3A_892, %dma_start3A_893] : memref<4x8192x768xf32, #tpu.memory_space<hbm>> -> memref<1x8192x768xf32, #tpu.memory_space<hbm>>
    %dma_start3A_895 = tpu.memref_squeeze %dma_start3A_894 : memref<1x8192x768xf32, #tpu.memory_space<hbm>> -> memref<8192x768xf32, #tpu.memory_space<hbm>>
    %dma_start3A_896 = arith.constant 0 : i32
    %dma_start3A_897 = tpu.memref_slice %dma_start3A_895[%add3A_885, %dma_start3A_896] : memref<8192x768xf32, #tpu.memory_space<hbm>> -> memref<32x768xf32, #tpu.memory_space<hbm>>
    tpu.enqueue_dma source(%arg9 : memref<32x768xf32, #tpu.memory_space<vmem>>) target(%dma_start3A_897 : memref<32x768xf32, #tpu.memory_space<hbm>>) target_semaphore(%arg17 : memref<!tpu.dma_semaphore, #tpu.memory_space<semaphore_mem>>)
    %dma_wait3A_898 = arith.constant 0 : i32
    %dma_wait3A_899 = arith.constant 0 : i32
    %dma_wait3A_900 = tpu.memref_slice %arg4[%select_n3A, %dma_wait3A_898, %dma_wait3A_899] : memref<4x8192x768xf32, #tpu.memory_space<hbm>> -> memref<1x8192x768xf32, #tpu.memory_space<hbm>>
    %dma_wait3A_901 = tpu.memref_squeeze %dma_wait3A_900 : memref<1x8192x768xf32, #tpu.memory_space<hbm>> -> memref<8192x768xf32, #tpu.memory_space<hbm>>
    %dma_wait3A_902 = arith.constant 0 : i32
    %dma_wait3A_903 = tpu.memref_slice %dma_wait3A_901[%add3A_885, %dma_wait3A_902] : memref<8192x768xf32, #tpu.memory_space<hbm>> -> memref<32x768xf32, #tpu.memory_space<hbm>>
    %dma_wait3A_904 = arith.constant 0 : i32
    %dma_wait3A_905 = arith.constant 0 : i32
    %dma_wait3A_906 = tpu.memref_slice %arg4[%select_n3A, %dma_wait3A_904, %dma_wait3A_905] : memref<4x8192x768xf32, #tpu.memory_space<hbm>> -> memref<1x8192x768xf32, #tpu.memory_space<hbm>>
    %dma_wait3A_907 = tpu.memref_squeeze %dma_wait3A_906 : memref<1x8192x768xf32, #tpu.memory_space<hbm>> -> memref<8192x768xf32, #tpu.memory_space<hbm>>
    %dma_wait3A_908 = arith.constant 0 : i32
    %dma_wait3A_909 = tpu.memref_slice %dma_wait3A_907[%add3A_885, %dma_wait3A_908] : memref<8192x768xf32, #tpu.memory_space<hbm>> -> memref<32x768xf32, #tpu.memory_space<hbm>>
    tpu.wait_dma2 semaphore(%arg17 : memref<!tpu.dma_semaphore, #tpu.memory_space<semaphore_mem>>) src(%arg9 : memref<32x768xf32, #tpu.memory_space<vmem>>) dst(%dma_wait3A_909 : memref<32x768xf32, #tpu.memory_space<hbm>>)
    %dma_start3A_910 = arith.constant 864 : i32
    %dma_start3A_911 = tpu.memref_slice %arg5[%dma_start3A_910] : memref<1024xi32, #tpu.memory_space<vmem>> -> memref<32xi32, #tpu.memory_space<vmem>>
    %dma_start3A_912 = arith.constant 0 : i32
    %dma_start3A_913 = arith.constant 0 : i32
    %dma_start3A_914 = tpu.memref_slice %arg3[%dma_start3A_912, %dma_start3A_913] : memref<8192x768xf32, #tpu.memory_space<hbm>> -> memref<8192x768xf32, #tpu.memory_space<hbm>>
    tpu.enqueue_indirect_dma source(%dma_start3A_914 : memref<8192x768xf32, #tpu.memory_space<hbm>>) target(%arg9 : memref<32x768xf32, #tpu.memory_space<vmem>>) offsets(%dma_start3A_911 : memref<32xi32, #tpu.memory_space<vmem>>) semaphore(%arg13 : memref<!tpu.dma_semaphore, #tpu.memory_space<semaphore_mem>>)
    %dma_wait3A_915 = arith.constant 768 : i32
    %dma_wait3A_916 = tpu.memref_slice %arg5[%dma_wait3A_915] : memref<1024xi32, #tpu.memory_space<vmem>> -> memref<32xi32, #tpu.memory_space<vmem>>
    %dma_wait3A_917 = arith.constant 0 : i32
    %dma_wait3A_918 = arith.constant 0 : i32
    %dma_wait3A_919 = tpu.memref_slice %arg3[%dma_wait3A_917, %dma_wait3A_918] : memref<8192x768xf32, #tpu.memory_space<hbm>> -> memref<8192x768xf32, #tpu.memory_space<hbm>>
    tpu.wait_indirect_dma semaphore(%arg10 : memref<!tpu.dma_semaphore, #tpu.memory_space<semaphore_mem>>) src(%dma_wait3A_919 : memref<8192x768xf32, #tpu.memory_space<hbm>>) dst(%arg6 : memref<32x768xf32, #tpu.memory_space<vmem>>)
    %add3A_920 = arith.constant 768 : i32
    %add3A_921 = arith.addi %mul3A_32, %add3A_920 : i32
    %dma_start3A_922 = arith.constant 0 : i32
    %dma_start3A_923 = arith.constant 0 : i32
    %dma_start3A_924 = tpu.memref_slice %arg4[%select_n3A, %dma_start3A_922, %dma_start3A_923] : memref<4x8192x768xf32, #tpu.memory_space<hbm>> -> memref<1x8192x768xf32, #tpu.memory_space<hbm>>
    %dma_start3A_925 = tpu.memref_squeeze %dma_start3A_924 : memref<1x8192x768xf32, #tpu.memory_space<hbm>> -> memref<8192x768xf32, #tpu.memory_space<hbm>>
    %dma_start3A_926 = arith.constant 0 : i32
    %dma_start3A_927 = tpu.memref_slice %dma_start3A_925[%add3A_921, %dma_start3A_926] : memref<8192x768xf32, #tpu.memory_space<hbm>> -> memref<32x768xf32, #tpu.memory_space<hbm>>
    %dma_start3A_928 = arith.constant 0 : i32
    %dma_start3A_929 = arith.constant 0 : i32
    %dma_start3A_930 = tpu.memref_slice %arg4[%select_n3A, %dma_start3A_928, %dma_start3A_929] : memref<4x8192x768xf32, #tpu.memory_space<hbm>> -> memref<1x8192x768xf32, #tpu.memory_space<hbm>>
    %dma_start3A_931 = tpu.memref_squeeze %dma_start3A_930 : memref<1x8192x768xf32, #tpu.memory_space<hbm>> -> memref<8192x768xf32, #tpu.memory_space<hbm>>
    %dma_start3A_932 = arith.constant 0 : i32
    %dma_start3A_933 = tpu.memref_slice %dma_start3A_931[%add3A_921, %dma_start3A_932] : memref<8192x768xf32, #tpu.memory_space<hbm>> -> memref<32x768xf32, #tpu.memory_space<hbm>>
    tpu.enqueue_dma source(%arg6 : memref<32x768xf32, #tpu.memory_space<vmem>>) target(%dma_start3A_933 : memref<32x768xf32, #tpu.memory_space<hbm>>) target_semaphore(%arg14 : memref<!tpu.dma_semaphore, #tpu.memory_space<semaphore_mem>>)
    %dma_wait3A_934 = arith.constant 0 : i32
    %dma_wait3A_935 = arith.constant 0 : i32
    %dma_wait3A_936 = tpu.memref_slice %arg4[%select_n3A, %dma_wait3A_934, %dma_wait3A_935] : memref<4x8192x768xf32, #tpu.memory_space<hbm>> -> memref<1x8192x768xf32, #tpu.memory_space<hbm>>
    %dma_wait3A_937 = tpu.memref_squeeze %dma_wait3A_936 : memref<1x8192x768xf32, #tpu.memory_space<hbm>> -> memref<8192x768xf32, #tpu.memory_space<hbm>>
    %dma_wait3A_938 = arith.constant 0 : i32
    %dma_wait3A_939 = tpu.memref_slice %dma_wait3A_937[%add3A_921, %dma_wait3A_938] : memref<8192x768xf32, #tpu.memory_space<hbm>> -> memref<32x768xf32, #tpu.memory_space<hbm>>
    %dma_wait3A_940 = arith.constant 0 : i32
    %dma_wait3A_941 = arith.constant 0 : i32
    %dma_wait3A_942 = tpu.memref_slice %arg4[%select_n3A, %dma_wait3A_940, %dma_wait3A_941] : memref<4x8192x768xf32, #tpu.memory_space<hbm>> -> memref<1x8192x768xf32, #tpu.memory_space<hbm>>
    %dma_wait3A_943 = tpu.memref_squeeze %dma_wait3A_942 : memref<1x8192x768xf32, #tpu.memory_space<hbm>> -> memref<8192x768xf32, #tpu.memory_space<hbm>>
    %dma_wait3A_944 = arith.constant 0 : i32
    %dma_wait3A_945 = tpu.memref_slice %dma_wait3A_943[%add3A_921, %dma_wait3A_944] : memref<8192x768xf32, #tpu.memory_space<hbm>> -> memref<32x768xf32, #tpu.memory_space<hbm>>
    tpu.wait_dma2 semaphore(%arg14 : memref<!tpu.dma_semaphore, #tpu.memory_space<semaphore_mem>>) src(%arg6 : memref<32x768xf32, #tpu.memory_space<vmem>>) dst(%dma_wait3A_945 : memref<32x768xf32, #tpu.memory_space<hbm>>)
    %dma_start3A_946 = arith.constant 896 : i32
    %dma_start3A_947 = tpu.memref_slice %arg5[%dma_start3A_946] : memref<1024xi32, #tpu.memory_space<vmem>> -> memref<32xi32, #tpu.memory_space<vmem>>
    %dma_start3A_948 = arith.constant 0 : i32
    %dma_start3A_949 = arith.constant 0 : i32
    %dma_start3A_950 = tpu.memref_slice %arg3[%dma_start3A_948, %dma_start3A_949] : memref<8192x768xf32, #tpu.memory_space<hbm>> -> memref<8192x768xf32, #tpu.memory_space<hbm>>
    tpu.enqueue_indirect_dma source(%dma_start3A_950 : memref<8192x768xf32, #tpu.memory_space<hbm>>) target(%arg6 : memref<32x768xf32, #tpu.memory_space<vmem>>) offsets(%dma_start3A_947 : memref<32xi32, #tpu.memory_space<vmem>>) semaphore(%arg10 : memref<!tpu.dma_semaphore, #tpu.memory_space<semaphore_mem>>)
    %dma_wait3A_951 = arith.constant 800 : i32
    %dma_wait3A_952 = tpu.memref_slice %arg5[%dma_wait3A_951] : memref<1024xi32, #tpu.memory_space<vmem>> -> memref<32xi32, #tpu.memory_space<vmem>>
    %dma_wait3A_953 = arith.constant 0 : i32
    %dma_wait3A_954 = arith.constant 0 : i32
    %dma_wait3A_955 = tpu.memref_slice %arg3[%dma_wait3A_953, %dma_wait3A_954] : memref<8192x768xf32, #tpu.memory_space<hbm>> -> memref<8192x768xf32, #tpu.memory_space<hbm>>
    tpu.wait_indirect_dma semaphore(%arg11 : memref<!tpu.dma_semaphore, #tpu.memory_space<semaphore_mem>>) src(%dma_wait3A_955 : memref<8192x768xf32, #tpu.memory_space<hbm>>) dst(%arg7 : memref<32x768xf32, #tpu.memory_space<vmem>>)
    %add3A_956 = arith.constant 800 : i32
    %add3A_957 = arith.addi %mul3A_32, %add3A_956 : i32
    %dma_start3A_958 = arith.constant 0 : i32
    %dma_start3A_959 = arith.constant 0 : i32
    %dma_start3A_960 = tpu.memref_slice %arg4[%select_n3A, %dma_start3A_958, %dma_start3A_959] : memref<4x8192x768xf32, #tpu.memory_space<hbm>> -> memref<1x8192x768xf32, #tpu.memory_space<hbm>>
    %dma_start3A_961 = tpu.memref_squeeze %dma_start3A_960 : memref<1x8192x768xf32, #tpu.memory_space<hbm>> -> memref<8192x768xf32, #tpu.memory_space<hbm>>
    %dma_start3A_962 = arith.constant 0 : i32
    %dma_start3A_963 = tpu.memref_slice %dma_start3A_961[%add3A_957, %dma_start3A_962] : memref<8192x768xf32, #tpu.memory_space<hbm>> -> memref<32x768xf32, #tpu.memory_space<hbm>>
    %dma_start3A_964 = arith.constant 0 : i32
    %dma_start3A_965 = arith.constant 0 : i32
    %dma_start3A_966 = tpu.memref_slice %arg4[%select_n3A, %dma_start3A_964, %dma_start3A_965] : memref<4x8192x768xf32, #tpu.memory_space<hbm>> -> memref<1x8192x768xf32, #tpu.memory_space<hbm>>
    %dma_start3A_967 = tpu.memref_squeeze %dma_start3A_966 : memref<1x8192x768xf32, #tpu.memory_space<hbm>> -> memref<8192x768xf32, #tpu.memory_space<hbm>>
    %dma_start3A_968 = arith.constant 0 : i32
    %dma_start3A_969 = tpu.memref_slice %dma_start3A_967[%add3A_957, %dma_start3A_968] : memref<8192x768xf32, #tpu.memory_space<hbm>> -> memref<32x768xf32, #tpu.memory_space<hbm>>
    tpu.enqueue_dma source(%arg7 : memref<32x768xf32, #tpu.memory_space<vmem>>) target(%dma_start3A_969 : memref<32x768xf32, #tpu.memory_space<hbm>>) target_semaphore(%arg15 : memref<!tpu.dma_semaphore, #tpu.memory_space<semaphore_mem>>)
    %dma_wait3A_970 = arith.constant 0 : i32
    %dma_wait3A_971 = arith.constant 0 : i32
    %dma_wait3A_972 = tpu.memref_slice %arg4[%select_n3A, %dma_wait3A_970, %dma_wait3A_971] : memref<4x8192x768xf32, #tpu.memory_space<hbm>> -> memref<1x8192x768xf32, #tpu.memory_space<hbm>>
    %dma_wait3A_973 = tpu.memref_squeeze %dma_wait3A_972 : memref<1x8192x768xf32, #tpu.memory_space<hbm>> -> memref<8192x768xf32, #tpu.memory_space<hbm>>
    %dma_wait3A_974 = arith.constant 0 : i32
    %dma_wait3A_975 = tpu.memref_slice %dma_wait3A_973[%add3A_957, %dma_wait3A_974] : memref<8192x768xf32, #tpu.memory_space<hbm>> -> memref<32x768xf32, #tpu.memory_space<hbm>>
    %dma_wait3A_976 = arith.constant 0 : i32
    %dma_wait3A_977 = arith.constant 0 : i32
    %dma_wait3A_978 = tpu.memref_slice %arg4[%select_n3A, %dma_wait3A_976, %dma_wait3A_977] : memref<4x8192x768xf32, #tpu.memory_space<hbm>> -> memref<1x8192x768xf32, #tpu.memory_space<hbm>>
    %dma_wait3A_979 = tpu.memref_squeeze %dma_wait3A_978 : memref<1x8192x768xf32, #tpu.memory_space<hbm>> -> memref<8192x768xf32, #tpu.memory_space<hbm>>
    %dma_wait3A_980 = arith.constant 0 : i32
    %dma_wait3A_981 = tpu.memref_slice %dma_wait3A_979[%add3A_957, %dma_wait3A_980] : memref<8192x768xf32, #tpu.memory_space<hbm>> -> memref<32x768xf32, #tpu.memory_space<hbm>>
    tpu.wait_dma2 semaphore(%arg15 : memref<!tpu.dma_semaphore, #tpu.memory_space<semaphore_mem>>) src(%arg7 : memref<32x768xf32, #tpu.memory_space<vmem>>) dst(%dma_wait3A_981 : memref<32x768xf32, #tpu.memory_space<hbm>>)
    %dma_start3A_982 = arith.constant 928 : i32
    %dma_start3A_983 = tpu.memref_slice %arg5[%dma_start3A_982] : memref<1024xi32, #tpu.memory_space<vmem>> -> memref<32xi32, #tpu.memory_space<vmem>>
    %dma_start3A_984 = arith.constant 0 : i32
    %dma_start3A_985 = arith.constant 0 : i32
    %dma_start3A_986 = tpu.memref_slice %arg3[%dma_start3A_984, %dma_start3A_985] : memref<8192x768xf32, #tpu.memory_space<hbm>> -> memref<8192x768xf32, #tpu.memory_space<hbm>>
    tpu.enqueue_indirect_dma source(%dma_start3A_986 : memref<8192x768xf32, #tpu.memory_space<hbm>>) target(%arg7 : memref<32x768xf32, #tpu.memory_space<vmem>>) offsets(%dma_start3A_983 : memref<32xi32, #tpu.memory_space<vmem>>) semaphore(%arg11 : memref<!tpu.dma_semaphore, #tpu.memory_space<semaphore_mem>>)
    %dma_wait3A_987 = arith.constant 832 : i32
    %dma_wait3A_988 = tpu.memref_slice %arg5[%dma_wait3A_987] : memref<1024xi32, #tpu.memory_space<vmem>> -> memref<32xi32, #tpu.memory_space<vmem>>
    %dma_wait3A_989 = arith.constant 0 : i32
    %dma_wait3A_990 = arith.constant 0 : i32
    %dma_wait3A_991 = tpu.memref_slice %arg3[%dma_wait3A_989, %dma_wait3A_990] : memref<8192x768xf32, #tpu.memory_space<hbm>> -> memref<8192x768xf32, #tpu.memory_space<hbm>>
    tpu.wait_indirect_dma semaphore(%arg12 : memref<!tpu.dma_semaphore, #tpu.memory_space<semaphore_mem>>) src(%dma_wait3A_991 : memref<8192x768xf32, #tpu.memory_space<hbm>>) dst(%arg8 : memref<32x768xf32, #tpu.memory_space<vmem>>)
    %add3A_992 = arith.constant 832 : i32
    %add3A_993 = arith.addi %mul3A_32, %add3A_992 : i32
    %dma_start3A_994 = arith.constant 0 : i32
    %dma_start3A_995 = arith.constant 0 : i32
    %dma_start3A_996 = tpu.memref_slice %arg4[%select_n3A, %dma_start3A_994, %dma_start3A_995] : memref<4x8192x768xf32, #tpu.memory_space<hbm>> -> memref<1x8192x768xf32, #tpu.memory_space<hbm>>
    %dma_start3A_997 = tpu.memref_squeeze %dma_start3A_996 : memref<1x8192x768xf32, #tpu.memory_space<hbm>> -> memref<8192x768xf32, #tpu.memory_space<hbm>>
    %dma_start3A_998 = arith.constant 0 : i32
    %dma_start3A_999 = tpu.memref_slice %dma_start3A_997[%add3A_993, %dma_start3A_998] : memref<8192x768xf32, #tpu.memory_space<hbm>> -> memref<32x768xf32, #tpu.memory_space<hbm>>
    %dma_start3A_1000 = arith.constant 0 : i32
    %dma_start3A_1001 = arith.constant 0 : i32
    %dma_start3A_1002 = tpu.memref_slice %arg4[%select_n3A, %dma_start3A_1000, %dma_start3A_1001] : memref<4x8192x768xf32, #tpu.memory_space<hbm>> -> memref<1x8192x768xf32, #tpu.memory_space<hbm>>
    %dma_start3A_1003 = tpu.memref_squeeze %dma_start3A_1002 : memref<1x8192x768xf32, #tpu.memory_space<hbm>> -> memref<8192x768xf32, #tpu.memory_space<hbm>>
    %dma_start3A_1004 = arith.constant 0 : i32
    %dma_start3A_1005 = tpu.memref_slice %dma_start3A_1003[%add3A_993, %dma_start3A_1004] : memref<8192x768xf32, #tpu.memory_space<hbm>> -> memref<32x768xf32, #tpu.memory_space<hbm>>
    tpu.enqueue_dma source(%arg8 : memref<32x768xf32, #tpu.memory_space<vmem>>) target(%dma_start3A_1005 : memref<32x768xf32, #tpu.memory_space<hbm>>) target_semaphore(%arg16 : memref<!tpu.dma_semaphore, #tpu.memory_space<semaphore_mem>>)
    %dma_wait3A_1006 = arith.constant 0 : i32
    %dma_wait3A_1007 = arith.constant 0 : i32
    %dma_wait3A_1008 = tpu.memref_slice %arg4[%select_n3A, %dma_wait3A_1006, %dma_wait3A_1007] : memref<4x8192x768xf32, #tpu.memory_space<hbm>> -> memref<1x8192x768xf32, #tpu.memory_space<hbm>>
    %dma_wait3A_1009 = tpu.memref_squeeze %dma_wait3A_1008 : memref<1x8192x768xf32, #tpu.memory_space<hbm>> -> memref<8192x768xf32, #tpu.memory_space<hbm>>
    %dma_wait3A_1010 = arith.constant 0 : i32
    %dma_wait3A_1011 = tpu.memref_slice %dma_wait3A_1009[%add3A_993, %dma_wait3A_1010] : memref<8192x768xf32, #tpu.memory_space<hbm>> -> memref<32x768xf32, #tpu.memory_space<hbm>>
    %dma_wait3A_1012 = arith.constant 0 : i32
    %dma_wait3A_1013 = arith.constant 0 : i32
    %dma_wait3A_1014 = tpu.memref_slice %arg4[%select_n3A, %dma_wait3A_1012, %dma_wait3A_1013] : memref<4x8192x768xf32, #tpu.memory_space<hbm>> -> memref<1x8192x768xf32, #tpu.memory_space<hbm>>
    %dma_wait3A_1015 = tpu.memref_squeeze %dma_wait3A_1014 : memref<1x8192x768xf32, #tpu.memory_space<hbm>> -> memref<8192x768xf32, #tpu.memory_space<hbm>>
    %dma_wait3A_1016 = arith.constant 0 : i32
    %dma_wait3A_1017 = tpu.memref_slice %dma_wait3A_1015[%add3A_993, %dma_wait3A_1016] : memref<8192x768xf32, #tpu.memory_space<hbm>> -> memref<32x768xf32, #tpu.memory_space<hbm>>
    tpu.wait_dma2 semaphore(%arg16 : memref<!tpu.dma_semaphore, #tpu.memory_space<semaphore_mem>>) src(%arg8 : memref<32x768xf32, #tpu.memory_space<vmem>>) dst(%dma_wait3A_1017 : memref<32x768xf32, #tpu.memory_space<hbm>>)
    %dma_start3A_1018 = arith.constant 960 : i32
    %dma_start3A_1019 = tpu.memref_slice %arg5[%dma_start3A_1018] : memref<1024xi32, #tpu.memory_space<vmem>> -> memref<32xi32, #tpu.memory_space<vmem>>
    %dma_start3A_1020 = arith.constant 0 : i32
    %dma_start3A_1021 = arith.constant 0 : i32
    %dma_start3A_1022 = tpu.memref_slice %arg3[%dma_start3A_1020, %dma_start3A_1021] : memref<8192x768xf32, #tpu.memory_space<hbm>> -> memref<8192x768xf32, #tpu.memory_space<hbm>>
    tpu.enqueue_indirect_dma source(%dma_start3A_1022 : memref<8192x768xf32, #tpu.memory_space<hbm>>) target(%arg8 : memref<32x768xf32, #tpu.memory_space<vmem>>) offsets(%dma_start3A_1019 : memref<32xi32, #tpu.memory_space<vmem>>) semaphore(%arg12 : memref<!tpu.dma_semaphore, #tpu.memory_space<semaphore_mem>>)
    %dma_wait3A_1023 = arith.constant 864 : i32
    %dma_wait3A_1024 = tpu.memref_slice %arg5[%dma_wait3A_1023] : memref<1024xi32, #tpu.memory_space<vmem>> -> memref<32xi32, #tpu.memory_space<vmem>>
    %dma_wait3A_1025 = arith.constant 0 : i32
    %dma_wait3A_1026 = arith.constant 0 : i32
    %dma_wait3A_1027 = tpu.memref_slice %arg3[%dma_wait3A_1025, %dma_wait3A_1026] : memref<8192x768xf32, #tpu.memory_space<hbm>> -> memref<8192x768xf32, #tpu.memory_space<hbm>>
    tpu.wait_indirect_dma semaphore(%arg13 : memref<!tpu.dma_semaphore, #tpu.memory_space<semaphore_mem>>) src(%dma_wait3A_1027 : memref<8192x768xf32, #tpu.memory_space<hbm>>) dst(%arg9 : memref<32x768xf32, #tpu.memory_space<vmem>>)
    %add3A_1028 = arith.constant 864 : i32
    %add3A_1029 = arith.addi %mul3A_32, %add3A_1028 : i32
    %dma_start3A_1030 = arith.constant 0 : i32
    %dma_start3A_1031 = arith.constant 0 : i32
    %dma_start3A_1032 = tpu.memref_slice %arg4[%select_n3A, %dma_start3A_1030, %dma_start3A_1031] : memref<4x8192x768xf32, #tpu.memory_space<hbm>> -> memref<1x8192x768xf32, #tpu.memory_space<hbm>>
    %dma_start3A_1033 = tpu.memref_squeeze %dma_start3A_1032 : memref<1x8192x768xf32, #tpu.memory_space<hbm>> -> memref<8192x768xf32, #tpu.memory_space<hbm>>
    %dma_start3A_1034 = arith.constant 0 : i32
    %dma_start3A_1035 = tpu.memref_slice %dma_start3A_1033[%add3A_1029, %dma_start3A_1034] : memref<8192x768xf32, #tpu.memory_space<hbm>> -> memref<32x768xf32, #tpu.memory_space<hbm>>
    %dma_start3A_1036 = arith.constant 0 : i32
    %dma_start3A_1037 = arith.constant 0 : i32
    %dma_start3A_1038 = tpu.memref_slice %arg4[%select_n3A, %dma_start3A_1036, %dma_start3A_1037] : memref<4x8192x768xf32, #tpu.memory_space<hbm>> -> memref<1x8192x768xf32, #tpu.memory_space<hbm>>
    %dma_start3A_1039 = tpu.memref_squeeze %dma_start3A_1038 : memref<1x8192x768xf32, #tpu.memory_space<hbm>> -> memref<8192x768xf32, #tpu.memory_space<hbm>>
    %dma_start3A_1040 = arith.constant 0 : i32
    %dma_start3A_1041 = tpu.memref_slice %dma_start3A_1039[%add3A_1029, %dma_start3A_1040] : memref<8192x768xf32, #tpu.memory_space<hbm>> -> memref<32x768xf32, #tpu.memory_space<hbm>>
    tpu.enqueue_dma source(%arg9 : memref<32x768xf32, #tpu.memory_space<vmem>>) target(%dma_start3A_1041 : memref<32x768xf32, #tpu.memory_space<hbm>>) target_semaphore(%arg17 : memref<!tpu.dma_semaphore, #tpu.memory_space<semaphore_mem>>)
    %dma_wait3A_1042 = arith.constant 0 : i32
    %dma_wait3A_1043 = arith.constant 0 : i32
    %dma_wait3A_1044 = tpu.memref_slice %arg4[%select_n3A, %dma_wait3A_1042, %dma_wait3A_1043] : memref<4x8192x768xf32, #tpu.memory_space<hbm>> -> memref<1x8192x768xf32, #tpu.memory_space<hbm>>
    %dma_wait3A_1045 = tpu.memref_squeeze %dma_wait3A_1044 : memref<1x8192x768xf32, #tpu.memory_space<hbm>> -> memref<8192x768xf32, #tpu.memory_space<hbm>>
    %dma_wait3A_1046 = arith.constant 0 : i32
    %dma_wait3A_1047 = tpu.memref_slice %dma_wait3A_1045[%add3A_1029, %dma_wait3A_1046] : memref<8192x768xf32, #tpu.memory_space<hbm>> -> memref<32x768xf32, #tpu.memory_space<hbm>>
    %dma_wait3A_1048 = arith.constant 0 : i32
    %dma_wait3A_1049 = arith.constant 0 : i32
    %dma_wait3A_1050 = tpu.memref_slice %arg4[%select_n3A, %dma_wait3A_1048, %dma_wait3A_1049] : memref<4x8192x768xf32, #tpu.memory_space<hbm>> -> memref<1x8192x768xf32, #tpu.memory_space<hbm>>
    %dma_wait3A_1051 = tpu.memref_squeeze %dma_wait3A_1050 : memref<1x8192x768xf32, #tpu.memory_space<hbm>> -> memref<8192x768xf32, #tpu.memory_space<hbm>>
    %dma_wait3A_1052 = arith.constant 0 : i32
    %dma_wait3A_1053 = tpu.memref_slice %dma_wait3A_1051[%add3A_1029, %dma_wait3A_1052] : memref<8192x768xf32, #tpu.memory_space<hbm>> -> memref<32x768xf32, #tpu.memory_space<hbm>>
    tpu.wait_dma2 semaphore(%arg17 : memref<!tpu.dma_semaphore, #tpu.memory_space<semaphore_mem>>) src(%arg9 : memref<32x768xf32, #tpu.memory_space<vmem>>) dst(%dma_wait3A_1053 : memref<32x768xf32, #tpu.memory_space<hbm>>)
    %dma_start3A_1054 = arith.constant 992 : i32
    %dma_start3A_1055 = tpu.memref_slice %arg5[%dma_start3A_1054] : memref<1024xi32, #tpu.memory_space<vmem>> -> memref<32xi32, #tpu.memory_space<vmem>>
    %dma_start3A_1056 = arith.constant 0 : i32
    %dma_start3A_1057 = arith.constant 0 : i32
    %dma_start3A_1058 = tpu.memref_slice %arg3[%dma_start3A_1056, %dma_start3A_1057] : memref<8192x768xf32, #tpu.memory_space<hbm>> -> memref<8192x768xf32, #tpu.memory_space<hbm>>
    tpu.enqueue_indirect_dma source(%dma_start3A_1058 : memref<8192x768xf32, #tpu.memory_space<hbm>>) target(%arg9 : memref<32x768xf32, #tpu.memory_space<vmem>>) offsets(%dma_start3A_1055 : memref<32xi32, #tpu.memory_space<vmem>>) semaphore(%arg13 : memref<!tpu.dma_semaphore, #tpu.memory_space<semaphore_mem>>)
    %dma_wait3A_1059 = arith.constant 896 : i32
    %dma_wait3A_1060 = tpu.memref_slice %arg5[%dma_wait3A_1059] : memref<1024xi32, #tpu.memory_space<vmem>> -> memref<32xi32, #tpu.memory_space<vmem>>
    %dma_wait3A_1061 = arith.constant 0 : i32
    %dma_wait3A_1062 = arith.constant 0 : i32
    %dma_wait3A_1063 = tpu.memref_slice %arg3[%dma_wait3A_1061, %dma_wait3A_1062] : memref<8192x768xf32, #tpu.memory_space<hbm>> -> memref<8192x768xf32, #tpu.memory_space<hbm>>
    tpu.wait_indirect_dma semaphore(%arg10 : memref<!tpu.dma_semaphore, #tpu.memory_space<semaphore_mem>>) src(%dma_wait3A_1063 : memref<8192x768xf32, #tpu.memory_space<hbm>>) dst(%arg6 : memref<32x768xf32, #tpu.memory_space<vmem>>)
    %add3A_1064 = arith.constant 896 : i32
    %add3A_1065 = arith.addi %mul3A_32, %add3A_1064 : i32
    %dma_start3A_1066 = arith.constant 0 : i32
    %dma_start3A_1067 = arith.constant 0 : i32
    %dma_start3A_1068 = tpu.memref_slice %arg4[%select_n3A, %dma_start3A_1066, %dma_start3A_1067] : memref<4x8192x768xf32, #tpu.memory_space<hbm>> -> memref<1x8192x768xf32, #tpu.memory_space<hbm>>
    %dma_start3A_1069 = tpu.memref_squeeze %dma_start3A_1068 : memref<1x8192x768xf32, #tpu.memory_space<hbm>> -> memref<8192x768xf32, #tpu.memory_space<hbm>>
    %dma_start3A_1070 = arith.constant 0 : i32
    %dma_start3A_1071 = tpu.memref_slice %dma_start3A_1069[%add3A_1065, %dma_start3A_1070] : memref<8192x768xf32, #tpu.memory_space<hbm>> -> memref<32x768xf32, #tpu.memory_space<hbm>>
    %dma_start3A_1072 = arith.constant 0 : i32
    %dma_start3A_1073 = arith.constant 0 : i32
    %dma_start3A_1074 = tpu.memref_slice %arg4[%select_n3A, %dma_start3A_1072, %dma_start3A_1073] : memref<4x8192x768xf32, #tpu.memory_space<hbm>> -> memref<1x8192x768xf32, #tpu.memory_space<hbm>>
    %dma_start3A_1075 = tpu.memref_squeeze %dma_start3A_1074 : memref<1x8192x768xf32, #tpu.memory_space<hbm>> -> memref<8192x768xf32, #tpu.memory_space<hbm>>
    %dma_start3A_1076 = arith.constant 0 : i32
    %dma_start3A_1077 = tpu.memref_slice %dma_start3A_1075[%add3A_1065, %dma_start3A_1076] : memref<8192x768xf32, #tpu.memory_space<hbm>> -> memref<32x768xf32, #tpu.memory_space<hbm>>
    tpu.enqueue_dma source(%arg6 : memref<32x768xf32, #tpu.memory_space<vmem>>) target(%dma_start3A_1077 : memref<32x768xf32, #tpu.memory_space<hbm>>) target_semaphore(%arg14 : memref<!tpu.dma_semaphore, #tpu.memory_space<semaphore_mem>>)
    %dma_wait3A_1078 = arith.constant 928 : i32
    %dma_wait3A_1079 = tpu.memref_slice %arg5[%dma_wait3A_1078] : memref<1024xi32, #tpu.memory_space<vmem>> -> memref<32xi32, #tpu.memory_space<vmem>>
    %dma_wait3A_1080 = arith.constant 0 : i32
    %dma_wait3A_1081 = arith.constant 0 : i32
    %dma_wait3A_1082 = tpu.memref_slice %arg3[%dma_wait3A_1080, %dma_wait3A_1081] : memref<8192x768xf32, #tpu.memory_space<hbm>> -> memref<8192x768xf32, #tpu.memory_space<hbm>>
    tpu.wait_indirect_dma semaphore(%arg11 : memref<!tpu.dma_semaphore, #tpu.memory_space<semaphore_mem>>) src(%dma_wait3A_1082 : memref<8192x768xf32, #tpu.memory_space<hbm>>) dst(%arg7 : memref<32x768xf32, #tpu.memory_space<vmem>>)
    %add3A_1083 = arith.constant 928 : i32
    %add3A_1084 = arith.addi %mul3A_32, %add3A_1083 : i32
    %dma_start3A_1085 = arith.constant 0 : i32
    %dma_start3A_1086 = arith.constant 0 : i32
    %dma_start3A_1087 = tpu.memref_slice %arg4[%select_n3A, %dma_start3A_1085, %dma_start3A_1086] : memref<4x8192x768xf32, #tpu.memory_space<hbm>> -> memref<1x8192x768xf32, #tpu.memory_space<hbm>>
    %dma_start3A_1088 = tpu.memref_squeeze %dma_start3A_1087 : memref<1x8192x768xf32, #tpu.memory_space<hbm>> -> memref<8192x768xf32, #tpu.memory_space<hbm>>
    %dma_start3A_1089 = arith.constant 0 : i32
    %dma_start3A_1090 = tpu.memref_slice %dma_start3A_1088[%add3A_1084, %dma_start3A_1089] : memref<8192x768xf32, #tpu.memory_space<hbm>> -> memref<32x768xf32, #tpu.memory_space<hbm>>
    %dma_start3A_1091 = arith.constant 0 : i32
    %dma_start3A_1092 = arith.constant 0 : i32
    %dma_start3A_1093 = tpu.memref_slice %arg4[%select_n3A, %dma_start3A_1091, %dma_start3A_1092] : memref<4x8192x768xf32, #tpu.memory_space<hbm>> -> memref<1x8192x768xf32, #tpu.memory_space<hbm>>
    %dma_start3A_1094 = tpu.memref_squeeze %dma_start3A_1093 : memref<1x8192x768xf32, #tpu.memory_space<hbm>> -> memref<8192x768xf32, #tpu.memory_space<hbm>>
    %dma_start3A_1095 = arith.constant 0 : i32
    %dma_start3A_1096 = tpu.memref_slice %dma_start3A_1094[%add3A_1084, %dma_start3A_1095] : memref<8192x768xf32, #tpu.memory_space<hbm>> -> memref<32x768xf32, #tpu.memory_space<hbm>>
    tpu.enqueue_dma source(%arg7 : memref<32x768xf32, #tpu.memory_space<vmem>>) target(%dma_start3A_1096 : memref<32x768xf32, #tpu.memory_space<hbm>>) target_semaphore(%arg15 : memref<!tpu.dma_semaphore, #tpu.memory_space<semaphore_mem>>)
    %dma_wait3A_1097 = arith.constant 960 : i32
    %dma_wait3A_1098 = tpu.memref_slice %arg5[%dma_wait3A_1097] : memref<1024xi32, #tpu.memory_space<vmem>> -> memref<32xi32, #tpu.memory_space<vmem>>
    %dma_wait3A_1099 = arith.constant 0 : i32
    %dma_wait3A_1100 = arith.constant 0 : i32
    %dma_wait3A_1101 = tpu.memref_slice %arg3[%dma_wait3A_1099, %dma_wait3A_1100] : memref<8192x768xf32, #tpu.memory_space<hbm>> -> memref<8192x768xf32, #tpu.memory_space<hbm>>
    tpu.wait_indirect_dma semaphore(%arg12 : memref<!tpu.dma_semaphore, #tpu.memory_space<semaphore_mem>>) src(%dma_wait3A_1101 : memref<8192x768xf32, #tpu.memory_space<hbm>>) dst(%arg8 : memref<32x768xf32, #tpu.memory_space<vmem>>)
    %add3A_1102 = arith.constant 960 : i32
    %add3A_1103 = arith.addi %mul3A_32, %add3A_1102 : i32
    %dma_start3A_1104 = arith.constant 0 : i32
    %dma_start3A_1105 = arith.constant 0 : i32
    %dma_start3A_1106 = tpu.memref_slice %arg4[%select_n3A, %dma_start3A_1104, %dma_start3A_1105] : memref<4x8192x768xf32, #tpu.memory_space<hbm>> -> memref<1x8192x768xf32, #tpu.memory_space<hbm>>
    %dma_start3A_1107 = tpu.memref_squeeze %dma_start3A_1106 : memref<1x8192x768xf32, #tpu.memory_space<hbm>> -> memref<8192x768xf32, #tpu.memory_space<hbm>>
    %dma_start3A_1108 = arith.constant 0 : i32
    %dma_start3A_1109 = tpu.memref_slice %dma_start3A_1107[%add3A_1103, %dma_start3A_1108] : memref<8192x768xf32, #tpu.memory_space<hbm>> -> memref<32x768xf32, #tpu.memory_space<hbm>>
    %dma_start3A_1110 = arith.constant 0 : i32
    %dma_start3A_1111 = arith.constant 0 : i32
    %dma_start3A_1112 = tpu.memref_slice %arg4[%select_n3A, %dma_start3A_1110, %dma_start3A_1111] : memref<4x8192x768xf32, #tpu.memory_space<hbm>> -> memref<1x8192x768xf32, #tpu.memory_space<hbm>>
    %dma_start3A_1113 = tpu.memref_squeeze %dma_start3A_1112 : memref<1x8192x768xf32, #tpu.memory_space<hbm>> -> memref<8192x768xf32, #tpu.memory_space<hbm>>
    %dma_start3A_1114 = arith.constant 0 : i32
    %dma_start3A_1115 = tpu.memref_slice %dma_start3A_1113[%add3A_1103, %dma_start3A_1114] : memref<8192x768xf32, #tpu.memory_space<hbm>> -> memref<32x768xf32, #tpu.memory_space<hbm>>
    tpu.enqueue_dma source(%arg8 : memref<32x768xf32, #tpu.memory_space<vmem>>) target(%dma_start3A_1115 : memref<32x768xf32, #tpu.memory_space<hbm>>) target_semaphore(%arg16 : memref<!tpu.dma_semaphore, #tpu.memory_space<semaphore_mem>>)
    %dma_wait3A_1116 = arith.constant 992 : i32
    %dma_wait3A_1117 = tpu.memref_slice %arg5[%dma_wait3A_1116] : memref<1024xi32, #tpu.memory_space<vmem>> -> memref<32xi32, #tpu.memory_space<vmem>>
    %dma_wait3A_1118 = arith.constant 0 : i32
    %dma_wait3A_1119 = arith.constant 0 : i32
    %dma_wait3A_1120 = tpu.memref_slice %arg3[%dma_wait3A_1118, %dma_wait3A_1119] : memref<8192x768xf32, #tpu.memory_space<hbm>> -> memref<8192x768xf32, #tpu.memory_space<hbm>>
    tpu.wait_indirect_dma semaphore(%arg13 : memref<!tpu.dma_semaphore, #tpu.memory_space<semaphore_mem>>) src(%dma_wait3A_1120 : memref<8192x768xf32, #tpu.memory_space<hbm>>) dst(%arg9 : memref<32x768xf32, #tpu.memory_space<vmem>>)
    %add3A_1121 = arith.constant 992 : i32
    %add3A_1122 = arith.addi %mul3A_32, %add3A_1121 : i32
    %dma_start3A_1123 = arith.constant 0 : i32
    %dma_start3A_1124 = arith.constant 0 : i32
    %dma_start3A_1125 = tpu.memref_slice %arg4[%select_n3A, %dma_start3A_1123, %dma_start3A_1124] : memref<4x8192x768xf32, #tpu.memory_space<hbm>> -> memref<1x8192x768xf32, #tpu.memory_space<hbm>>
    %dma_start3A_1126 = tpu.memref_squeeze %dma_start3A_1125 : memref<1x8192x768xf32, #tpu.memory_space<hbm>> -> memref<8192x768xf32, #tpu.memory_space<hbm>>
    %dma_start3A_1127 = arith.constant 0 : i32
    %dma_start3A_1128 = tpu.memref_slice %dma_start3A_1126[%add3A_1122, %dma_start3A_1127] : memref<8192x768xf32, #tpu.memory_space<hbm>> -> memref<32x768xf32, #tpu.memory_space<hbm>>
    %dma_start3A_1129 = arith.constant 0 : i32
    %dma_start3A_1130 = arith.constant 0 : i32
    %dma_start3A_1131 = tpu.memref_slice %arg4[%select_n3A, %dma_start3A_1129, %dma_start3A_1130] : memref<4x8192x768xf32, #tpu.memory_space<hbm>> -> memref<1x8192x768xf32, #tpu.memory_space<hbm>>
    %dma_start3A_1132 = tpu.memref_squeeze %dma_start3A_1131 : memref<1x8192x768xf32, #tpu.memory_space<hbm>> -> memref<8192x768xf32, #tpu.memory_space<hbm>>
    %dma_start3A_1133 = arith.constant 0 : i32
    %dma_start3A_1134 = tpu.memref_slice %dma_start3A_1132[%add3A_1122, %dma_start3A_1133] : memref<8192x768xf32, #tpu.memory_space<hbm>> -> memref<32x768xf32, #tpu.memory_space<hbm>>
    tpu.enqueue_dma source(%arg9 : memref<32x768xf32, #tpu.memory_space<vmem>>) target(%dma_start3A_1134 : memref<32x768xf32, #tpu.memory_space<hbm>>) target_semaphore(%arg17 : memref<!tpu.dma_semaphore, #tpu.memory_space<semaphore_mem>>)
    %dma_wait3A_1135 = arith.constant 0 : i32
    %dma_wait3A_1136 = arith.constant 0 : i32
    %dma_wait3A_1137 = tpu.memref_slice %arg4[%select_n3A, %dma_wait3A_1135, %dma_wait3A_1136] : memref<4x8192x768xf32, #tpu.memory_space<hbm>> -> memref<1x8192x768xf32, #tpu.memory_space<hbm>>
    %dma_wait3A_1138 = tpu.memref_squeeze %dma_wait3A_1137 : memref<1x8192x768xf32, #tpu.memory_space<hbm>> -> memref<8192x768xf32, #tpu.memory_space<hbm>>
    %dma_wait3A_1139 = arith.constant 0 : i32
    %dma_wait3A_1140 = tpu.memref_slice %dma_wait3A_1138[%add3A_1065, %dma_wait3A_1139] : memref<8192x768xf32, #tpu.memory_space<hbm>> -> memref<32x768xf32, #tpu.memory_space<hbm>>
    %dma_wait3A_1141 = arith.constant 0 : i32
    %dma_wait3A_1142 = arith.constant 0 : i32
    %dma_wait3A_1143 = tpu.memref_slice %arg4[%select_n3A, %dma_wait3A_1141, %dma_wait3A_1142] : memref<4x8192x768xf32, #tpu.memory_space<hbm>> -> memref<1x8192x768xf32, #tpu.memory_space<hbm>>
    %dma_wait3A_1144 = tpu.memref_squeeze %dma_wait3A_1143 : memref<1x8192x768xf32, #tpu.memory_space<hbm>> -> memref<8192x768xf32, #tpu.memory_space<hbm>>
    %dma_wait3A_1145 = arith.constant 0 : i32
    %dma_wait3A_1146 = tpu.memref_slice %dma_wait3A_1144[%add3A_1065, %dma_wait3A_1145] : memref<8192x768xf32, #tpu.memory_space<hbm>> -> memref<32x768xf32, #tpu.memory_space<hbm>>
    tpu.wait_dma2 semaphore(%arg14 : memref<!tpu.dma_semaphore, #tpu.memory_space<semaphore_mem>>) src(%arg6 : memref<32x768xf32, #tpu.memory_space<vmem>>) dst(%dma_wait3A_1146 : memref<32x768xf32, #tpu.memory_space<hbm>>)
    %dma_wait3A_1147 = arith.constant 0 : i32
    %dma_wait3A_1148 = arith.constant 0 : i32
    %dma_wait3A_1149 = tpu.memref_slice %arg4[%select_n3A, %dma_wait3A_1147, %dma_wait3A_1148] : memref<4x8192x768xf32, #tpu.memory_space<hbm>> -> memref<1x8192x768xf32, #tpu.memory_space<hbm>>
    %dma_wait3A_1150 = tpu.memref_squeeze %dma_wait3A_1149 : memref<1x8192x768xf32, #tpu.memory_space<hbm>> -> memref<8192x768xf32, #tpu.memory_space<hbm>>
    %dma_wait3A_1151 = arith.constant 0 : i32
    %dma_wait3A_1152 = tpu.memref_slice %dma_wait3A_1150[%add3A_1084, %dma_wait3A_1151] : memref<8192x768xf32, #tpu.memory_space<hbm>> -> memref<32x768xf32, #tpu.memory_space<hbm>>
    %dma_wait3A_1153 = arith.constant 0 : i32
    %dma_wait3A_1154 = arith.constant 0 : i32
    %dma_wait3A_1155 = tpu.memref_slice %arg4[%select_n3A, %dma_wait3A_1153, %dma_wait3A_1154] : memref<4x8192x768xf32, #tpu.memory_space<hbm>> -> memref<1x8192x768xf32, #tpu.memory_space<hbm>>
    %dma_wait3A_1156 = tpu.memref_squeeze %dma_wait3A_1155 : memref<1x8192x768xf32, #tpu.memory_space<hbm>> -> memref<8192x768xf32, #tpu.memory_space<hbm>>
    %dma_wait3A_1157 = arith.constant 0 : i32
    %dma_wait3A_1158 = tpu.memref_slice %dma_wait3A_1156[%add3A_1084, %dma_wait3A_1157] : memref<8192x768xf32, #tpu.memory_space<hbm>> -> memref<32x768xf32, #tpu.memory_space<hbm>>
    tpu.wait_dma2 semaphore(%arg15 : memref<!tpu.dma_semaphore, #tpu.memory_space<semaphore_mem>>) src(%arg7 : memref<32x768xf32, #tpu.memory_space<vmem>>) dst(%dma_wait3A_1158 : memref<32x768xf32, #tpu.memory_space<hbm>>)
    %dma_wait3A_1159 = arith.constant 0 : i32
    %dma_wait3A_1160 = arith.constant 0 : i32
    %dma_wait3A_1161 = tpu.memref_slice %arg4[%select_n3A, %dma_wait3A_1159, %dma_wait3A_1160] : memref<4x8192x768xf32, #tpu.memory_space<hbm>> -> memref<1x8192x768xf32, #tpu.memory_space<hbm>>
    %dma_wait3A_1162 = tpu.memref_squeeze %dma_wait3A_1161 : memref<1x8192x768xf32, #tpu.memory_space<hbm>> -> memref<8192x768xf32, #tpu.memory_space<hbm>>
    %dma_wait3A_1163 = arith.constant 0 : i32
    %dma_wait3A_1164 = tpu.memref_slice %dma_wait3A_1162[%add3A_1103, %dma_wait3A_1163] : memref<8192x768xf32, #tpu.memory_space<hbm>> -> memref<32x768xf32, #tpu.memory_space<hbm>>
    %dma_wait3A_1165 = arith.constant 0 : i32
    %dma_wait3A_1166 = arith.constant 0 : i32
    %dma_wait3A_1167 = tpu.memref_slice %arg4[%select_n3A, %dma_wait3A_1165, %dma_wait3A_1166] : memref<4x8192x768xf32, #tpu.memory_space<hbm>> -> memref<1x8192x768xf32, #tpu.memory_space<hbm>>
    %dma_wait3A_1168 = tpu.memref_squeeze %dma_wait3A_1167 : memref<1x8192x768xf32, #tpu.memory_space<hbm>> -> memref<8192x768xf32, #tpu.memory_space<hbm>>
    %dma_wait3A_1169 = arith.constant 0 : i32
    %dma_wait3A_1170 = tpu.memref_slice %dma_wait3A_1168[%add3A_1103, %dma_wait3A_1169] : memref<8192x768xf32, #tpu.memory_space<hbm>> -> memref<32x768xf32, #tpu.memory_space<hbm>>
    tpu.wait_dma2 semaphore(%arg16 : memref<!tpu.dma_semaphore, #tpu.memory_space<semaphore_mem>>) src(%arg8 : memref<32x768xf32, #tpu.memory_space<vmem>>) dst(%dma_wait3A_1170 : memref<32x768xf32, #tpu.memory_space<hbm>>)
    %dma_wait3A_1171 = arith.constant 0 : i32
    %dma_wait3A_1172 = arith.constant 0 : i32
    %dma_wait3A_1173 = tpu.memref_slice %arg4[%select_n3A, %dma_wait3A_1171, %dma_wait3A_1172] : memref<4x8192x768xf32, #tpu.memory_space<hbm>> -> memref<1x8192x768xf32, #tpu.memory_space<hbm>>
    %dma_wait3A_1174 = tpu.memref_squeeze %dma_wait3A_1173 : memref<1x8192x768xf32, #tpu.memory_space<hbm>> -> memref<8192x768xf32, #tpu.memory_space<hbm>>
    %dma_wait3A_1175 = arith.constant 0 : i32
    %dma_wait3A_1176 = tpu.memref_slice %dma_wait3A_1174[%add3A_1122, %dma_wait3A_1175] : memref<8192x768xf32, #tpu.memory_space<hbm>> -> memref<32x768xf32, #tpu.memory_space<hbm>>
    %dma_wait3A_1177 = arith.constant 0 : i32
    %dma_wait3A_1178 = arith.constant 0 : i32
    %dma_wait3A_1179 = tpu.memref_slice %arg4[%select_n3A, %dma_wait3A_1177, %dma_wait3A_1178] : memref<4x8192x768xf32, #tpu.memory_space<hbm>> -> memref<1x8192x768xf32, #tpu.memory_space<hbm>>
    %dma_wait3A_1180 = tpu.memref_squeeze %dma_wait3A_1179 : memref<1x8192x768xf32, #tpu.memory_space<hbm>> -> memref<8192x768xf32, #tpu.memory_space<hbm>>
    %dma_wait3A_1181 = arith.constant 0 : i32
    %dma_wait3A_1182 = tpu.memref_slice %dma_wait3A_1180[%add3A_1122, %dma_wait3A_1181] : memref<8192x768xf32, #tpu.memory_space<hbm>> -> memref<32x768xf32, #tpu.memory_space<hbm>>
    tpu.wait_dma2 semaphore(%arg17 : memref<!tpu.dma_semaphore, #tpu.memory_space<semaphore_mem>>) src(%arg9 : memref<32x768xf32, #tpu.memory_space<vmem>>) dst(%dma_wait3A_1182 : memref<32x768xf32, #tpu.memory_space<hbm>>)
    return
  }
}

</mosaic_0001>

<sc_bundles>
// kernel: kernel.3.cloned.1.call-start
scs
__scs_entry_jumppad:
0x0: {  	(pc) =	sbr.rel $0x88, $3  }
0x1: {  	(tag) =	ssettag $0x0;
	lr =	simm.s32 $0x1  }
0x2: {  	[smem:$0x3F9F] =	sst lr;
	_ =	strace $0xD0000000  }
0x3: {  	_ = 	snop  }
0x4: {  	_ = 	snop  }
0x5: {  	_ = 	snop  }
0x6: {  	_ = 	snop  }
0x7: {  	_ = 	snop  }
__scs_overlays_trampoline_lowered:
0x8: {  	[smem:$0x3FAE] =	sst s0  }
0x9: {  	[smem:$0x3FAF] =	sst s1  }
0xa: {  	[smem:$0x3FB0] =	sst s2  }
0xb: {  	[smem:$0x3FB1] =	sst s3  }
0xc: {  	[smem:$0x3FB2] =	sst s4  }
0xd: {  	[smem:$0x3FB3] =	sst s5  }
0xe: {  	[smem:$0x3FB4] =	sst s6  }
0xf: {  	[smem:$0x3FB5] =	sst s7  }
0x10: {  	[smem:$0x3FB6] =	sst s8  }
0x11: {  	[smem:$0x3FB7] =	sst s9;
	s0 =	simm.s32 @!p0 $0x0  }
0x12: {  	s1 =	sld [smem:$0x3F9D];
	s0 =	simm.s32 @p0 $0x1  }
0x13: {  	[smem:$0x3FB8] =	sst s0;
	s0 =	simm.s32 @!p1 $0x0  }
0x14: {  	s2 =	sld [smem:$0x3F9C];
	s0 =	simm.s32 @p1 $0x1  }
0x15: {  	[smem:$0x3FB9] =	sst s0;
	s0 =	simm.s32 @!p2 $0x0  }
0x16: {  	s3 =	sld [smem:$0x3FDB];
	s0 =	simm.s32 @p2 $0x1  }
0x17: {  	s4 =	simm.s32 $0x1BF5;
	[smem:$0x3FBB] =	sst s0  }
0x18: {  	s0 =	sld [smem:$0x3F9E];
	_ =	swait.ge [sflag:s4], $0x0  }
0x19: {  	s7 =	sld [smem:$0x3F9F]  }
0x1a: {  	s8 =	sadd.s32 $0xFFFFE003, lr  }
0x1b: {  	s9 =	sadd.s32 $0xFFFFFEF7, lr;
	s5 =	simm.s32 $0xFFFFFFFF;
	p2 =	slt.u32 s8, $0xFFFFF086  }
0x1c: {  	p1 =	slt.u32 s9, $0xF7A;
	s5 =	simm.s32 @!p2 $0x0  }
0x1d: {  	s5 =	simm.s32 @p1 $0x1;
	p0 =	seq.s32 s7, s2  }
0x1e: {  	s7 =	smul.u32 @!p0 $0xF7A, s2;
	p2 =	seq.s32 @!p0 s5, $0x0  }
0x1f: {  	s9 =	smul.u32 $0xF7A, s1;
	s8 =	simm.s32 @!p0 $0x1BF5;
	p2 =	por !p2, p0  }
0x20: {  	[sflag:s8] =	ssyncset.s32 @!p0 $0xFFFFF086;
	s6 =	sadd.s32 @!p0 s3, s7;
	s7 =	simm.s32 @!p0 $0x108  }
0x21: {  	s3 =	sadd.s32 s3, s9;
	s6 =	sadd.s32 @!p0 $0x88, s6;
	s7 =	simm.s32 @p2 $0x1082  }
0x22: {  	[simem:s7], [sflag:s8] =	dma.local @!p0 [hbm:s6], $0xF7A  }
0x23: {  	s9 =	sor.u32 $0xD0000000, s2;
	s6 =	simm.s32 $0x108;
	_ =	swait.ge @!p0 [sflag:s8], $0x0  }
0x24: {  	s3 =	sadd.s32 $0x88, s3;
	s6 =	simm.s32 @!p1 $0x1082;
	[sflag:s4] =	ssyncset.s32 $0xFFFFF086  }
0x25: {  	[simem:s6], [sflag:s4] =	dma.local [hbm:s3], $0xF7A  }
0x26: {  	[smem:$0x3F9F] =	sst s1;
	(tag) =	ssettag s2;
	_ =	strace s9  }
0x27: {  	s1 =	sld [smem:$0x3FAF]  }
0x28: {  	s2 =	sld [smem:$0x3FB0]  }
0x29: {  	s4 =	sld [smem:$0x3FB2]  }
0x2a: {  	p0 =	seq.s32 s5, $0x0;
	s5 =	sld [smem:$0x3FB3]  }
0x2b: {  	s6 =	sld [smem:$0x3FB4]  }
0x2c: {  	s7 =	sld [smem:$0x3FB5]  }
0x2d: {  	s3 =	simm.s32 $0x108;
	s8 =	sld [smem:$0x3FB6]  }
0x2e: {  	s3 =	simm.s32 @!p0 $0x1082;
	s9 =	sld [smem:$0x3FB7]  }
0x2f: {  	lr =	sadd.s32 s0, s3;
	s0 =	sld [smem:$0x3FAE]  }
0x30: {  	s3 =	sld [smem:$0x3FB1]  }
0x31: {  	[smem:$0x3FBA] =	sst s10  }
0x32: {  	s10 =	sld [smem:$0x3FB8];
	_ =	sdelay $0x3  }
0x33: {  	p0 =	seq.s32 s10, $0x1;
	s10 =	sld [smem:$0x3FBA];
	_ =	sdelay $0x3  }
0x34: {  	[smem:$0x3FBA] =	sst s10  }
0x35: {  	s10 =	sld [smem:$0x3FB9];
	_ =	sdelay $0x3  }
0x36: {  	p1 =	seq.s32 s10, $0x1;
	s10 =	sld [smem:$0x3FBA];
	_ =	sdelay $0x3  }
0x37: {  	[smem:$0x3FBA] =	sst s10  }
0x38: {  	s10 =	sld [smem:$0x3FBB]  }
0x39: {  	_ = 	snop;
	(pc) =	sbr.ind lr, $3  }
0x3a: {  	_ = 	snop  }
0x3b: {  	_ = 	snop  }
0x3c: {  	p2 =	seq.s32 s10, $0x1;
	s10 =	sld [smem:$0x3FBA]  }
0x3d: {  	_ =	shalt  }
0x3e: {  	_ =	shalt  }
0x3f: {  	_ =	shalt  }
0x40: {  	_ =	shalt  }
0x41: {  	_ =	shalt  }
0x42: {  	_ =	shalt  }
0x43: {  	_ =	shalt  }
0x44: {  	_ =	shalt  }
0x45: {  	_ =	shalt  }
0x46: {  	_ =	shalt  }
0x47: {  	_ =	shalt  }
0x48: {  	_ =	shalt  }
0x49: {  	_ =	shalt  }
0x4a: {  	_ =	shalt  }
0x4b: {  	_ =	shalt  }
0x4c: {  	_ =	shalt  }
0x4d: {  	_ =	shalt  }
0x4e: {  	_ =	shalt  }
0x4f: {  	_ =	shalt  }
0x50: {  	_ =	shalt  }
0x51: {  	_ =	shalt  }
0x52: {  	_ =	shalt  }
0x53: {  	_ =	shalt  }
0x54: {  	_ =	shalt  }
0x55: {  	_ =	shalt  }
0x56: {  	_ =	shalt  }
0x57: {  	_ =	shalt  }
0x58: {  	_ =	shalt  }
0x59: {  	_ =	shalt  }
0x5a: {  	_ =	shalt  }
0x5b: {  	_ =	shalt  }
0x5c: {  	_ =	shalt  }
0x5d: {  	_ =	shalt  }
0x5e: {  	_ =	shalt  }
0x5f: {  	_ =	shalt  }
0x60: {  	_ =	shalt  }
0x61: {  	_ =	shalt  }
0x62: {  	_ =	shalt  }
0x63: {  	_ =	shalt  }
0x64: {  	_ =	shalt  }
0x65: {  	_ =	shalt  }
0x66: {  	_ =	shalt  }
0x67: {  	_ =	shalt  }
0x68: {  	_ =	shalt  }
0x69: {  	_ =	shalt  }
0x6a: {  	_ =	shalt  }
0x6b: {  	_ =	shalt  }
0x6c: {  	_ =	shalt  }
0x6d: {  	_ =	shalt  }
0x6e: {  	_ =	shalt  }
0x6f: {  	_ =	shalt  }
0x70: {  	_ =	shalt  }
0x71: {  	_ =	shalt  }
0x72: {  	_ =	shalt  }
0x73: {  	_ =	shalt  }
0x74: {  	_ =	shalt  }
0x75: {  	_ =	shalt  }
0x76: {  	_ =	shalt  }
0x77: {  	_ =	shalt  }
0x78: {  	_ =	shalt  }
0x79: {  	_ =	shalt  }
0x7a: {  	_ =	shalt  }
0x7b: {  	_ =	shalt  }
0x7c: {  	_ =	shalt  }
0x7d: {  	_ =	shalt  }
0x7e: {  	_ =	shalt  }
0x7f: {  	_ =	shalt  }
0x80: {  	_ =	shalt  }
0x81: {  	_ =	shalt  }
0x82: {  	_ =	shalt  }
0x83: {  	_ =	shalt  }
0x84: {  	_ =	shalt  }
0x85: {  	_ =	shalt  }
0x86: {  	_ =	shalt  }
0x87: {  	_ =	shalt  }
.Lfunc_end0:
.L_simem_size_0:
called_computation_lowered:
.L_overlay_start_0:
0x88: {  	s2 =	sld [smem:$0x3FD9]  }
0x89: {  	s3 =	sld [smem:$0x3FFE];
	_ =	sdelay $0x1  }
0x8a: {  	s1 =	srdreg.scid  }
0x8b: {  	s0 =	sand.u32 $0x1, s1  }
0x8c: {  	s18 =	sshll.u32 s0, $0xA;
	s2 =	sadd.s32 s3, s2  }
0x8d: {  	s2 =	sadd.s32 s2, s18  }
0x8e: {  	[smem:$0x3FC6] =	sst s2  }
0x8f: {  	_ = 	snop  }
0x90: {  	s2 =	sld [smem:$0x3FC9]  }
0x91: {  	s19 =	sld [smem:$0x3FC8]  }
0x92: {  	s4 =	sld [smem:$0x3FD0];
	(tm) =	ssettm $0x1  }
0x93: {  	s5 =	sld [smem:$0x3FFB];
	_ =	sdelay $0x3  }
0x94: {  	_ =	strace s5  }
0x95: {  	s5 =	sld [smem:$0x3FFC];
	_ =	sdelay $0x3  }
0x96: {  	_ =	strace s5  }
0x97: {  	s5 =	sld [smem:$0x3FFD];
	_ =	sdelay $0x3  }
0x98: {  	_ =	strace s5  }
0x99: {  	_ =	strace $0x8FFFFFFF  }
0x9a: {  	s20 =	sld [smem:$0x3FDB];
	_ =	sdelay $0x1  }
0x9b: {  	s6 =	simm.s32 $_scs_section_size  }
0x9c: {  	s7 =	simm.s32 $_size__tile_overlayer_lowered;
	s8 =	simm.s32 $_tile_overlayer_lowered  }
0x9d: {  	s23 =	simm.s32 $0x1BFF;
	s22 =	sshll.u32 s8, $0x1;
	s5 =	sadd.s32 s6, s20  }
0x9e: {  	s9 =	simm.s32 $0x0;
	s21 =	sshll.u32 s7, $0x1;
	s7 =	sadd.s32 s22, s5  }
0x9f: {  	[timem:s9], [sflag:s23] =	dma.local [hbm:s7], s21  }
0xa0: {  	_ =	swait.ge [sflag:s23], s21  }
0xa1: {  	s6 =	ssub.s32 $0x0, s21;
	[sflag:s23] =	ssyncset.done $0x0  }
0xa2: {  	[sflag:s23] =	ssyncadd.s32 s6;
	_ =	sdelay $0x1  }
0xa3: {  	s24 =	simm.s32 $0x1B8B  }
0xa4: {  	_ =	swait.ge [sflag:s24], $0x1  }
0xa5: {  	[sflag:s24] =	ssyncset.done $0x0  }
0xa6: {  	s25 =	simm.s32 $0x1B8E;
	[sflag:s24] =	ssyncadd.s32 $0xFFFFFFFF  }
0xa7: {  	s26 =	simm.s32 $execute0_lowered;
	[smem:$0x3FD2] =	sst s25  }
0xa8: {  	s6 =	sshll.u32 s26, $0x1;
	_ =	strace $0x80000046;
	[dreg:$0x1] =	wrdreg $0xFFFFFFFF  }
0xa9: {  	s28 =	simm.s32 $_size_execute0_lowered;
	s5 =	sadd.s32 s5, s6;
	[dreg:$0x0] =	wrdreg $0x0  }
0xaa: {  	s6 =	sshll.u32 s28, $0x1;
	[dreg:$0x2] =	wrdreg s5  }
0xab: {  	[dreg:$0x3] =	wrdreg s6  }
0xac: {  	[dreg:$0x4] =	wrdreg $0xC0  }
0xad: {  	_ =	task [dreg:s9], $0x5FFFF  }
0xae: {  	[dreg:$0x1] =	wrdreg $0xFFFFFFFF  }
0xaf: {  	[dreg:$0x0] =	wrdreg $0x60  }
0xb0: {  	[dreg:$0x2] =	wrdreg s2  }
0xb1: {  	[dreg:$0x3] =	wrdreg s19  }
0xb2: {  	[dreg:$0x4] =	wrdreg s4  }
0xb3: {  	[dreg:$0x5] =	wrdreg $0x9  }
0xb4: {  	_ =	task.clear_ibuf [dreg:s9], $0x6FFFF;
	_ =	strace $0x90000046  }
0xb5: {  	s29 =	simm.s32 $0x9;
	_ =	strace $0x80000048  }
0xb6: {  	_ =	swait.ge [sflag:s29], $0x1  }
0xb7: {  	[sflag:s29] =	ssyncadd.s32 $0xFFFFFFFF  }
0xb8: {  	_ =	strace $0x90000048  }
0xb9: {  	_ =	sfence  }
0xba: {  	s30 =	sld [smem:$0x0];
	_ =	sdelay $0x2  }
0xbb: {  	s31 =	sshll.u32 s1, $0xD;
	s1 =	sshrl.u32 s1, $0x2  }
0xbc: {  	s3 =	sand.u32 $0x4000, s31;
	s1 =	sadd.s32 s1, s30  }
0xbd: {  	s0 =	sor.u32 s3, s0;
	s1 =	sshll.u32 s1, $0x11  }
0xbe: {  	s0 =	sor.u32 s1, s0  }
0xbf: {  	s0 =	sadd.s32 $0x8F2B, s0  }
0xc0: {  	[sflag:s0] =	ssyncadd.remote.s32 $0x1  }
0xc1: {  	_ =	sfence.sel $0xFFFF  }
0xc2: {  	[dreg:$0x0] =	wrdreg $0xFFFFFFFF;
	(pc) =	sbr.abs _section_cstart, $3  }
0xc3: {  	[dreg:$0x1] =	wrdreg $0xFFFFFFFF  }
0xc4: {  	_ =	task.clear_ibuf [dreg:s9], $0x2FFFF;
	_ =	strace $0x9FFFFFFF  }
0xc5: {  	(tm) =	ssettm $0x7FFFFFFF  }
tec
execute0_lowered:
.L_overlay_start_1:
0x0: {  	(tag) =	ssettag $0x1  }
0x1: {  	s0 =	srdreg.scid;
	s4 =	rddreg [dreg:$0x0]  }
0x2: {  	s2 =	stileid.u32;
	s3 =	simm.s32 $0x1;
	s8 =	rddreg [dreg:$0x2]  }
0x3: {  	s19 =	simm.s32 $0x80;
	s0 =	sand.u32 $0x1, s0;
	s5 =	sand.u32 $0x7, s2  }
0x4: {  	s31 =	simm.s32 $0x200;
	s1 =	sshll.u32 s0, $0x4;
	p1 =	sne.s32 s5, $0x0  }
0x5: {  	s0 =	ssub.s32 $0x2, s0;
	s9 =	sshll.u32 s5, $0x9;
	s16 =	smul.u32 $0x18000, s5  }
0x6: {  	s5 =	smul.u32 $0xC0000, s5;
	s1 =	sor.u32 s2, s1;
	s2 =	rddreg [dreg:$0x1]  }
0x7: {  	s26 =	sshrl.u32 s0, $0x1;
	p0 =	seq.s32 s1, $0x0;
	s1 =	sshrl.u32 s1, $0x3  }
0x8: {  	s0 =	ssub.s32 s0, s26;
	s28 =	sor.u32 $0xC00, s16;
	s29 =	sor.u32 $0x1800, s16  }
0x9: {  	s30 =	sor.u32 $0x2400, s16;
	s10 =	sor.u32 $0x3000, s16;
	p0 =	por !p1, !p0  }
0xa: {  	s11 =	sor.u32 $0x3C00, s16;
	s12 =	sor.u32 $0x4800, s16;
	p0 =	por !p0, !p0  }
0xb: {  	s13 =	sor.u32 $0x5400, s16;
	s14 =	sor.u32 $0x6000, s16;
	s3 =	simm.s32 @!p0 $0x0  }
0xc: {  	s15 =	sor.u32 $0x6C00, s16;
	s5 =	sshrl.u32 s5, $0x3;
	s1 =	ssub.s32 s1, s3  }
0xd: {  	s17 =	sadd.s32 $0x8400, s5;
	s3 =	simm.s32 $0x0;
	s6 =	sshll.u32 s1, $0xD  }
0xe: {  	s7 =	sshll.u32 s1, $0x7;
	[smem:$0x7FF] =	sst s3;
	s1 =	smul.u32 $0x600000, s1  }
0xf: {  	s6 =	sand.u32 $0xFFFF8000, s6;
	_ =	strace $0x80000047;
	[smem:$0x7F6] =	sst s16  }
0x10: {  	s7 =	sand.u32 $0x180, s7;
	[dreg:$0x5] =	wrdreg s19;
	s1 =	sshrl.u32 s1, $0x3  }
0x11: {  	[dreg:$0x6] =	wrdreg s31;
	s6 =	sor.u32 s7, s6;
	s23 =	sadd.s32 s8, s1  }
0x12: {  	s6 =	sshrl.u32 s6, $0x3;
	s1 =	sadd.s32 s23, s28;
	[smem:$0x7FC] =	sst s23  }
0x13: {  	s6 =	sadd.s32 s4, s6;
	s4 =	sadd.s32 s23, s29;
	[dreg:$0x7] =	wrdreg s1  }
0x14: {  	s18 =	sadd.s32 $0x9000, s5;
	s24 =	sadd.s32 s23, s10;
	[dreg:$0x8] =	wrdreg s4  }
0x15: {  	s20 =	sadd.s32 $0x9C00, s5;
	s26 =	sadd.s32 s23, s11;
	[dreg:$0xa] =	wrdreg s24  }
0x16: {  	s21 =	sadd.s32 $0xA800, s5;
	s28 =	sadd.s32 s23, s12;
	[dreg:$0xb] =	wrdreg s26  }
0x17: {  	s22 =	sadd.s32 $0xCC00, s5;
	s29 =	sadd.s32 s23, s13;
	[dreg:$0xc] =	wrdreg s28  }
0x18: {  	s25 =	sadd.s32 $0xD800, s5;
	s31 =	sadd.s32 s23, s15;
	[dreg:$0xd] =	wrdreg s29  }
0x19: {  	s16 =	sor.u32 $0x7800, s16;
	s11 =	sadd.s32 s17, s23;
	[dreg:$0xf] =	wrdreg s31  }
0x1a: {  	s19 =	sadd.s32 $0xB400, s5;
	s12 =	sadd.s32 s18, s23;
	[dreg:$0x11] =	wrdreg s11  }
0x1b: {  	s7 =	sadd.s32 $0x200, s2;
	s6 =	sadd.s32 s9, s6;
	[dreg:$0x12] =	wrdreg s12  }
0x1c: {  	s8 =	sadd.s32 $0xC000, s5;
	s9 =	sadd.s32 s23, s30;
	[dreg:$0x4] =	wrdreg s6  }
0x1d: {  	s10 =	sadd.s32 $0xF000, s5;
	s30 =	sadd.s32 s23, s14;
	[dreg:$0x9] =	wrdreg s9  }
0x1e: {  	s13 =	sadd.s32 $0xFC00, s5;
	s24 =	sadd.s32 s20, s23;
	[dreg:$0xe] =	wrdreg s30  }
0x1f: {  	s15 =	sadd.s32 $0x11400, s5;
	s26 =	sadd.s32 s21, s23;
	[dreg:$0x13] =	wrdreg s24  }
0x20: {  	s17 =	sadd.s32 $0x12C00, s5;
	s28 =	sadd.s32 s19, s23;
	[dreg:$0x14] =	wrdreg s26  }
0x21: {  	s18 =	sadd.s32 $0x13800, s5;
	s31 =	sadd.s32 s22, s23;
	[dreg:$0x15] =	wrdreg s28  }
0x22: {  	s4 =	sadd.s32 $0xE400, s5;
	s12 =	sadd.s32 s10, s23;
	[dreg:$0x17] =	wrdreg s31  }
0x23: {  	s14 =	sadd.s32 $0x10800, s5;
	s13 =	sadd.s32 s13, s23;
	[dreg:$0x1a] =	wrdreg s12  }
0x24: {  	s20 =	sadd.s32 $0x14400, s5;
	s15 =	sadd.s32 s15, s23;
	[dreg:$0x1b] =	wrdreg s13  }
0x25: {  	s21 =	sadd.s32 $0x15000, s5;
	s9 =	sadd.s32 s23, s16;
	[dreg:$0x1d] =	wrdreg s15  }
0x26: {  	s29 =	sadd.s32 $0x15C00, s5;
	s30 =	sadd.s32 s8, s23;
	[dreg:$0x10] =	wrdreg s9  }
0x27: {  	s1 =	sadd.s32 $0x16800, s5;
	s8 =	sadd.s32 s25, s23;
	[dreg:$0x16] =	wrdreg s30  }
0x28: {  	s19 =	simm.s32 $0x8;
	s11 =	sadd.s32 s4, s23;
	[dreg:$0x18] =	wrdreg s8  }
0x29: {  	s6 =	sadd.s32 $0x100, s2;
	s14 =	sadd.s32 s14, s23;
	[dreg:$0x19] =	wrdreg s11  }
0x2a: {  	s16 =	sadd.s32 $0x12000, s5;
	s24 =	sadd.s32 s17, s23;
	[dreg:$0x1c] =	wrdreg s14  }
0x2b: {  	s25 =	sadd.s32 s18, s23;
	s26 =	sadd.s32 s20, s23;
	[dreg:$0x1f] =	wrdreg s24  }
0x2c: {  	s28 =	sadd.s32 s21, s23;
	s29 =	sadd.s32 s29, s23;
	[smem:$0x7F7] =	sst s25  }
0x2d: {  	s13 =	simm.s32 $0x5;
	s15 =	simm.s32 $0x6;
	[smem:$0x7F8] =	sst s26  }
0x2e: {  	s17 =	simm.s32 $0x7;
	s18 =	simm.s32 $0x4;
	[smem:$0x7F9] =	sst s28  }
0x2f: {  	s9 =	sadd.s32 $0x17400, s5;
	s22 =	sadd.s32 s16, s23;
	[smem:$0x7FA] =	sst s29  }
0x30: {  	v2 =	vlaneseq.u32;
	s5 =	smax.u32 s0, $0x1;
	s30 =	sadd.s32 s1, s23;
	[dreg:$0x1e] =	wrdreg s22  }
0x31: {  	vm0 =	vmmov $0xffff;
	v1 =	vshrl.u32 v2, $0x3;
	s14 =	simm.s32 $0x2;
	[smem:$0x7FB] =	sst s30;
	s31 =	sadd.s32 s9, s23  }
0x32: {  	v0 =	vand.u32 $0x7, v2;
	v2 =	vor.u32 $0x8, v2;
	v1 =	vmul.u32 $0x8, v1;
	s16 =	simm.s32 $0x3;
	s8 =	simm.s32 $0x1;
	[smem:$0x7FD] =	sst s31  }
.LBB2_1:
0x33: {  	[smem:$0x7F5] =	sst s5  }
0x34: {  	s20 =	rddreg [dreg:$0x4]  }
0x35: {  	s21 =	rddreg [dreg:$0x5]  }
0x36: {  	s22 =	rddreg [dreg:$0x6];
	s26 =	simm.s32 $0x9  }
0x37: {  	[tilespmem:s3], [sflag:$0x9] =	stream.strided.gather [hbm4b:s20+s21], $0x400, s22, s21, $0x38;
	[tilespmem:$0x18400] =	vst v63  }
0x38: {  	_ =	swait.ge [sflag:s26], $0x400  }
0x39: {  	[sflag:s26] =	ssyncset.done $0x0  }
0x3a: {  	[sflag:s26] =	ssyncadd.s32 $0xFFFFFC00  }
0x3b: {  	v3 =	vld [tilespmem:$0x0];
	_ =	sdelay $0x4  }
0x3c: {  	v4 =	vshrl.u32 v3, $0x3  }
0x3d: {  	v4 =	vmul.u32 $0x30, v4  }
0x3e: {  	v3 =	vand.u32 $0x7, v3  }
0x3f: {  	v3 =	vor.u32 v3, v4  }
0x40: {  	v4 =	vperm.xlane v3, v0;
	_ =	sdelay $0x1  }
0x41: {  	v4 =	vadd.s32 v1, v4;
	_ =	sdelay $0x3  }
0x42: {  	s0 =	simm.s32 $0x400;
	v3 =	vperm.xlane v3, v2  }
0x43: {  	[tilespmem:s0], [sflag:$0x1] =	stream.indirect_vreg.gather [hbm4b:s2+s3], $0x80, v4, vm0, $0xb8;
	[tilespmem:$0x18400] =	vst v63  }
0x44: {  	s28 =	simm.s32 $0xC00;
	v3 =	vadd.s32 v1, v3  }
0x45: {  	[tilespmem:s28], [sflag:$0x1] =	stream.indirect_vreg.gather [hbm4b:s6+s3], $0x80, v4, vm0, $0xb8;
	[tilespmem:$0x18400] =	vst v63  }
0x46: {  	s29 =	simm.s32 $0x1400  }
0x47: {  	[tilespmem:s29], [sflag:$0x1] =	stream.indirect_vreg.gather [hbm4b:s7+s3], $0x80, v4, vm0, $0xb8;
	[tilespmem:$0x18400] =	vst v63  }
0x48: {  	s30 =	simm.s32 $0x1C00  }
0x49: {  	[tilespmem:s30], [sflag:$0x1] =	stream.indirect_vreg.gather [hbm4b:s2+s3], $0x80, v3, vm0, $0xb8;
	[tilespmem:$0x18400] =	vst v63  }
0x4a: {  	s1 =	simm.s32 $0x2400  }
0x4b: {  	[tilespmem:s1], [sflag:$0x1] =	stream.indirect_vreg.gather [hbm4b:s6+s3], $0x80, v3, vm0, $0xb8;
	[tilespmem:$0x18400] =	vst v63  }
0x4c: {  	s4 =	simm.s32 $0x2C00  }
0x4d: {  	[tilespmem:s4], [sflag:$0x1] =	stream.indirect_vreg.gather [hbm4b:s7+s3], $0x80, v3, vm0, $0xb8;
	[tilespmem:$0x18400] =	vst v63  }
0x4e: {  	v3 =	vld [tilespmem:$0x10];
	_ =	sdelay $0x4  }
0x4f: {  	v57 =	vshrl.u32 v3, $0x3  }
0x50: {  	v4 =	vmul.u32 $0x30, v57  }
0x51: {  	v3 =	vand.u32 $0x7, v3  }
0x52: {  	v3 =	vor.u32 v3, v4  }
0x53: {  	v4 =	vperm.xlane v3, v0;
	_ =	sdelay $0x1  }
0x54: {  	v4 =	vadd.s32 v1, v4;
	_ =	sdelay $0x3  }
0x55: {  	s5 =	simm.s32 $0x3400;
	v3 =	vperm.xlane v3, v2  }
0x56: {  	[tilespmem:s5], [sflag:$0x1] =	stream.indirect_vreg.gather [hbm4b:s2+s3], $0x80, v4, vm0, $0xb8;
	[tilespmem:$0x18400] =	vst v63  }
0x57: {  	s9 =	simm.s32 $0x3C00;
	v3 =	vadd.s32 v1, v3  }
0x58: {  	[tilespmem:s9], [sflag:$0x1] =	stream.indirect_vreg.gather [hbm4b:s6+s3], $0x80, v4, vm0, $0xb8;
	[tilespmem:$0x18400] =	vst v63  }
0x59: {  	s10 =	simm.s32 $0x4400  }
0x5a: {  	[tilespmem:s10], [sflag:$0x1] =	stream.indirect_vreg.gather [hbm4b:s7+s3], $0x80, v4, vm0, $0xb8;
	[tilespmem:$0x18400] =	vst v63  }
0x5b: {  	s11 =	simm.s32 $0x4C00  }
0x5c: {  	[tilespmem:s11], [sflag:$0x1] =	stream.indirect_vreg.gather [hbm4b:s2+s3], $0x80, v3, vm0, $0xb8;
	[tilespmem:$0x18400] =	vst v63  }
0x5d: {  	s12 =	simm.s32 $0x5400  }
0x5e: {  	[tilespmem:s12], [sflag:$0x1] =	stream.indirect_vreg.gather [hbm4b:s6+s3], $0x80, v3, vm0, $0xb8;
	[tilespmem:$0x18400] =	vst v63  }
0x5f: {  	s20 =	simm.s32 $0x5C00  }
0x60: {  	[tilespmem:s20], [sflag:$0x1] =	stream.indirect_vreg.gather [hbm4b:s7+s3], $0x80, v3, vm0, $0xb8;
	[tilespmem:$0x18400] =	vst v63  }
0x61: {  	v3 =	vld [tilespmem:$0x20];
	_ =	sdelay $0x4  }
0x62: {  	v58 =	vshrl.u32 v3, $0x3  }
0x63: {  	v4 =	vmul.u32 $0x30, v58  }
0x64: {  	v3 =	vand.u32 $0x7, v3  }
0x65: {  	v3 =	vor.u32 v3, v4  }
0x66: {  	v4 =	vperm.xlane v3, v0;
	_ =	sdelay $0x1  }
0x67: {  	v4 =	vadd.s32 v1, v4;
	_ =	sdelay $0x3  }
0x68: {  	s21 =	simm.s32 $0x6400;
	v3 =	vperm.xlane v3, v2  }
0x69: {  	[tilespmem:s21], [sflag:$0x2] =	stream.indirect_vreg.gather [hbm4b:s2+s3], $0x80, v4, vm0, $0xb8;
	[tilespmem:$0x18400] =	vst v63  }
0x6a: {  	s22 =	simm.s32 $0x6C00;
	v3 =	vadd.s32 v1, v3  }
0x6b: {  	[tilespmem:s22], [sflag:$0x2] =	stream.indirect_vreg.gather [hbm4b:s6+s3], $0x80, v4, vm0, $0xb8;
	[tilespmem:$0x18400] =	vst v63  }
0x6c: {  	s24 =	simm.s32 $0x7400  }
0x6d: {  	[tilespmem:s24], [sflag:$0x2] =	stream.indirect_vreg.gather [hbm4b:s7+s3], $0x80, v4, vm0, $0xb8;
	[tilespmem:$0x18400] =	vst v63  }
0x6e: {  	s25 =	simm.s32 $0x7C00  }
0x6f: {  	[tilespmem:s25], [sflag:$0x2] =	stream.indirect_vreg.gather [hbm4b:s2+s3], $0x80, v3, vm0, $0xb8;
	[tilespmem:$0x18400] =	vst v63  }
0x70: {  	s26 =	simm.s32 $0x8400  }
0x71: {  	[tilespmem:s26], [sflag:$0x2] =	stream.indirect_vreg.gather [hbm4b:s6+s3], $0x80, v3, vm0, $0xb8;
	[tilespmem:$0x18400] =	vst v63  }
0x72: {  	s28 =	simm.s32 $0x8C00  }
0x73: {  	[tilespmem:s28], [sflag:$0x2] =	stream.indirect_vreg.gather [hbm4b:s7+s3], $0x80, v3, vm0, $0xb8;
	[tilespmem:$0x18400] =	vst v63  }
0x74: {  	v3 =	vld [tilespmem:$0x30];
	_ =	sdelay $0x4  }
0x75: {  	v59 =	vshrl.u32 v3, $0x3  }
0x76: {  	v4 =	vmul.u32 $0x30, v59  }
0x77: {  	v3 =	vand.u32 $0x7, v3  }
0x78: {  	v3 =	vor.u32 v3, v4  }
0x79: {  	v4 =	vperm.xlane v3, v0;
	_ =	sdelay $0x1  }
0x7a: {  	v4 =	vadd.s32 v1, v4;
	_ =	sdelay $0x3  }
0x7b: {  	s29 =	simm.s32 $0x9400;
	v3 =	vperm.xlane v3, v2  }
0x7c: {  	[tilespmem:s29], [sflag:$0x2] =	stream.indirect_vreg.gather [hbm4b:s2+s3], $0x80, v4, vm0, $0xb8;
	[tilespmem:$0x18400] =	vst v63  }
0x7d: {  	s4 =	simm.s32 $0x9C00;
	v3 =	vadd.s32 v1, v3  }
0x7e: {  	[tilespmem:s4], [sflag:$0x2] =	stream.indirect_vreg.gather [hbm4b:s6+s3], $0x80, v4, vm0, $0xb8;
	[tilespmem:$0x18400] =	vst v63  }
0x7f: {  	s20 =	simm.s32 $0xA400  }
0x80: {  	[tilespmem:s20], [sflag:$0x2] =	stream.indirect_vreg.gather [hbm4b:s7+s3], $0x80, v4, vm0, $0xb8;
	[tilespmem:$0x18400] =	vst v63  }
0x81: {  	s21 =	simm.s32 $0xAC00  }
0x82: {  	[tilespmem:s21], [sflag:$0x2] =	stream.indirect_vreg.gather [hbm4b:s2+s3], $0x80, v3, vm0, $0xb8;
	[tilespmem:$0x18400] =	vst v63  }
0x83: {  	s24 =	simm.s32 $0xB400  }
0x84: {  	[tilespmem:s24], [sflag:$0x2] =	stream.indirect_vreg.gather [hbm4b:s6+s3], $0x80, v3, vm0, $0xb8;
	[tilespmem:$0x18400] =	vst v63  }
0x85: {  	s25 =	simm.s32 $0xBC00  }
0x86: {  	[tilespmem:s25], [sflag:$0x2] =	stream.indirect_vreg.gather [hbm4b:s7+s3], $0x80, v3, vm0, $0xb8;
	[tilespmem:$0x18400] =	vst v63  }
0x87: {  	v3 =	vld [tilespmem:$0x40];
	_ =	sdelay $0x4  }
0x88: {  	v60 =	vshrl.u32 v3, $0x3  }
0x89: {  	v4 =	vmul.u32 $0x30, v60  }
0x8a: {  	v3 =	vand.u32 $0x7, v3  }
0x8b: {  	v3 =	vor.u32 v3, v4  }
0x8c: {  	v4 =	vperm.xlane v3, v0;
	_ =	sdelay $0x1  }
0x8d: {  	v4 =	vadd.s32 v1, v4;
	_ =	sdelay $0x3  }
0x8e: {  	s26 =	simm.s32 $0xC400;
	v3 =	vperm.xlane v3, v2  }
0x8f: {  	[tilespmem:s26], [sflag:$0x3] =	stream.indirect_vreg.gather [hbm4b:s2+s3], $0x80, v4, vm0, $0xb8;
	[tilespmem:$0x18400] =	vst v63  }
0x90: {  	s28 =	simm.s32 $0xCC00;
	v3 =	vadd.s32 v1, v3  }
0x91: {  	[tilespmem:s28], [sflag:$0x3] =	stream.indirect_vreg.gather [hbm4b:s6+s3], $0x80, v4, vm0, $0xb8;
	[tilespmem:$0x18400] =	vst v63  }
0x92: {  	s29 =	simm.s32 $0xD400  }
0x93: {  	[tilespmem:s29], [sflag:$0x3] =	stream.indirect_vreg.gather [hbm4b:s7+s3], $0x80, v4, vm0, $0xb8;
	[tilespmem:$0x18400] =	vst v63  }
0x94: {  	s4 =	simm.s32 $0xDC00  }
0x95: {  	[tilespmem:s4], [sflag:$0x3] =	stream.indirect_vreg.gather [hbm4b:s2+s3], $0x80, v3, vm0, $0xb8;
	[tilespmem:$0x18400] =	vst v63  }
0x96: {  	s20 =	simm.s32 $0xE400  }
0x97: {  	[tilespmem:s20], [sflag:$0x3] =	stream.indirect_vreg.gather [hbm4b:s6+s3], $0x80, v3, vm0, $0xb8;
	[tilespmem:$0x18400] =	vst v63  }
0x98: {  	s21 =	simm.s32 $0xEC00  }
0x99: {  	[tilespmem:s21], [sflag:$0x3] =	stream.indirect_vreg.gather [hbm4b:s7+s3], $0x80, v3, vm0, $0xb8;
	[tilespmem:$0x18400] =	vst v63  }
0x9a: {  	v3 =	vld [tilespmem:$0x50];
	_ =	sdelay $0x4  }
0x9b: {  	v61 =	vshrl.u32 v3, $0x3  }
0x9c: {  	v4 =	vmul.u32 $0x30, v61  }
0x9d: {  	v3 =	vand.u32 $0x7, v3  }
0x9e: {  	v3 =	vor.u32 v3, v4  }
0x9f: {  	v4 =	vperm.xlane v3, v0;
	_ =	sdelay $0x1  }
0xa0: {  	v4 =	vadd.s32 v1, v4;
	_ =	sdelay $0x3  }
0xa1: {  	s24 =	simm.s32 $0xF400;
	v3 =	vperm.xlane v3, v2  }
0xa2: {  	[tilespmem:s24], [sflag:$0x3] =	stream.indirect_vreg.gather [hbm4b:s2+s3], $0x80, v4, vm0, $0xb8;
	[tilespmem:$0x18400] =	vst v63  }
0xa3: {  	s26 =	simm.s32 $0xFC00;
	v3 =	vadd.s32 v1, v3  }
0xa4: {  	[tilespmem:s26], [sflag:$0x3] =	stream.indirect_vreg.gather [hbm4b:s6+s3], $0x80, v4, vm0, $0xb8;
	[tilespmem:$0x18400] =	vst v63  }
0xa5: {  	s4 =	simm.s32 $0x10400  }
0xa6: {  	[tilespmem:s4], [sflag:$0x3] =	stream.indirect_vreg.gather [hbm4b:s7+s3], $0x80, v4, vm0, $0xb8;
	[tilespmem:$0x18400] =	vst v63  }
0xa7: {  	s20 =	simm.s32 $0x10C00  }
0xa8: {  	[tilespmem:s20], [sflag:$0x3] =	stream.indirect_vreg.gather [hbm4b:s2+s3], $0x80, v3, vm0, $0xb8;
	[tilespmem:$0x18400] =	vst v63  }
0xa9: {  	s21 =	simm.s32 $0x11400  }
0xaa: {  	[tilespmem:s21], [sflag:$0x3] =	stream.indirect_vreg.gather [hbm4b:s6+s3], $0x80, v3, vm0, $0xb8;
	[tilespmem:$0x18400] =	vst v63  }
0xab: {  	s24 =	simm.s32 $0x11C00  }
0xac: {  	[tilespmem:s24], [sflag:$0x3] =	stream.indirect_vreg.gather [hbm4b:s7+s3], $0x80, v3, vm0, $0xb8;
	[tilespmem:$0x18400] =	vst v63  }
0xad: {  	v3 =	vld [tilespmem:$0x60];
	_ =	sdelay $0x4  }
0xae: {  	v62 =	vshrl.u32 v3, $0x3  }
0xaf: {  	v4 =	vmul.u32 $0x30, v62  }
0xb0: {  	v3 =	vand.u32 $0x7, v3  }
0xb1: {  	v3 =	vor.u32 v3, v4  }
0xb2: {  	v4 =	vperm.xlane v3, v0;
	_ =	sdelay $0x1  }
0xb3: {  	v4 =	vadd.s32 v1, v4;
	_ =	sdelay $0x3  }
0xb4: {  	s4 =	simm.s32 $0x12400;
	v3 =	vperm.xlane v3, v2  }
0xb5: {  	[tilespmem:s4], [sflag:$0x4] =	stream.indirect_vreg.gather [hbm4b:s2+s3], $0x80, v4, vm0, $0xb8;
	[tilespmem:$0x18400] =	vst v63  }
0xb6: {  	v3 =	vadd.s32 v1, v3;
	s4 =	simm.s32 $0x12C00  }
0xb7: {  	[tilespmem:s4], [sflag:$0x4] =	stream.indirect_vreg.gather [hbm4b:s6+s3], $0x80, v4, vm0, $0xb8;
	[tilespmem:$0x18400] =	vst v63  }
0xb8: {  	s21 =	simm.s32 $0x13400  }
0xb9: {  	[tilespmem:s21], [sflag:$0x4] =	stream.indirect_vreg.gather [hbm4b:s7+s3], $0x80, v4, vm0, $0xb8;
	[tilespmem:$0x18400] =	vst v63  }
0xba: {  	s24 =	simm.s32 $0x13C00  }
0xbb: {  	[tilespmem:s24], [sflag:$0x4] =	stream.indirect_vreg.gather [hbm4b:s2+s3], $0x80, v3, vm0, $0xb8;
	[tilespmem:$0x18400] =	vst v63  }
0xbc: {  	s4 =	simm.s32 $0x14400  }
0xbd: {  	[tilespmem:s4], [sflag:$0x4] =	stream.indirect_vreg.gather [hbm4b:s6+s3], $0x80, v3, vm0, $0xb8;
	[tilespmem:$0x18400] =	vst v63  }
0xbe: {  	s21 =	simm.s32 $0x14C00  }
0xbf: {  	[tilespmem:s21], [sflag:$0x4] =	stream.indirect_vreg.gather [hbm4b:s7+s3], $0x80, v3, vm0, $0xb8;
	[tilespmem:$0x18400] =	vst v63  }
0xc0: {  	v3 =	vld [tilespmem:$0x70];
	_ =	sdelay $0x4  }
0xc1: {  	v63 =	vshrl.u32 v3, $0x3  }
0xc2: {  	v4 =	vmul.u32 $0x30, v63  }
0xc3: {  	v3 =	vand.u32 $0x7, v3  }
0xc4: {  	v3 =	vor.u32 v3, v4  }
0xc5: {  	v4 =	vperm.xlane v3, v0;
	_ =	sdelay $0x1  }
0xc6: {  	v4 =	vadd.s32 v1, v4;
	_ =	sdelay $0x3  }
0xc7: {  	s24 =	simm.s32 $0x15400;
	v3 =	vperm.xlane v3, v2  }
0xc8: {  	[tilespmem:s24], [sflag:$0x4] =	stream.indirect_vreg.gather [hbm4b:s2+s3], $0x80, v4, vm0, $0xb8;
	[tilespmem:$0x18400] =	vst v63  }
0xc9: {  	s4 =	simm.s32 $0x15C00;
	v3 =	vadd.s32 v1, v3  }
0xca: {  	[tilespmem:s4], [sflag:$0x4] =	stream.indirect_vreg.gather [hbm4b:s6+s3], $0x80, v4, vm0, $0xb8;
	[tilespmem:$0x18400] =	vst v63  }
0xcb: {  	s21 =	simm.s32 $0x16400  }
0xcc: {  	[tilespmem:s21], [sflag:$0x4] =	stream.indirect_vreg.gather [hbm4b:s7+s3], $0x80, v4, vm0, $0xb8;
	[tilespmem:$0x18400] =	vst v63  }
0xcd: {  	s24 =	simm.s32 $0x16C00  }
0xce: {  	[tilespmem:s24], [sflag:$0x4] =	stream.indirect_vreg.gather [hbm4b:s2+s3], $0x80, v3, vm0, $0xb8;
	[tilespmem:$0x18400] =	vst v63  }
0xcf: {  	s4 =	simm.s32 $0x17400  }
0xd0: {  	[tilespmem:s4], [sflag:$0x4] =	stream.indirect_vreg.gather [hbm4b:s6+s3], $0x80, v3, vm0, $0xb8;
	[tilespmem:$0x18400] =	vst v63  }
0xd1: {  	s21 =	simm.s32 $0x17C00  }
0xd2: {  	[tilespmem:s21], [sflag:$0x4] =	stream.indirect_vreg.gather [hbm4b:s7+s3], $0x80, v3, vm0, $0xb8;
	[tilespmem:$0x18400] =	vst v63  }
0xd3: {  	_ =	swait.ge [sflag:s8], $0x6000  }
0xd4: {  	s24 =	sld [smem:$0x7F6]  }
0xd5: {  	s4 =	sld [smem:$0x7FC];
	_ =	sdelay $0x1  }
0xd6: {  	[sflag:s8] =	ssyncset.done $0x0  }
0xd7: {  	[sflag:s8] =	ssyncadd.s32 $0xFFFFA000;
	s20 =	sadd.s32 s24, s4;
	s24 =	simm.s32 $0x400  }
0xd8: {  	[hbm4b:s20+s3] =	stream.linear.scatter [tilespmem:s24], [sflag:$0x5], $0x6000, $0x38;
	[tilespmem:$0x18400] =	vst v63  }
0xd9: {  	_ =	swait.ge [sflag:s13], $0x6000  }
0xda: {  	[sflag:s13] =	ssyncset.done $0x0  }
0xdb: {  	[sflag:s13] =	ssyncadd.s32 $0xFFFFA000  }
0xdc: {  	v3 =	vld [tilespmem:$0x80];
	_ =	sdelay $0x4  }
0xdd: {  	v8 =	vshrl.u32 v3, $0x3  }
0xde: {  	v4 =	vmul.u32 $0x30, v8  }
0xdf: {  	v3 =	vand.u32 $0x7, v3  }
0xe0: {  	v3 =	vor.u32 v3, v4  }
0xe1: {  	v4 =	vperm.xlane v3, v0;
	_ =	sdelay $0x1  }
0xe2: {  	v4 =	vadd.s32 v1, v4;
	_ =	sdelay $0x3  }
0xe3: {  	v3 =	vperm.xlane v3, v2  }
0xe4: {  	[tilespmem:s24], [sflag:$0x1] =	stream.indirect_vreg.gather [hbm4b:s2+s3], $0x80, v4, vm0, $0xb8;
	[tilespmem:$0x18400] =	vst v63  }
0xe5: {  	s23 =	simm.s32 $0xC00;
	v3 =	vadd.s32 v1, v3  }
0xe6: {  	[tilespmem:s23], [sflag:$0x1] =	stream.indirect_vreg.gather [hbm4b:s6+s3], $0x80, v4, vm0, $0xb8;
	[tilespmem:$0x18400] =	vst v63  }
0xe7: {  	s31 =	simm.s32 $0x1400  }
0xe8: {  	[tilespmem:s31], [sflag:$0x1] =	stream.indirect_vreg.gather [hbm4b:s7+s3], $0x80, v4, vm0, $0xb8;
	[tilespmem:$0x18400] =	vst v63  }
0xe9: {  	s24 =	simm.s32 $0x1C00  }
0xea: {  	[tilespmem:s24], [sflag:$0x1] =	stream.indirect_vreg.gather [hbm4b:s2+s3], $0x80, v3, vm0, $0xb8;
	[tilespmem:$0x18400] =	vst v63  }
0xeb: {  	s31 =	simm.s32 $0x2400  }
0xec: {  	[tilespmem:s31], [sflag:$0x1] =	stream.indirect_vreg.gather [hbm4b:s6+s3], $0x80, v3, vm0, $0xb8;
	[tilespmem:$0x18400] =	vst v63  }
0xed: {  	s1 =	simm.s32 $0x2C00  }
0xee: {  	[tilespmem:s1], [sflag:$0x1] =	stream.indirect_vreg.gather [hbm4b:s7+s3], $0x80, v3, vm0, $0xb8;
	[tilespmem:$0x18400] =	vst v63  }
0xef: {  	v3 =	vld [tilespmem:$0x90];
	_ =	sdelay $0x4  }
0xf0: {  	v9 =	vshrl.u32 v3, $0x3  }
0xf1: {  	v4 =	vmul.u32 $0x30, v9  }
0xf2: {  	v3 =	vand.u32 $0x7, v3  }
0xf3: {  	v3 =	vor.u32 v3, v4  }
0xf4: {  	v4 =	vperm.xlane v3, v0;
	_ =	sdelay $0x1  }
0xf5: {  	v4 =	vadd.s32 v1, v4;
	_ =	sdelay $0x3  }
0xf6: {  	s5 =	simm.s32 $0x3400;
	v3 =	vperm.xlane v3, v2  }
0xf7: {  	[tilespmem:s5], [sflag:$0x1] =	stream.indirect_vreg.gather [hbm4b:s2+s3], $0x80, v4, vm0, $0xb8;
	[tilespmem:$0x18400] =	vst v63  }
0xf8: {  	v3 =	vadd.s32 v1, v3;
	s5 =	simm.s32 $0x3C00  }
0xf9: {  	[tilespmem:s5], [sflag:$0x1] =	stream.indirect_vreg.gather [hbm4b:s6+s3], $0x80, v4, vm0, $0xb8;
	[tilespmem:$0x18400] =	vst v63  }
0xfa: {  	s20 =	simm.s32 $0x4400  }
0xfb: {  	[tilespmem:s20], [sflag:$0x1] =	stream.indirect_vreg.gather [hbm4b:s7+s3], $0x80, v4, vm0, $0xb8;
	[tilespmem:$0x18400] =	vst v63  }
0xfc: {  	s21 =	simm.s32 $0x4C00  }
0xfd: {  	[tilespmem:s21], [sflag:$0x1] =	stream.indirect_vreg.gather [hbm4b:s2+s3], $0x80, v3, vm0, $0xb8;
	[tilespmem:$0x18400] =	vst v63  }
0xfe: {  	s23 =	simm.s32 $0x5400  }
0xff: {  	[tilespmem:s23], [sflag:$0x1] =	stream.indirect_vreg.gather [hbm4b:s6+s3], $0x80, v3, vm0, $0xb8;
	[tilespmem:$0x18400] =	vst v63  }
0x100: {  	s9 =	simm.s32 $0x5C00  }
0x101: {  	[tilespmem:s9], [sflag:$0x1] =	stream.indirect_vreg.gather [hbm4b:s7+s3], $0x80, v3, vm0, $0xb8;
	[tilespmem:$0x18400] =	vst v63  }
0x102: {  	_ =	swait.ge [sflag:s14], $0x6000  }
0x103: {  	[sflag:s14] =	ssyncset.done $0x0  }
0x104: {  	s1 =	simm.s32 $0x6400;
	s31 =	rddreg [dreg:$0x7];
	[sflag:s14] =	ssyncadd.s32 $0xFFFFA000  }
0x105: {  	[hbm4b:s31+s3] =	stream.linear.scatter [tilespmem:s1], [sflag:$0x6], $0x6000, $0x38;
	[tilespmem:$0x18400] =	vst v63  }
0x106: {  	_ =	swait.ge [sflag:s15], $0x6000  }
0x107: {  	[sflag:s15] =	ssyncset.done $0x0  }
0x108: {  	[sflag:s15] =	ssyncadd.s32 $0xFFFFA000  }
0x109: {  	v3 =	vld [tilespmem:$0xA0];
	_ =	sdelay $0x4  }
0x10a: {  	v10 =	vshrl.u32 v3, $0x3  }
0x10b: {  	v4 =	vmul.u32 $0x30, v10  }
0x10c: {  	v3 =	vand.u32 $0x7, v3  }
0x10d: {  	v3 =	vor.u32 v3, v4  }
0x10e: {  	v4 =	vperm.xlane v3, v0;
	_ =	sdelay $0x1  }
0x10f: {  	v4 =	vadd.s32 v1, v4;
	_ =	sdelay $0x3  }
0x110: {  	v3 =	vperm.xlane v3, v2  }
0x111: {  	[tilespmem:s1], [sflag:$0x2] =	stream.indirect_vreg.gather [hbm4b:s2+s3], $0x80, v4, vm0, $0xb8;
	[tilespmem:$0x18400] =	vst v63  }
0x112: {  	s30 =	simm.s32 $0x6C00;
	v3 =	vadd.s32 v1, v3  }
0x113: {  	[tilespmem:s30], [sflag:$0x2] =	stream.indirect_vreg.gather [hbm4b:s6+s3], $0x80, v4, vm0, $0xb8;
	[tilespmem:$0x18400] =	vst v63  }
0x114: {  	s11 =	simm.s32 $0x7400  }
0x115: {  	[tilespmem:s11], [sflag:$0x2] =	stream.indirect_vreg.gather [hbm4b:s7+s3], $0x80, v4, vm0, $0xb8;
	[tilespmem:$0x18400] =	vst v63  }
0x116: {  	s12 =	simm.s32 $0x7C00  }
0x117: {  	[tilespmem:s12], [sflag:$0x2] =	stream.indirect_vreg.gather [hbm4b:s2+s3], $0x80, v3, vm0, $0xb8;
	[tilespmem:$0x18400] =	vst v63  }
0x118: {  	s11 =	simm.s32 $0x8400  }
0x119: {  	[tilespmem:s11], [sflag:$0x2] =	stream.indirect_vreg.gather [hbm4b:s6+s3], $0x80, v3, vm0, $0xb8;
	[tilespmem:$0x18400] =	vst v63  }
0x11a: {  	s10 =	simm.s32 $0x8C00  }
0x11b: {  	[tilespmem:s10], [sflag:$0x2] =	stream.indirect_vreg.gather [hbm4b:s7+s3], $0x80, v3, vm0, $0xb8;
	[tilespmem:$0x18400] =	vst v63  }
0x11c: {  	v3 =	vld [tilespmem:$0xB0];
	_ =	sdelay $0x4  }
0x11d: {  	v11 =	vshrl.u32 v3, $0x3  }
0x11e: {  	v4 =	vmul.u32 $0x30, v11  }
0x11f: {  	v3 =	vand.u32 $0x7, v3  }
0x120: {  	v3 =	vor.u32 v3, v4  }
0x121: {  	v4 =	vperm.xlane v3, v0;
	_ =	sdelay $0x1  }
0x122: {  	v4 =	vadd.s32 v1, v4;
	_ =	sdelay $0x3  }
0x123: {  	s22 =	simm.s32 $0x9400;
	v3 =	vperm.xlane v3, v2  }
0x124: {  	[tilespmem:s22], [sflag:$0x2] =	stream.indirect_vreg.gather [hbm4b:s2+s3], $0x80, v4, vm0, $0xb8;
	[tilespmem:$0x18400] =	vst v63  }
0x125: {  	s31 =	simm.s32 $0x9C00;
	v3 =	vadd.s32 v1, v3  }
0x126: {  	[tilespmem:s31], [sflag:$0x2] =	stream.indirect_vreg.gather [hbm4b:s6+s3], $0x80, v4, vm0, $0xb8;
	[tilespmem:$0x18400] =	vst v63  }
0x127: {  	s4 =	simm.s32 $0xA400  }
0x128: {  	[tilespmem:s4], [sflag:$0x2] =	stream.indirect_vreg.gather [hbm4b:s7+s3], $0x80, v4, vm0, $0xb8;
	[tilespmem:$0x18400] =	vst v63  }
0x129: {  	s9 =	simm.s32 $0xAC00  }
0x12a: {  	[tilespmem:s9], [sflag:$0x2] =	stream.indirect_vreg.gather [hbm4b:s2+s3], $0x80, v3, vm0, $0xb8;
	[tilespmem:$0x18400] =	vst v63  }
0x12b: {  	s22 =	simm.s32 $0xB400  }
0x12c: {  	[tilespmem:s22], [sflag:$0x2] =	stream.indirect_vreg.gather [hbm4b:s6+s3], $0x80, v3, vm0, $0xb8;
	[tilespmem:$0x18400] =	vst v63  }
0x12d: {  	s23 =	simm.s32 $0xBC00  }
0x12e: {  	[tilespmem:s23], [sflag:$0x2] =	stream.indirect_vreg.gather [hbm4b:s7+s3], $0x80, v3, vm0, $0xb8;
	[tilespmem:$0x18400] =	vst v63  }
0x12f: {  	_ =	swait.ge [sflag:s16], $0x6000  }
0x130: {  	[sflag:s16] =	ssyncset.done $0x0  }
0x131: {  	s12 =	simm.s32 $0xC400;
	s10 =	rddreg [dreg:$0x8];
	[sflag:s16] =	ssyncadd.s32 $0xFFFFA000  }
0x132: {  	[hbm4b:s10+s3] =	stream.linear.scatter [tilespmem:s12], [sflag:$0x7], $0x6000, $0x38;
	[tilespmem:$0x18400] =	vst v63  }
0x133: {  	_ =	swait.ge [sflag:s17], $0x6000  }
0x134: {  	[sflag:s17] =	ssyncset.done $0x0  }
0x135: {  	[sflag:s17] =	ssyncadd.s32 $0xFFFFA000  }
0x136: {  	v3 =	vld [tilespmem:$0xC0];
	_ =	sdelay $0x4  }
0x137: {  	v12 =	vshrl.u32 v3, $0x3  }
0x138: {  	v4 =	vmul.u32 $0x30, v12  }
0x139: {  	v3 =	vand.u32 $0x7, v3  }
0x13a: {  	v3 =	vor.u32 v3, v4  }
0x13b: {  	v4 =	vperm.xlane v3, v0;
	_ =	sdelay $0x1  }
0x13c: {  	v4 =	vadd.s32 v1, v4;
	_ =	sdelay $0x3  }
0x13d: {  	v3 =	vperm.xlane v3, v2  }
0x13e: {  	[tilespmem:s12], [sflag:$0x3] =	stream.indirect_vreg.gather [hbm4b:s2+s3], $0x80, v4, vm0, $0xb8;
	[tilespmem:$0x18400] =	vst v63  }
0x13f: {  	s20 =	simm.s32 $0xCC00;
	v3 =	vadd.s32 v1, v3  }
0x140: {  	[tilespmem:s20], [sflag:$0x3] =	stream.indirect_vreg.gather [hbm4b:s6+s3], $0x80, v4, vm0, $0xb8;
	[tilespmem:$0x18400] =	vst v63  }
0x141: {  	s21 =	simm.s32 $0xD400  }
0x142: {  	[tilespmem:s21], [sflag:$0x3] =	stream.indirect_vreg.gather [hbm4b:s7+s3], $0x80, v4, vm0, $0xb8;
	[tilespmem:$0x18400] =	vst v63  }
0x143: {  	s30 =	simm.s32 $0xDC00  }
0x144: {  	[tilespmem:s30], [sflag:$0x3] =	stream.indirect_vreg.gather [hbm4b:s2+s3], $0x80, v3, vm0, $0xb8;
	[tilespmem:$0x18400] =	vst v63  }
0x145: {  	s25 =	simm.s32 $0xE400  }
0x146: {  	[tilespmem:s25], [sflag:$0x3] =	stream.indirect_vreg.gather [hbm4b:s6+s3], $0x80, v3, vm0, $0xb8;
	[tilespmem:$0x18400] =	vst v63  }
0x147: {  	s28 =	simm.s32 $0xEC00  }
0x148: {  	[tilespmem:s28], [sflag:$0x3] =	stream.indirect_vreg.gather [hbm4b:s7+s3], $0x80, v3, vm0, $0xb8;
	[tilespmem:$0x18400] =	vst v63  }
0x149: {  	v3 =	vld [tilespmem:$0xD0];
	_ =	sdelay $0x4  }
0x14a: {  	v13 =	vshrl.u32 v3, $0x3  }
0x14b: {  	v4 =	vmul.u32 $0x30, v13  }
0x14c: {  	v3 =	vand.u32 $0x7, v3  }
0x14d: {  	v3 =	vor.u32 v3, v4  }
0x14e: {  	v4 =	vperm.xlane v3, v0;
	_ =	sdelay $0x1  }
0x14f: {  	v4 =	vadd.s32 v1, v4;
	_ =	sdelay $0x3  }
0x150: {  	s29 =	simm.s32 $0xF400;
	v3 =	vperm.xlane v3, v2  }
0x151: {  	[tilespmem:s29], [sflag:$0x3] =	stream.indirect_vreg.gather [hbm4b:s2+s3], $0x80, v4, vm0, $0xb8;
	[tilespmem:$0x18400] =	vst v63  }
0x152: {  	s26 =	simm.s32 $0xFC00;
	v3 =	vadd.s32 v1, v3  }
0x153: {  	[tilespmem:s26], [sflag:$0x3] =	stream.indirect_vreg.gather [hbm4b:s6+s3], $0x80, v4, vm0, $0xb8;
	[tilespmem:$0x18400] =	vst v63  }
0x154: {  	s28 =	simm.s32 $0x10400  }
0x155: {  	[tilespmem:s28], [sflag:$0x3] =	stream.indirect_vreg.gather [hbm4b:s7+s3], $0x80, v4, vm0, $0xb8;
	[tilespmem:$0x18400] =	vst v63  }
0x156: {  	s29 =	simm.s32 $0x10C00  }
0x157: {  	[tilespmem:s29], [sflag:$0x3] =	stream.indirect_vreg.gather [hbm4b:s2+s3], $0x80, v3, vm0, $0xb8;
	[tilespmem:$0x18400] =	vst v63  }
0x158: {  	s30 =	simm.s32 $0x11400  }
0x159: {  	[tilespmem:s30], [sflag:$0x3] =	stream.indirect_vreg.gather [hbm4b:s6+s3], $0x80, v3, vm0, $0xb8;
	[tilespmem:$0x18400] =	vst v63  }
0x15a: {  	s0 =	simm.s32 $0x11C00  }
0x15b: {  	[tilespmem:s0], [sflag:$0x3] =	stream.indirect_vreg.gather [hbm4b:s7+s3], $0x80, v3, vm0, $0xb8;
	[tilespmem:$0x18400] =	vst v63  }
0x15c: {  	_ =	swait.ge [sflag:s18], $0x6000  }
0x15d: {  	[sflag:s18] =	ssyncset.done $0x0  }
0x15e: {  	s9 =	simm.s32 $0x12400;
	s4 =	rddreg [dreg:$0x9];
	[sflag:s18] =	ssyncadd.s32 $0xFFFFA000  }
0x15f: {  	[hbm4b:s4+s3] =	stream.linear.scatter [tilespmem:s9], [sflag:$0x8], $0x6000, $0x38;
	[tilespmem:$0x18400] =	vst v63  }
0x160: {  	_ =	swait.ge [sflag:s19], $0x6000  }
0x161: {  	[sflag:s19] =	ssyncset.done $0x0  }
0x162: {  	[sflag:s19] =	ssyncadd.s32 $0xFFFFA000  }
0x163: {  	v3 =	vld [tilespmem:$0xE0];
	_ =	sdelay $0x4  }
0x164: {  	v14 =	vshrl.u32 v3, $0x3  }
0x165: {  	v4 =	vmul.u32 $0x30, v14  }
0x166: {  	v3 =	vand.u32 $0x7, v3  }
0x167: {  	v3 =	vor.u32 v3, v4  }
0x168: {  	v4 =	vperm.xlane v3, v0;
	_ =	sdelay $0x1  }
0x169: {  	v4 =	vadd.s32 v1, v4;
	_ =	sdelay $0x3  }
0x16a: {  	v3 =	vperm.xlane v3, v2  }
0x16b: {  	[tilespmem:s9], [sflag:$0x4] =	stream.indirect_vreg.gather [hbm4b:s2+s3], $0x80, v4, vm0, $0xb8;
	[tilespmem:$0x18400] =	vst v63  }
0x16c: {  	s21 =	simm.s32 $0x12C00;
	v3 =	vadd.s32 v1, v3  }
0x16d: {  	[tilespmem:s21], [sflag:$0x4] =	stream.indirect_vreg.gather [hbm4b:s6+s3], $0x80, v4, vm0, $0xb8;
	[tilespmem:$0x18400] =	vst v63  }
0x16e: {  	s10 =	simm.s32 $0x13400  }
0x16f: {  	[tilespmem:s10], [sflag:$0x4] =	stream.indirect_vreg.gather [hbm4b:s7+s3], $0x80, v4, vm0, $0xb8;
	[tilespmem:$0x18400] =	vst v63  }
0x170: {  	s12 =	simm.s32 $0x13C00  }
0x171: {  	[tilespmem:s12], [sflag:$0x4] =	stream.indirect_vreg.gather [hbm4b:s2+s3], $0x80, v3, vm0, $0xb8;
	[tilespmem:$0x18400] =	vst v63  }
0x172: {  	s9 =	simm.s32 $0x14400  }
0x173: {  	[tilespmem:s9], [sflag:$0x4] =	stream.indirect_vreg.gather [hbm4b:s6+s3], $0x80, v3, vm0, $0xb8;
	[tilespmem:$0x18400] =	vst v63  }
0x174: {  	s20 =	simm.s32 $0x14C00  }
0x175: {  	[tilespmem:s20], [sflag:$0x4] =	stream.indirect_vreg.gather [hbm4b:s7+s3], $0x80, v3, vm0, $0xb8;
	[tilespmem:$0x18400] =	vst v63  }
0x176: {  	v3 =	vld [tilespmem:$0xF0];
	_ =	sdelay $0x4  }
0x177: {  	v15 =	vshrl.u32 v3, $0x3  }
0x178: {  	v4 =	vmul.u32 $0x30, v15  }
0x179: {  	v3 =	vand.u32 $0x7, v3  }
0x17a: {  	v3 =	vor.u32 v3, v4  }
0x17b: {  	v4 =	vperm.xlane v3, v0;
	_ =	sdelay $0x1  }
0x17c: {  	v4 =	vadd.s32 v1, v4;
	_ =	sdelay $0x3  }
0x17d: {  	s25 =	simm.s32 $0x15400;
	v3 =	vperm.xlane v3, v2  }
0x17e: {  	[tilespmem:s25], [sflag:$0x4] =	stream.indirect_vreg.gather [hbm4b:s2+s3], $0x80, v4, vm0, $0xb8;
	[tilespmem:$0x18400] =	vst v63  }
0x17f: {  	s26 =	simm.s32 $0x15C00;
	v3 =	vadd.s32 v1, v3  }
0x180: {  	[tilespmem:s26], [sflag:$0x4] =	stream.indirect_vreg.gather [hbm4b:s6+s3], $0x80, v4, vm0, $0xb8;
	[tilespmem:$0x18400] =	vst v63  }
0x181: {  	s10 =	simm.s32 $0x16400  }
0x182: {  	[tilespmem:s10], [sflag:$0x4] =	stream.indirect_vreg.gather [hbm4b:s7+s3], $0x80, v4, vm0, $0xb8;
	[tilespmem:$0x18400] =	vst v63  }
0x183: {  	s12 =	simm.s32 $0x16C00  }
0x184: {  	[tilespmem:s12], [sflag:$0x4] =	stream.indirect_vreg.gather [hbm4b:s2+s3], $0x80, v3, vm0, $0xb8;
	[tilespmem:$0x18400] =	vst v63  }
0x185: {  	s25 =	simm.s32 $0x17400  }
0x186: {  	[tilespmem:s25], [sflag:$0x4] =	stream.indirect_vreg.gather [hbm4b:s6+s3], $0x80, v3, vm0, $0xb8;
	[tilespmem:$0x18400] =	vst v63  }
0x187: {  	s26 =	simm.s32 $0x17C00  }
0x188: {  	[tilespmem:s26], [sflag:$0x4] =	stream.indirect_vreg.gather [hbm4b:s7+s3], $0x80, v3, vm0, $0xb8;
	[tilespmem:$0x18400] =	vst v63  }
0x189: {  	_ =	swait.ge [sflag:s8], $0x6000  }
0x18a: {  	[sflag:s8] =	ssyncset.done $0x0  }
0x18b: {  	s1 =	simm.s32 $0x400;
	s0 =	rddreg [dreg:$0xa];
	[sflag:s8] =	ssyncadd.s32 $0xFFFFA000  }
0x18c: {  	[hbm4b:s0+s3] =	stream.linear.scatter [tilespmem:s1], [sflag:$0x5], $0x6000, $0x38;
	[tilespmem:$0x18400] =	vst v63  }
0x18d: {  	_ =	swait.ge [sflag:s13], $0x6000  }
0x18e: {  	[sflag:s13] =	ssyncset.done $0x0  }
0x18f: {  	[sflag:s13] =	ssyncadd.s32 $0xFFFFA000  }
0x190: {  	v3 =	vld [tilespmem:$0x100];
	_ =	sdelay $0x4  }
0x191: {  	v16 =	vshrl.u32 v3, $0x3  }
0x192: {  	v4 =	vmul.u32 $0x30, v16  }
0x193: {  	v3 =	vand.u32 $0x7, v3  }
0x194: {  	v3 =	vor.u32 v3, v4  }
0x195: {  	v4 =	vperm.xlane v3, v0;
	_ =	sdelay $0x1  }
0x196: {  	v4 =	vadd.s32 v1, v4;
	_ =	sdelay $0x3  }
0x197: {  	v3 =	vperm.xlane v3, v2  }
0x198: {  	[tilespmem:s1], [sflag:$0x1] =	stream.indirect_vreg.gather [hbm4b:s2+s3], $0x80, v4, vm0, $0xb8;
	[tilespmem:$0x18400] =	vst v63  }
0x199: {  	s4 =	simm.s32 $0xC00;
	v3 =	vadd.s32 v1, v3  }
0x19a: {  	[tilespmem:s4], [sflag:$0x1] =	stream.indirect_vreg.gather [hbm4b:s6+s3], $0x80, v4, vm0, $0xb8;
	[tilespmem:$0x18400] =	vst v63  }
0x19b: {  	s20 =	simm.s32 $0x1400  }
0x19c: {  	[tilespmem:s20], [sflag:$0x1] =	stream.indirect_vreg.gather [hbm4b:s7+s3], $0x80, v4, vm0, $0xb8;
	[tilespmem:$0x18400] =	vst v63  }
0x19d: {  	_ = 	snop  }
0x19e: {  	[tilespmem:s24], [sflag:$0x1] =	stream.indirect_vreg.gather [hbm4b:s2+s3], $0x80, v3, vm0, $0xb8;
	[tilespmem:$0x18400] =	vst v63  }
0x19f: {  	s24 =	simm.s32 $0x2400  }
0x1a0: {  	[tilespmem:s24], [sflag:$0x1] =	stream.indirect_vreg.gather [hbm4b:s6+s3], $0x80, v3, vm0, $0xb8;
	[tilespmem:$0x18400] =	vst v63  }
0x1a1: {  	s4 =	simm.s32 $0x2C00  }
0x1a2: {  	[tilespmem:s4], [sflag:$0x1] =	stream.indirect_vreg.gather [hbm4b:s7+s3], $0x80, v3, vm0, $0xb8;
	[tilespmem:$0x18400] =	vst v63  }
0x1a3: {  	v3 =	vld [tilespmem:$0x110];
	_ =	sdelay $0x4  }
0x1a4: {  	v17 =	vshrl.u32 v3, $0x3  }
0x1a5: {  	v4 =	vmul.u32 $0x30, v17  }
0x1a6: {  	v3 =	vand.u32 $0x7, v3  }
0x1a7: {  	v3 =	vor.u32 v3, v4  }
0x1a8: {  	v4 =	vperm.xlane v3, v0;
	_ =	sdelay $0x1  }
0x1a9: {  	v4 =	vadd.s32 v1, v4;
	_ =	sdelay $0x3  }
0x1aa: {  	s1 =	simm.s32 $0x3400;
	v3 =	vperm.xlane v3, v2  }
0x1ab: {  	[tilespmem:s1], [sflag:$0x1] =	stream.indirect_vreg.gather [hbm4b:s2+s3], $0x80, v4, vm0, $0xb8;
	[tilespmem:$0x18400] =	vst v63  }
0x1ac: {  	v3 =	vadd.s32 v1, v3  }
0x1ad: {  	[tilespmem:s5], [sflag:$0x1] =	stream.indirect_vreg.gather [hbm4b:s6+s3], $0x80, v4, vm0, $0xb8;
	[tilespmem:$0x18400] =	vst v63  }
0x1ae: {  	s5 =	simm.s32 $0x4400  }
0x1af: {  	[tilespmem:s5], [sflag:$0x1] =	stream.indirect_vreg.gather [hbm4b:s7+s3], $0x80, v4, vm0, $0xb8;
	[tilespmem:$0x18400] =	vst v63  }
0x1b0: {  	s20 =	simm.s32 $0x4C00  }
0x1b1: {  	[tilespmem:s20], [sflag:$0x1] =	stream.indirect_vreg.gather [hbm4b:s2+s3], $0x80, v3, vm0, $0xb8;
	[tilespmem:$0x18400] =	vst v63  }
0x1b2: {  	s24 =	simm.s32 $0x5400  }
0x1b3: {  	[tilespmem:s24], [sflag:$0x1] =	stream.indirect_vreg.gather [hbm4b:s6+s3], $0x80, v3, vm0, $0xb8;
	[tilespmem:$0x18400] =	vst v63  }
0x1b4: {  	s5 =	simm.s32 $0x5C00  }
0x1b5: {  	[tilespmem:s5], [sflag:$0x1] =	stream.indirect_vreg.gather [hbm4b:s7+s3], $0x80, v3, vm0, $0xb8;
	[tilespmem:$0x18400] =	vst v63  }
0x1b6: {  	_ =	swait.ge [sflag:s14], $0x6000  }
0x1b7: {  	[sflag:s14] =	ssyncset.done $0x0  }
0x1b8: {  	s1 =	simm.s32 $0x6400;
	s0 =	rddreg [dreg:$0xb];
	[sflag:s14] =	ssyncadd.s32 $0xFFFFA000  }
0x1b9: {  	[hbm4b:s0+s3] =	stream.linear.scatter [tilespmem:s1], [sflag:$0x6], $0x6000, $0x38;
	[tilespmem:$0x18400] =	vst v63  }
0x1ba: {  	_ =	swait.ge [sflag:s15], $0x6000  }
0x1bb: {  	[sflag:s15] =	ssyncset.done $0x0  }
0x1bc: {  	[sflag:s15] =	ssyncadd.s32 $0xFFFFA000  }
0x1bd: {  	v3 =	vld [tilespmem:$0x120];
	_ =	sdelay $0x4  }
0x1be: {  	v18 =	vshrl.u32 v3, $0x3  }
0x1bf: {  	v4 =	vmul.u32 $0x30, v18  }
0x1c0: {  	v3 =	vand.u32 $0x7, v3  }
0x1c1: {  	v3 =	vor.u32 v3, v4  }
0x1c2: {  	v4 =	vperm.xlane v3, v0;
	_ =	sdelay $0x1  }
0x1c3: {  	v4 =	vadd.s32 v1, v4;
	_ =	sdelay $0x3  }
0x1c4: {  	v3 =	vperm.xlane v3, v2  }
0x1c5: {  	[tilespmem:s1], [sflag:$0x2] =	stream.indirect_vreg.gather [hbm4b:s2+s3], $0x80, v4, vm0, $0xb8;
	[tilespmem:$0x18400] =	vst v63  }
0x1c6: {  	s20 =	simm.s32 $0x6C00;
	v3 =	vadd.s32 v1, v3  }
0x1c7: {  	[tilespmem:s20], [sflag:$0x2] =	stream.indirect_vreg.gather [hbm4b:s6+s3], $0x80, v4, vm0, $0xb8;
	[tilespmem:$0x18400] =	vst v63  }
0x1c8: {  	s24 =	simm.s32 $0x7400  }
0x1c9: {  	[tilespmem:s24], [sflag:$0x2] =	stream.indirect_vreg.gather [hbm4b:s7+s3], $0x80, v4, vm0, $0xb8;
	[tilespmem:$0x18400] =	vst v63  }
0x1ca: {  	s1 =	simm.s32 $0x7C00  }
0x1cb: {  	[tilespmem:s1], [sflag:$0x2] =	stream.indirect_vreg.gather [hbm4b:s2+s3], $0x80, v3, vm0, $0xb8;
	[tilespmem:$0x18400] =	vst v63  }
0x1cc: {  	_ = 	snop  }
0x1cd: {  	[tilespmem:s11], [sflag:$0x2] =	stream.indirect_vreg.gather [hbm4b:s6+s3], $0x80, v3, vm0, $0xb8;
	[tilespmem:$0x18400] =	vst v63  }
0x1ce: {  	s1 =	simm.s32 $0x8C00  }
0x1cf: {  	[tilespmem:s1], [sflag:$0x2] =	stream.indirect_vreg.gather [hbm4b:s7+s3], $0x80, v3, vm0, $0xb8;
	[tilespmem:$0x18400] =	vst v63  }
0x1d0: {  	v3 =	vld [tilespmem:$0x130];
	_ =	sdelay $0x4  }
0x1d1: {  	v19 =	vshrl.u32 v3, $0x3  }
0x1d2: {  	v4 =	vmul.u32 $0x30, v19  }
0x1d3: {  	v3 =	vand.u32 $0x7, v3  }
0x1d4: {  	v3 =	vor.u32 v3, v4  }
0x1d5: {  	v4 =	vperm.xlane v3, v0;
	_ =	sdelay $0x1  }
0x1d6: {  	v4 =	vadd.s32 v1, v4;
	_ =	sdelay $0x3  }
0x1d7: {  	s20 =	simm.s32 $0x9400;
	v3 =	vperm.xlane v3, v2  }
0x1d8: {  	[tilespmem:s20], [sflag:$0x2] =	stream.indirect_vreg.gather [hbm4b:s2+s3], $0x80, v4, vm0, $0xb8;
	[tilespmem:$0x18400] =	vst v63  }
0x1d9: {  	v3 =	vadd.s32 v1, v3  }
0x1da: {  	[tilespmem:s31], [sflag:$0x2] =	stream.indirect_vreg.gather [hbm4b:s6+s3], $0x80, v4, vm0, $0xb8;
	[tilespmem:$0x18400] =	vst v63  }
0x1db: {  	s24 =	simm.s32 $0xA400  }
0x1dc: {  	[tilespmem:s24], [sflag:$0x2] =	stream.indirect_vreg.gather [hbm4b:s7+s3], $0x80, v4, vm0, $0xb8;
	[tilespmem:$0x18400] =	vst v63  }
0x1dd: {  	s31 =	simm.s32 $0xAC00  }
0x1de: {  	[tilespmem:s31], [sflag:$0x2] =	stream.indirect_vreg.gather [hbm4b:s2+s3], $0x80, v3, vm0, $0xb8;
	[tilespmem:$0x18400] =	vst v63  }
0x1df: {  	_ = 	snop  }
0x1e0: {  	[tilespmem:s22], [sflag:$0x2] =	stream.indirect_vreg.gather [hbm4b:s6+s3], $0x80, v3, vm0, $0xb8;
	[tilespmem:$0x18400] =	vst v63  }
0x1e1: {  	_ = 	snop  }
0x1e2: {  	[tilespmem:s23], [sflag:$0x2] =	stream.indirect_vreg.gather [hbm4b:s7+s3], $0x80, v3, vm0, $0xb8;
	[tilespmem:$0x18400] =	vst v63  }
0x1e3: {  	_ =	swait.ge [sflag:s16], $0x6000  }
0x1e4: {  	[sflag:s16] =	ssyncset.done $0x0  }
0x1e5: {  	s22 =	simm.s32 $0xC400;
	s11 =	rddreg [dreg:$0xc];
	[sflag:s16] =	ssyncadd.s32 $0xFFFFA000  }
0x1e6: {  	[hbm4b:s11+s3] =	stream.linear.scatter [tilespmem:s22], [sflag:$0x7], $0x6000, $0x38;
	[tilespmem:$0x18400] =	vst v63  }
0x1e7: {  	_ =	swait.ge [sflag:s17], $0x6000  }
0x1e8: {  	[sflag:s17] =	ssyncset.done $0x0  }
0x1e9: {  	[sflag:s17] =	ssyncadd.s32 $0xFFFFA000  }
0x1ea: {  	v3 =	vld [tilespmem:$0x140];
	_ =	sdelay $0x4  }
0x1eb: {  	v20 =	vshrl.u32 v3, $0x3  }
0x1ec: {  	v4 =	vmul.u32 $0x30, v20  }
0x1ed: {  	v3 =	vand.u32 $0x7, v3  }
0x1ee: {  	v3 =	vor.u32 v3, v4  }
0x1ef: {  	v4 =	vperm.xlane v3, v0;
	_ =	sdelay $0x1  }
0x1f0: {  	v4 =	vadd.s32 v1, v4;
	_ =	sdelay $0x3  }
0x1f1: {  	v3 =	vperm.xlane v3, v2  }
0x1f2: {  	[tilespmem:s22], [sflag:$0x3] =	stream.indirect_vreg.gather [hbm4b:s2+s3], $0x80, v4, vm0, $0xb8;
	[tilespmem:$0x18400] =	vst v63  }
0x1f3: {  	s23 =	simm.s32 $0xCC00;
	v3 =	vadd.s32 v1, v3  }
0x1f4: {  	[tilespmem:s23], [sflag:$0x3] =	stream.indirect_vreg.gather [hbm4b:s6+s3], $0x80, v4, vm0, $0xb8;
	[tilespmem:$0x18400] =	vst v63  }
0x1f5: {  	s23 =	simm.s32 $0xD400  }
0x1f6: {  	[tilespmem:s23], [sflag:$0x3] =	stream.indirect_vreg.gather [hbm4b:s7+s3], $0x80, v4, vm0, $0xb8;
	[tilespmem:$0x18400] =	vst v63  }
0x1f7: {  	s11 =	simm.s32 $0xDC00  }
0x1f8: {  	[tilespmem:s11], [sflag:$0x3] =	stream.indirect_vreg.gather [hbm4b:s2+s3], $0x80, v3, vm0, $0xb8;
	[tilespmem:$0x18400] =	vst v63  }
0x1f9: {  	s22 =	simm.s32 $0xE400  }
0x1fa: {  	[tilespmem:s22], [sflag:$0x3] =	stream.indirect_vreg.gather [hbm4b:s6+s3], $0x80, v3, vm0, $0xb8;
	[tilespmem:$0x18400] =	vst v63  }
0x1fb: {  	s31 =	simm.s32 $0xEC00  }
0x1fc: {  	[tilespmem:s31], [sflag:$0x3] =	stream.indirect_vreg.gather [hbm4b:s7+s3], $0x80, v3, vm0, $0xb8;
	[tilespmem:$0x18400] =	vst v63  }
0x1fd: {  	v3 =	vld [tilespmem:$0x150];
	_ =	sdelay $0x4  }
0x1fe: {  	v21 =	vshrl.u32 v3, $0x3  }
0x1ff: {  	v4 =	vmul.u32 $0x30, v21  }
0x200: {  	v3 =	vand.u32 $0x7, v3  }
0x201: {  	v3 =	vor.u32 v3, v4  }
0x202: {  	v4 =	vperm.xlane v3, v0;
	_ =	sdelay $0x1  }
0x203: {  	v4 =	vadd.s32 v1, v4;
	_ =	sdelay $0x3  }
0x204: {  	s24 =	simm.s32 $0xF400;
	v3 =	vperm.xlane v3, v2  }
0x205: {  	[tilespmem:s24], [sflag:$0x3] =	stream.indirect_vreg.gather [hbm4b:s2+s3], $0x80, v4, vm0, $0xb8;
	[tilespmem:$0x18400] =	vst v63  }
0x206: {  	v3 =	vadd.s32 v1, v3;
	s24 =	simm.s32 $0xFC00  }
0x207: {  	[tilespmem:s24], [sflag:$0x3] =	stream.indirect_vreg.gather [hbm4b:s6+s3], $0x80, v4, vm0, $0xb8;
	[tilespmem:$0x18400] =	vst v63  }
0x208: {  	_ = 	snop  }
0x209: {  	[tilespmem:s28], [sflag:$0x3] =	stream.indirect_vreg.gather [hbm4b:s7+s3], $0x80, v4, vm0, $0xb8;
	[tilespmem:$0x18400] =	vst v63  }
0x20a: {  	_ = 	snop  }
0x20b: {  	[tilespmem:s29], [sflag:$0x3] =	stream.indirect_vreg.gather [hbm4b:s2+s3], $0x80, v3, vm0, $0xb8;
	[tilespmem:$0x18400] =	vst v63  }
0x20c: {  	_ = 	snop  }
0x20d: {  	[tilespmem:s30], [sflag:$0x3] =	stream.indirect_vreg.gather [hbm4b:s6+s3], $0x80, v3, vm0, $0xb8;
	[tilespmem:$0x18400] =	vst v63  }
0x20e: {  	s0 =	simm.s32 $0x11C00  }
0x20f: {  	[tilespmem:s0], [sflag:$0x3] =	stream.indirect_vreg.gather [hbm4b:s7+s3], $0x80, v3, vm0, $0xb8;
	[tilespmem:$0x18400] =	vst v63  }
0x210: {  	_ =	swait.ge [sflag:s18], $0x6000  }
0x211: {  	[sflag:s18] =	ssyncset.done $0x0  }
0x212: {  	s29 =	simm.s32 $0x12400;
	s30 =	rddreg [dreg:$0xd];
	[sflag:s18] =	ssyncadd.s32 $0xFFFFA000  }
0x213: {  	[hbm4b:s30+s3] =	stream.linear.scatter [tilespmem:s29], [sflag:$0x8], $0x6000, $0x38;
	[tilespmem:$0x18400] =	vst v63  }
0x214: {  	_ =	swait.ge [sflag:s19], $0x6000  }
0x215: {  	[sflag:s19] =	ssyncset.done $0x0  }
0x216: {  	[sflag:s19] =	ssyncadd.s32 $0xFFFFA000  }
0x217: {  	v3 =	vld [tilespmem:$0x160];
	_ =	sdelay $0x4  }
0x218: {  	v22 =	vshrl.u32 v3, $0x3  }
0x219: {  	v4 =	vmul.u32 $0x30, v22  }
0x21a: {  	v3 =	vand.u32 $0x7, v3  }
0x21b: {  	v3 =	vor.u32 v3, v4  }
0x21c: {  	v4 =	vperm.xlane v3, v0;
	_ =	sdelay $0x1  }
0x21d: {  	v4 =	vadd.s32 v1, v4;
	_ =	sdelay $0x3  }
0x21e: {  	v3 =	vperm.xlane v3, v2  }
0x21f: {  	[tilespmem:s29], [sflag:$0x4] =	stream.indirect_vreg.gather [hbm4b:s2+s3], $0x80, v4, vm0, $0xb8;
	[tilespmem:$0x18400] =	vst v63  }
0x220: {  	v3 =	vadd.s32 v1, v3  }
0x221: {  	[tilespmem:s21], [sflag:$0x4] =	stream.indirect_vreg.gather [hbm4b:s6+s3], $0x80, v4, vm0, $0xb8;
	[tilespmem:$0x18400] =	vst v63  }
0x222: {  	s30 =	simm.s32 $0x13400  }
0x223: {  	[tilespmem:s30], [sflag:$0x4] =	stream.indirect_vreg.gather [hbm4b:s7+s3], $0x80, v4, vm0, $0xb8;
	[tilespmem:$0x18400] =	vst v63  }
0x224: {  	s29 =	simm.s32 $0x13C00  }
0x225: {  	[tilespmem:s29], [sflag:$0x4] =	stream.indirect_vreg.gather [hbm4b:s2+s3], $0x80, v3, vm0, $0xb8;
	[tilespmem:$0x18400] =	vst v63  }
0x226: {  	_ = 	snop  }
0x227: {  	[tilespmem:s9], [sflag:$0x4] =	stream.indirect_vreg.gather [hbm4b:s6+s3], $0x80, v3, vm0, $0xb8;
	[tilespmem:$0x18400] =	vst v63  }
0x228: {  	s30 =	simm.s32 $0x14C00  }
0x229: {  	[tilespmem:s30], [sflag:$0x4] =	stream.indirect_vreg.gather [hbm4b:s7+s3], $0x80, v3, vm0, $0xb8;
	[tilespmem:$0x18400] =	vst v63  }
0x22a: {  	v3 =	vld [tilespmem:$0x170];
	_ =	sdelay $0x4  }
0x22b: {  	v23 =	vshrl.u32 v3, $0x3  }
0x22c: {  	v4 =	vmul.u32 $0x30, v23  }
0x22d: {  	v3 =	vand.u32 $0x7, v3  }
0x22e: {  	v3 =	vor.u32 v3, v4  }
0x22f: {  	v4 =	vperm.xlane v3, v0;
	_ =	sdelay $0x1  }
0x230: {  	v4 =	vadd.s32 v1, v4;
	_ =	sdelay $0x3  }
0x231: {  	s20 =	simm.s32 $0x15400;
	v3 =	vperm.xlane v3, v2  }
0x232: {  	[tilespmem:s20], [sflag:$0x4] =	stream.indirect_vreg.gather [hbm4b:s2+s3], $0x80, v4, vm0, $0xb8;
	[tilespmem:$0x18400] =	vst v63  }
0x233: {  	s30 =	simm.s32 $0x15C00;
	v3 =	vadd.s32 v1, v3  }
0x234: {  	[tilespmem:s30], [sflag:$0x4] =	stream.indirect_vreg.gather [hbm4b:s6+s3], $0x80, v4, vm0, $0xb8;
	[tilespmem:$0x18400] =	vst v63  }
0x235: {  	_ = 	snop  }
0x236: {  	[tilespmem:s10], [sflag:$0x4] =	stream.indirect_vreg.gather [hbm4b:s7+s3], $0x80, v4, vm0, $0xb8;
	[tilespmem:$0x18400] =	vst v63  }
0x237: {  	_ = 	snop  }
0x238: {  	[tilespmem:s12], [sflag:$0x4] =	stream.indirect_vreg.gather [hbm4b:s2+s3], $0x80, v3, vm0, $0xb8;
	[tilespmem:$0x18400] =	vst v63  }
0x239: {  	_ = 	snop  }
0x23a: {  	[tilespmem:s25], [sflag:$0x4] =	stream.indirect_vreg.gather [hbm4b:s6+s3], $0x80, v3, vm0, $0xb8;
	[tilespmem:$0x18400] =	vst v63  }
0x23b: {  	_ = 	snop  }
0x23c: {  	[tilespmem:s26], [sflag:$0x4] =	stream.indirect_vreg.gather [hbm4b:s7+s3], $0x80, v3, vm0, $0xb8;
	[tilespmem:$0x18400] =	vst v63  }
0x23d: {  	_ =	swait.ge [sflag:s8], $0x6000  }
0x23e: {  	[sflag:s8] =	ssyncset.done $0x0  }
0x23f: {  	s9 =	simm.s32 $0x400;
	s20 =	rddreg [dreg:$0xe];
	[sflag:s8] =	ssyncadd.s32 $0xFFFFA000  }
0x240: {  	[hbm4b:s20+s3] =	stream.linear.scatter [tilespmem:s9], [sflag:$0x5], $0x6000, $0x38;
	[tilespmem:$0x18400] =	vst v63  }
0x241: {  	_ =	swait.ge [sflag:s13], $0x6000  }
0x242: {  	[sflag:s13] =	ssyncset.done $0x0  }
0x243: {  	[sflag:s13] =	ssyncadd.s32 $0xFFFFA000  }
0x244: {  	v3 =	vld [tilespmem:$0x180];
	_ =	sdelay $0x4  }
0x245: {  	v24 =	vshrl.u32 v3, $0x3  }
0x246: {  	v4 =	vmul.u32 $0x30, v24  }
0x247: {  	v3 =	vand.u32 $0x7, v3  }
0x248: {  	v3 =	vor.u32 v3, v4  }
0x249: {  	v4 =	vperm.xlane v3, v0;
	_ =	sdelay $0x1  }
0x24a: {  	v4 =	vadd.s32 v1, v4;
	_ =	sdelay $0x3  }
0x24b: {  	v3 =	vperm.xlane v3, v2  }
0x24c: {  	[tilespmem:s9], [sflag:$0x1] =	stream.indirect_vreg.gather [hbm4b:s2+s3], $0x80, v4, vm0, $0xb8;
	[tilespmem:$0x18400] =	vst v63  }
0x24d: {  	s20 =	simm.s32 $0xC00;
	v3 =	vadd.s32 v1, v3  }
0x24e: {  	[tilespmem:s20], [sflag:$0x1] =	stream.indirect_vreg.gather [hbm4b:s6+s3], $0x80, v4, vm0, $0xb8;
	[tilespmem:$0x18400] =	vst v63  }
0x24f: {  	s20 =	simm.s32 $0x1400  }
0x250: {  	[tilespmem:s20], [sflag:$0x1] =	stream.indirect_vreg.gather [hbm4b:s7+s3], $0x80, v4, vm0, $0xb8;
	[tilespmem:$0x18400] =	vst v63  }
0x251: {  	s20 =	simm.s32 $0x1C00  }
0x252: {  	[tilespmem:s20], [sflag:$0x1] =	stream.indirect_vreg.gather [hbm4b:s2+s3], $0x80, v3, vm0, $0xb8;
	[tilespmem:$0x18400] =	vst v63  }
0x253: {  	s20 =	simm.s32 $0x2400  }
0x254: {  	[tilespmem:s20], [sflag:$0x1] =	stream.indirect_vreg.gather [hbm4b:s6+s3], $0x80, v3, vm0, $0xb8;
	[tilespmem:$0x18400] =	vst v63  }
0x255: {  	_ = 	snop  }
0x256: {  	[tilespmem:s4], [sflag:$0x1] =	stream.indirect_vreg.gather [hbm4b:s7+s3], $0x80, v3, vm0, $0xb8;
	[tilespmem:$0x18400] =	vst v63  }
0x257: {  	v3 =	vld [tilespmem:$0x190];
	_ =	sdelay $0x4  }
0x258: {  	v25 =	vshrl.u32 v3, $0x3  }
0x259: {  	v4 =	vmul.u32 $0x30, v25  }
0x25a: {  	v3 =	vand.u32 $0x7, v3  }
0x25b: {  	v3 =	vor.u32 v3, v4  }
0x25c: {  	v4 =	vperm.xlane v3, v0;
	_ =	sdelay $0x1  }
0x25d: {  	v4 =	vadd.s32 v1, v4;
	_ =	sdelay $0x3  }
0x25e: {  	s20 =	simm.s32 $0x3400;
	v3 =	vperm.xlane v3, v2  }
0x25f: {  	[tilespmem:s20], [sflag:$0x1] =	stream.indirect_vreg.gather [hbm4b:s2+s3], $0x80, v4, vm0, $0xb8;
	[tilespmem:$0x18400] =	vst v63  }
0x260: {  	v3 =	vadd.s32 v1, v3;
	s20 =	simm.s32 $0x3C00  }
0x261: {  	[tilespmem:s20], [sflag:$0x1] =	stream.indirect_vreg.gather [hbm4b:s6+s3], $0x80, v4, vm0, $0xb8;
	[tilespmem:$0x18400] =	vst v63  }
0x262: {  	s20 =	simm.s32 $0x4400  }
0x263: {  	[tilespmem:s20], [sflag:$0x1] =	stream.indirect_vreg.gather [hbm4b:s7+s3], $0x80, v4, vm0, $0xb8;
	[tilespmem:$0x18400] =	vst v63  }
0x264: {  	s20 =	simm.s32 $0x4C00  }
0x265: {  	[tilespmem:s20], [sflag:$0x1] =	stream.indirect_vreg.gather [hbm4b:s2+s3], $0x80, v3, vm0, $0xb8;
	[tilespmem:$0x18400] =	vst v63  }
0x266: {  	s20 =	simm.s32 $0x5400  }
0x267: {  	[tilespmem:s20], [sflag:$0x1] =	stream.indirect_vreg.gather [hbm4b:s6+s3], $0x80, v3, vm0, $0xb8;
	[tilespmem:$0x18400] =	vst v63  }
0x268: {  	_ = 	snop  }
0x269: {  	[tilespmem:s5], [sflag:$0x1] =	stream.indirect_vreg.gather [hbm4b:s7+s3], $0x80, v3, vm0, $0xb8;
	[tilespmem:$0x18400] =	vst v63  }
0x26a: {  	_ =	swait.ge [sflag:s14], $0x6000  }
0x26b: {  	[sflag:s14] =	ssyncset.done $0x0  }
0x26c: {  	s5 =	simm.s32 $0x6400;
	s4 =	rddreg [dreg:$0xf];
	[sflag:s14] =	ssyncadd.s32 $0xFFFFA000  }
0x26d: {  	[hbm4b:s4+s3] =	stream.linear.scatter [tilespmem:s5], [sflag:$0x6], $0x6000, $0x38;
	[tilespmem:$0x18400] =	vst v63  }
0x26e: {  	_ =	swait.ge [sflag:s15], $0x6000  }
0x26f: {  	[sflag:s15] =	ssyncset.done $0x0  }
0x270: {  	[sflag:s15] =	ssyncadd.s32 $0xFFFFA000  }
0x271: {  	v3 =	vld [tilespmem:$0x1A0];
	_ =	sdelay $0x4  }
0x272: {  	v26 =	vshrl.u32 v3, $0x3  }
0x273: {  	v4 =	vmul.u32 $0x30, v26  }
0x274: {  	v3 =	vand.u32 $0x7, v3  }
0x275: {  	v3 =	vor.u32 v3, v4  }
0x276: {  	v4 =	vperm.xlane v3, v0;
	_ =	sdelay $0x1  }
0x277: {  	v4 =	vadd.s32 v1, v4;
	_ =	sdelay $0x3  }
0x278: {  	v3 =	vperm.xlane v3, v2  }
0x279: {  	[tilespmem:s5], [sflag:$0x2] =	stream.indirect_vreg.gather [hbm4b:s2+s3], $0x80, v4, vm0, $0xb8;
	[tilespmem:$0x18400] =	vst v63  }
0x27a: {  	s20 =	simm.s32 $0x6C00;
	v3 =	vadd.s32 v1, v3  }
0x27b: {  	[tilespmem:s20], [sflag:$0x2] =	stream.indirect_vreg.gather [hbm4b:s6+s3], $0x80, v4, vm0, $0xb8;
	[tilespmem:$0x18400] =	vst v63  }
0x27c: {  	s20 =	simm.s32 $0x7400  }
0x27d: {  	[tilespmem:s20], [sflag:$0x2] =	stream.indirect_vreg.gather [hbm4b:s7+s3], $0x80, v4, vm0, $0xb8;
	[tilespmem:$0x18400] =	vst v63  }
0x27e: {  	s20 =	simm.s32 $0x7C00  }
0x27f: {  	[tilespmem:s20], [sflag:$0x2] =	stream.indirect_vreg.gather [hbm4b:s2+s3], $0x80, v3, vm0, $0xb8;
	[tilespmem:$0x18400] =	vst v63  }
0x280: {  	s20 =	simm.s32 $0x8400  }
0x281: {  	[tilespmem:s20], [sflag:$0x2] =	stream.indirect_vreg.gather [hbm4b:s6+s3], $0x80, v3, vm0, $0xb8;
	[tilespmem:$0x18400] =	vst v63  }
0x282: {  	_ = 	snop  }
0x283: {  	[tilespmem:s1], [sflag:$0x2] =	stream.indirect_vreg.gather [hbm4b:s7+s3], $0x80, v3, vm0, $0xb8;
	[tilespmem:$0x18400] =	vst v63  }
0x284: {  	v3 =	vld [tilespmem:$0x1B0];
	_ =	sdelay $0x4  }
0x285: {  	v27 =	vshrl.u32 v3, $0x3  }
0x286: {  	v4 =	vmul.u32 $0x30, v27  }
0x287: {  	v3 =	vand.u32 $0x7, v3  }
0x288: {  	v3 =	vor.u32 v3, v4  }
0x289: {  	v4 =	vperm.xlane v3, v0;
	_ =	sdelay $0x1  }
0x28a: {  	v4 =	vadd.s32 v1, v4;
	_ =	sdelay $0x3  }
0x28b: {  	s5 =	simm.s32 $0x9400;
	v3 =	vperm.xlane v3, v2  }
0x28c: {  	[tilespmem:s5], [sflag:$0x2] =	stream.indirect_vreg.gather [hbm4b:s2+s3], $0x80, v4, vm0, $0xb8;
	[tilespmem:$0x18400] =	vst v63  }
0x28d: {  	s20 =	simm.s32 $0x9C00;
	v3 =	vadd.s32 v1, v3  }
0x28e: {  	[tilespmem:s20], [sflag:$0x2] =	stream.indirect_vreg.gather [hbm4b:s6+s3], $0x80, v4, vm0, $0xb8;
	[tilespmem:$0x18400] =	vst v63  }
0x28f: {  	s5 =	simm.s32 $0xA400  }
0x290: {  	[tilespmem:s5], [sflag:$0x2] =	stream.indirect_vreg.gather [hbm4b:s7+s3], $0x80, v4, vm0, $0xb8;
	[tilespmem:$0x18400] =	vst v63  }
0x291: {  	s20 =	simm.s32 $0xAC00  }
0x292: {  	[tilespmem:s20], [sflag:$0x2] =	stream.indirect_vreg.gather [hbm4b:s2+s3], $0x80, v3, vm0, $0xb8;
	[tilespmem:$0x18400] =	vst v63  }
0x293: {  	s5 =	simm.s32 $0xB400  }
0x294: {  	[tilespmem:s5], [sflag:$0x2] =	stream.indirect_vreg.gather [hbm4b:s6+s3], $0x80, v3, vm0, $0xb8;
	[tilespmem:$0x18400] =	vst v63  }
0x295: {  	s20 =	simm.s32 $0xBC00  }
0x296: {  	[tilespmem:s20], [sflag:$0x2] =	stream.indirect_vreg.gather [hbm4b:s7+s3], $0x80, v3, vm0, $0xb8;
	[tilespmem:$0x18400] =	vst v63  }
0x297: {  	_ =	swait.ge [sflag:s16], $0x6000  }
0x298: {  	[sflag:s16] =	ssyncset.done $0x0  }
0x299: {  	s5 =	simm.s32 $0xC400;
	s1 =	rddreg [dreg:$0x10];
	[sflag:s16] =	ssyncadd.s32 $0xFFFFA000  }
0x29a: {  	[hbm4b:s1+s3] =	stream.linear.scatter [tilespmem:s5], [sflag:$0x7], $0x6000, $0x38;
	[tilespmem:$0x18400] =	vst v63  }
0x29b: {  	_ =	swait.ge [sflag:s17], $0x6000  }
0x29c: {  	[sflag:s17] =	ssyncset.done $0x0  }
0x29d: {  	[sflag:s17] =	ssyncadd.s32 $0xFFFFA000  }
0x29e: {  	v3 =	vld [tilespmem:$0x1C0];
	_ =	sdelay $0x4  }
0x29f: {  	v28 =	vshrl.u32 v3, $0x3  }
0x2a0: {  	v4 =	vmul.u32 $0x30, v28  }
0x2a1: {  	v3 =	vand.u32 $0x7, v3  }
0x2a2: {  	v3 =	vor.u32 v3, v4  }
0x2a3: {  	v4 =	vperm.xlane v3, v0;
	_ =	sdelay $0x1  }
0x2a4: {  	v4 =	vadd.s32 v1, v4;
	_ =	sdelay $0x3  }
0x2a5: {  	v3 =	vperm.xlane v3, v2  }
0x2a6: {  	[tilespmem:s5], [sflag:$0x3] =	stream.indirect_vreg.gather [hbm4b:s2+s3], $0x80, v4, vm0, $0xb8;
	[tilespmem:$0x18400] =	vst v63  }
0x2a7: {  	s20 =	simm.s32 $0xCC00;
	v3 =	vadd.s32 v1, v3  }
0x2a8: {  	[tilespmem:s20], [sflag:$0x3] =	stream.indirect_vreg.gather [hbm4b:s6+s3], $0x80, v4, vm0, $0xb8;
	[tilespmem:$0x18400] =	vst v63  }
0x2a9: {  	_ = 	snop  }
0x2aa: {  	[tilespmem:s23], [sflag:$0x3] =	stream.indirect_vreg.gather [hbm4b:s7+s3], $0x80, v4, vm0, $0xb8;
	[tilespmem:$0x18400] =	vst v63  }
0x2ab: {  	_ = 	snop  }
0x2ac: {  	[tilespmem:s11], [sflag:$0x3] =	stream.indirect_vreg.gather [hbm4b:s2+s3], $0x80, v3, vm0, $0xb8;
	[tilespmem:$0x18400] =	vst v63  }
0x2ad: {  	_ = 	snop  }
0x2ae: {  	[tilespmem:s22], [sflag:$0x3] =	stream.indirect_vreg.gather [hbm4b:s6+s3], $0x80, v3, vm0, $0xb8;
	[tilespmem:$0x18400] =	vst v63  }
0x2af: {  	_ = 	snop  }
0x2b0: {  	[tilespmem:s31], [sflag:$0x3] =	stream.indirect_vreg.gather [hbm4b:s7+s3], $0x80, v3, vm0, $0xb8;
	[tilespmem:$0x18400] =	vst v63  }
0x2b1: {  	v3 =	vld [tilespmem:$0x1D0];
	_ =	sdelay $0x4  }
0x2b2: {  	v29 =	vshrl.u32 v3, $0x3  }
0x2b3: {  	v4 =	vmul.u32 $0x30, v29  }
0x2b4: {  	v3 =	vand.u32 $0x7, v3  }
0x2b5: {  	v3 =	vor.u32 v3, v4  }
0x2b6: {  	v4 =	vperm.xlane v3, v0;
	_ =	sdelay $0x1  }
0x2b7: {  	v4 =	vadd.s32 v1, v4;
	_ =	sdelay $0x3  }
0x2b8: {  	s22 =	simm.s32 $0xF400;
	v3 =	vperm.xlane v3, v2  }
0x2b9: {  	[tilespmem:s22], [sflag:$0x3] =	stream.indirect_vreg.gather [hbm4b:s2+s3], $0x80, v4, vm0, $0xb8;
	[tilespmem:$0x18400] =	vst v63  }
0x2ba: {  	v3 =	vadd.s32 v1, v3  }
0x2bb: {  	[tilespmem:s24], [sflag:$0x3] =	stream.indirect_vreg.gather [hbm4b:s6+s3], $0x80, v4, vm0, $0xb8;
	[tilespmem:$0x18400] =	vst v63  }
0x2bc: {  	s31 =	simm.s32 $0x10400  }
0x2bd: {  	[tilespmem:s31], [sflag:$0x3] =	stream.indirect_vreg.gather [hbm4b:s7+s3], $0x80, v4, vm0, $0xb8;
	[tilespmem:$0x18400] =	vst v63  }
0x2be: {  	s31 =	simm.s32 $0x10C00  }
0x2bf: {  	[tilespmem:s31], [sflag:$0x3] =	stream.indirect_vreg.gather [hbm4b:s2+s3], $0x80, v3, vm0, $0xb8;
	[tilespmem:$0x18400] =	vst v63  }
0x2c0: {  	s31 =	simm.s32 $0x11400  }
0x2c1: {  	[tilespmem:s31], [sflag:$0x3] =	stream.indirect_vreg.gather [hbm4b:s6+s3], $0x80, v3, vm0, $0xb8;
	[tilespmem:$0x18400] =	vst v63  }
0x2c2: {  	_ = 	snop  }
0x2c3: {  	[tilespmem:s0], [sflag:$0x3] =	stream.indirect_vreg.gather [hbm4b:s7+s3], $0x80, v3, vm0, $0xb8;
	[tilespmem:$0x18400] =	vst v63  }
0x2c4: {  	_ =	swait.ge [sflag:s18], $0x6000  }
0x2c5: {  	[sflag:s18] =	ssyncset.done $0x0  }
0x2c6: {  	s28 =	simm.s32 $0x12400;
	s31 =	rddreg [dreg:$0x11];
	[sflag:s18] =	ssyncadd.s32 $0xFFFFA000  }
0x2c7: {  	[hbm4b:s31+s3] =	stream.linear.scatter [tilespmem:s28], [sflag:$0x8], $0x6000, $0x38;
	[tilespmem:$0x18400] =	vst v63  }
0x2c8: {  	_ =	swait.ge [sflag:s19], $0x6000  }
0x2c9: {  	[sflag:s19] =	ssyncset.done $0x0  }
0x2ca: {  	[sflag:s19] =	ssyncadd.s32 $0xFFFFA000  }
0x2cb: {  	v3 =	vld [tilespmem:$0x1E0];
	_ =	sdelay $0x4  }
0x2cc: {  	v30 =	vshrl.u32 v3, $0x3  }
0x2cd: {  	v4 =	vmul.u32 $0x30, v30  }
0x2ce: {  	v3 =	vand.u32 $0x7, v3  }
0x2cf: {  	v3 =	vor.u32 v3, v4  }
0x2d0: {  	v4 =	vperm.xlane v3, v0;
	_ =	sdelay $0x1  }
0x2d1: {  	v4 =	vadd.s32 v1, v4;
	_ =	sdelay $0x3  }
0x2d2: {  	v3 =	vperm.xlane v3, v2  }
0x2d3: {  	[tilespmem:s28], [sflag:$0x4] =	stream.indirect_vreg.gather [hbm4b:s2+s3], $0x80, v4, vm0, $0xb8;
	[tilespmem:$0x18400] =	vst v63  }
0x2d4: {  	s21 =	simm.s32 $0x12C00;
	v3 =	vadd.s32 v1, v3  }
0x2d5: {  	[tilespmem:s21], [sflag:$0x4] =	stream.indirect_vreg.gather [hbm4b:s6+s3], $0x80, v4, vm0, $0xb8;
	[tilespmem:$0x18400] =	vst v63  }
0x2d6: {  	s31 =	simm.s32 $0x13400  }
0x2d7: {  	[tilespmem:s31], [sflag:$0x4] =	stream.indirect_vreg.gather [hbm4b:s7+s3], $0x80, v4, vm0, $0xb8;
	[tilespmem:$0x18400] =	vst v63  }
0x2d8: {  	s29 =	simm.s32 $0x13C00  }
0x2d9: {  	[tilespmem:s29], [sflag:$0x4] =	stream.indirect_vreg.gather [hbm4b:s2+s3], $0x80, v3, vm0, $0xb8;
	[tilespmem:$0x18400] =	vst v63  }
0x2da: {  	s20 =	simm.s32 $0x14400  }
0x2db: {  	[tilespmem:s20], [sflag:$0x4] =	stream.indirect_vreg.gather [hbm4b:s6+s3], $0x80, v3, vm0, $0xb8;
	[tilespmem:$0x18400] =	vst v63  }
0x2dc: {  	s20 =	simm.s32 $0x14C00  }
0x2dd: {  	[tilespmem:s20], [sflag:$0x4] =	stream.indirect_vreg.gather [hbm4b:s7+s3], $0x80, v3, vm0, $0xb8;
	[tilespmem:$0x18400] =	vst v63  }
0x2de: {  	v3 =	vld [tilespmem:$0x1F0];
	_ =	sdelay $0x4  }
0x2df: {  	v31 =	vshrl.u32 v3, $0x3  }
0x2e0: {  	v4 =	vmul.u32 $0x30, v31  }
0x2e1: {  	v3 =	vand.u32 $0x7, v3  }
0x2e2: {  	v3 =	vor.u32 v3, v4  }
0x2e3: {  	v4 =	vperm.xlane v3, v0;
	_ =	sdelay $0x1  }
0x2e4: {  	v4 =	vadd.s32 v1, v4;
	_ =	sdelay $0x3  }
0x2e5: {  	s20 =	simm.s32 $0x15400;
	v3 =	vperm.xlane v3, v2  }
0x2e6: {  	[tilespmem:s20], [sflag:$0x4] =	stream.indirect_vreg.gather [hbm4b:s2+s3], $0x80, v4, vm0, $0xb8;
	[tilespmem:$0x18400] =	vst v63  }
0x2e7: {  	s30 =	simm.s32 $0x15C00;
	v3 =	vadd.s32 v1, v3  }
0x2e8: {  	[tilespmem:s30], [sflag:$0x4] =	stream.indirect_vreg.gather [hbm4b:s6+s3], $0x80, v4, vm0, $0xb8;
	[tilespmem:$0x18400] =	vst v63  }
0x2e9: {  	s10 =	simm.s32 $0x16400  }
0x2ea: {  	[tilespmem:s10], [sflag:$0x4] =	stream.indirect_vreg.gather [hbm4b:s7+s3], $0x80, v4, vm0, $0xb8;
	[tilespmem:$0x18400] =	vst v63  }
0x2eb: {  	s12 =	simm.s32 $0x16C00  }
0x2ec: {  	[tilespmem:s12], [sflag:$0x4] =	stream.indirect_vreg.gather [hbm4b:s2+s3], $0x80, v3, vm0, $0xb8;
	[tilespmem:$0x18400] =	vst v63  }
0x2ed: {  	s25 =	simm.s32 $0x17400  }
0x2ee: {  	[tilespmem:s25], [sflag:$0x4] =	stream.indirect_vreg.gather [hbm4b:s6+s3], $0x80, v3, vm0, $0xb8;
	[tilespmem:$0x18400] =	vst v63  }
0x2ef: {  	s26 =	simm.s32 $0x17C00  }
0x2f0: {  	[tilespmem:s26], [sflag:$0x4] =	stream.indirect_vreg.gather [hbm4b:s7+s3], $0x80, v3, vm0, $0xb8;
	[tilespmem:$0x18400] =	vst v63  }
0x2f1: {  	_ =	swait.ge [sflag:s8], $0x6000  }
0x2f2: {  	[sflag:s8] =	ssyncset.done $0x0  }
0x2f3: {  	s9 =	simm.s32 $0x400;
	s20 =	rddreg [dreg:$0x12];
	[sflag:s8] =	ssyncadd.s32 $0xFFFFA000  }
0x2f4: {  	[hbm4b:s20+s3] =	stream.linear.scatter [tilespmem:s9], [sflag:$0x5], $0x6000, $0x38;
	[tilespmem:$0x18400] =	vst v63  }
0x2f5: {  	_ =	swait.ge [sflag:s13], $0x6000  }
0x2f6: {  	[sflag:s13] =	ssyncset.done $0x0  }
0x2f7: {  	[sflag:s13] =	ssyncadd.s32 $0xFFFFA000  }
0x2f8: {  	v3 =	vld [tilespmem:$0x200];
	_ =	sdelay $0x4  }
0x2f9: {  	v32 =	vshrl.u32 v3, $0x3  }
0x2fa: {  	v4 =	vmul.u32 $0x30, v32  }
0x2fb: {  	v3 =	vand.u32 $0x7, v3  }
0x2fc: {  	v3 =	vor.u32 v3, v4  }
0x2fd: {  	v4 =	vperm.xlane v3, v0;
	_ =	sdelay $0x1  }
0x2fe: {  	v4 =	vadd.s32 v1, v4;
	_ =	sdelay $0x3  }
0x2ff: {  	v3 =	vperm.xlane v3, v2  }
0x300: {  	[tilespmem:s9], [sflag:$0x1] =	stream.indirect_vreg.gather [hbm4b:s2+s3], $0x80, v4, vm0, $0xb8;
	[tilespmem:$0x18400] =	vst v63  }
0x301: {  	s20 =	simm.s32 $0xC00;
	v3 =	vadd.s32 v1, v3  }
0x302: {  	[tilespmem:s20], [sflag:$0x1] =	stream.indirect_vreg.gather [hbm4b:s6+s3], $0x80, v4, vm0, $0xb8;
	[tilespmem:$0x18400] =	vst v63  }
0x303: {  	s20 =	simm.s32 $0x1400  }
0x304: {  	[tilespmem:s20], [sflag:$0x1] =	stream.indirect_vreg.gather [hbm4b:s7+s3], $0x80, v4, vm0, $0xb8;
	[tilespmem:$0x18400] =	vst v63  }
0x305: {  	s20 =	simm.s32 $0x1C00  }
0x306: {  	[tilespmem:s20], [sflag:$0x1] =	stream.indirect_vreg.gather [hbm4b:s2+s3], $0x80, v3, vm0, $0xb8;
	[tilespmem:$0x18400] =	vst v63  }
0x307: {  	s20 =	simm.s32 $0x2400  }
0x308: {  	[tilespmem:s20], [sflag:$0x1] =	stream.indirect_vreg.gather [hbm4b:s6+s3], $0x80, v3, vm0, $0xb8;
	[tilespmem:$0x18400] =	vst v63  }
0x309: {  	s20 =	simm.s32 $0x2C00  }
0x30a: {  	[tilespmem:s20], [sflag:$0x1] =	stream.indirect_vreg.gather [hbm4b:s7+s3], $0x80, v3, vm0, $0xb8;
	[tilespmem:$0x18400] =	vst v63  }
0x30b: {  	v3 =	vld [tilespmem:$0x210];
	_ =	sdelay $0x4  }
0x30c: {  	v33 =	vshrl.u32 v3, $0x3  }
0x30d: {  	v4 =	vmul.u32 $0x30, v33  }
0x30e: {  	v3 =	vand.u32 $0x7, v3  }
0x30f: {  	v3 =	vor.u32 v3, v4  }
0x310: {  	v4 =	vperm.xlane v3, v0;
	_ =	sdelay $0x1  }
0x311: {  	v4 =	vadd.s32 v1, v4;
	_ =	sdelay $0x3  }
0x312: {  	s20 =	simm.s32 $0x3400;
	v3 =	vperm.xlane v3, v2  }
0x313: {  	[tilespmem:s20], [sflag:$0x1] =	stream.indirect_vreg.gather [hbm4b:s2+s3], $0x80, v4, vm0, $0xb8;
	[tilespmem:$0x18400] =	vst v63  }
0x314: {  	v3 =	vadd.s32 v1, v3;
	s20 =	simm.s32 $0x3C00  }
0x315: {  	[tilespmem:s20], [sflag:$0x1] =	stream.indirect_vreg.gather [hbm4b:s6+s3], $0x80, v4, vm0, $0xb8;
	[tilespmem:$0x18400] =	vst v63  }
0x316: {  	s20 =	simm.s32 $0x4400  }
0x317: {  	[tilespmem:s20], [sflag:$0x1] =	stream.indirect_vreg.gather [hbm4b:s7+s3], $0x80, v4, vm0, $0xb8;
	[tilespmem:$0x18400] =	vst v63  }
0x318: {  	s20 =	simm.s32 $0x4C00  }
0x319: {  	[tilespmem:s20], [sflag:$0x1] =	stream.indirect_vreg.gather [hbm4b:s2+s3], $0x80, v3, vm0, $0xb8;
	[tilespmem:$0x18400] =	vst v63  }
0x31a: {  	s20 =	simm.s32 $0x5400  }
0x31b: {  	[tilespmem:s20], [sflag:$0x1] =	stream.indirect_vreg.gather [hbm4b:s6+s3], $0x80, v3, vm0, $0xb8;
	[tilespmem:$0x18400] =	vst v63  }
0x31c: {  	s20 =	simm.s32 $0x5C00  }
0x31d: {  	[tilespmem:s20], [sflag:$0x1] =	stream.indirect_vreg.gather [hbm4b:s7+s3], $0x80, v3, vm0, $0xb8;
	[tilespmem:$0x18400] =	vst v63  }
0x31e: {  	_ =	swait.ge [sflag:s14], $0x6000  }
0x31f: {  	[sflag:s14] =	ssyncset.done $0x0  }
0x320: {  	s4 =	simm.s32 $0x6400;
	s20 =	rddreg [dreg:$0x13];
	[sflag:s14] =	ssyncadd.s32 $0xFFFFA000  }
0x321: {  	[hbm4b:s20+s3] =	stream.linear.scatter [tilespmem:s4], [sflag:$0x6], $0x6000, $0x38;
	[tilespmem:$0x18400] =	vst v63  }
0x322: {  	_ =	swait.ge [sflag:s15], $0x6000  }
0x323: {  	[sflag:s15] =	ssyncset.done $0x0  }
0x324: {  	[sflag:s15] =	ssyncadd.s32 $0xFFFFA000  }
0x325: {  	v3 =	vld [tilespmem:$0x220];
	_ =	sdelay $0x4  }
0x326: {  	v34 =	vshrl.u32 v3, $0x3  }
0x327: {  	v4 =	vmul.u32 $0x30, v34  }
0x328: {  	v3 =	vand.u32 $0x7, v3  }
0x329: {  	v3 =	vor.u32 v3, v4  }
0x32a: {  	v4 =	vperm.xlane v3, v0;
	_ =	sdelay $0x1  }
0x32b: {  	v4 =	vadd.s32 v1, v4;
	_ =	sdelay $0x3  }
0x32c: {  	v3 =	vperm.xlane v3, v2  }
0x32d: {  	[tilespmem:s4], [sflag:$0x2] =	stream.indirect_vreg.gather [hbm4b:s2+s3], $0x80, v4, vm0, $0xb8;
	[tilespmem:$0x18400] =	vst v63  }
0x32e: {  	s20 =	simm.s32 $0x6C00;
	v3 =	vadd.s32 v1, v3  }
0x32f: {  	[tilespmem:s20], [sflag:$0x2] =	stream.indirect_vreg.gather [hbm4b:s6+s3], $0x80, v4, vm0, $0xb8;
	[tilespmem:$0x18400] =	vst v63  }
0x330: {  	s20 =	simm.s32 $0x7400  }
0x331: {  	[tilespmem:s20], [sflag:$0x2] =	stream.indirect_vreg.gather [hbm4b:s7+s3], $0x80, v4, vm0, $0xb8;
	[tilespmem:$0x18400] =	vst v63  }
0x332: {  	s20 =	simm.s32 $0x7C00  }
0x333: {  	[tilespmem:s20], [sflag:$0x2] =	stream.indirect_vreg.gather [hbm4b:s2+s3], $0x80, v3, vm0, $0xb8;
	[tilespmem:$0x18400] =	vst v63  }
0x334: {  	s20 =	simm.s32 $0x8400  }
0x335: {  	[tilespmem:s20], [sflag:$0x2] =	stream.indirect_vreg.gather [hbm4b:s6+s3], $0x80, v3, vm0, $0xb8;
	[tilespmem:$0x18400] =	vst v63  }
0x336: {  	s20 =	simm.s32 $0x8C00  }
0x337: {  	[tilespmem:s20], [sflag:$0x2] =	stream.indirect_vreg.gather [hbm4b:s7+s3], $0x80, v3, vm0, $0xb8;
	[tilespmem:$0x18400] =	vst v63  }
0x338: {  	v3 =	vld [tilespmem:$0x230];
	_ =	sdelay $0x4  }
0x339: {  	v35 =	vshrl.u32 v3, $0x3  }
0x33a: {  	v4 =	vmul.u32 $0x30, v35  }
0x33b: {  	v3 =	vand.u32 $0x7, v3  }
0x33c: {  	v3 =	vor.u32 v3, v4  }
0x33d: {  	v4 =	vperm.xlane v3, v0;
	_ =	sdelay $0x1  }
0x33e: {  	v4 =	vadd.s32 v1, v4;
	_ =	sdelay $0x3  }
0x33f: {  	s20 =	simm.s32 $0x9400;
	v3 =	vperm.xlane v3, v2  }
0x340: {  	[tilespmem:s20], [sflag:$0x2] =	stream.indirect_vreg.gather [hbm4b:s2+s3], $0x80, v4, vm0, $0xb8;
	[tilespmem:$0x18400] =	vst v63  }
0x341: {  	v3 =	vadd.s32 v1, v3;
	s20 =	simm.s32 $0x9C00  }
0x342: {  	[tilespmem:s20], [sflag:$0x2] =	stream.indirect_vreg.gather [hbm4b:s6+s3], $0x80, v4, vm0, $0xb8;
	[tilespmem:$0x18400] =	vst v63  }
0x343: {  	s20 =	simm.s32 $0xA400  }
0x344: {  	[tilespmem:s20], [sflag:$0x2] =	stream.indirect_vreg.gather [hbm4b:s7+s3], $0x80, v4, vm0, $0xb8;
	[tilespmem:$0x18400] =	vst v63  }
0x345: {  	s20 =	simm.s32 $0xAC00  }
0x346: {  	[tilespmem:s20], [sflag:$0x2] =	stream.indirect_vreg.gather [hbm4b:s2+s3], $0x80, v3, vm0, $0xb8;
	[tilespmem:$0x18400] =	vst v63  }
0x347: {  	s20 =	simm.s32 $0xB400  }
0x348: {  	[tilespmem:s20], [sflag:$0x2] =	stream.indirect_vreg.gather [hbm4b:s6+s3], $0x80, v3, vm0, $0xb8;
	[tilespmem:$0x18400] =	vst v63  }
0x349: {  	s20 =	simm.s32 $0xBC00  }
0x34a: {  	[tilespmem:s20], [sflag:$0x2] =	stream.indirect_vreg.gather [hbm4b:s7+s3], $0x80, v3, vm0, $0xb8;
	[tilespmem:$0x18400] =	vst v63  }
0x34b: {  	_ =	swait.ge [sflag:s16], $0x6000  }
0x34c: {  	[sflag:s16] =	ssyncset.done $0x0  }
0x34d: {  	s1 =	simm.s32 $0xC400;
	s20 =	rddreg [dreg:$0x14];
	[sflag:s16] =	ssyncadd.s32 $0xFFFFA000  }
0x34e: {  	[hbm4b:s20+s3] =	stream.linear.scatter [tilespmem:s1], [sflag:$0x7], $0x6000, $0x38;
	[tilespmem:$0x18400] =	vst v63  }
0x34f: {  	_ =	swait.ge [sflag:s17], $0x6000  }
0x350: {  	[sflag:s17] =	ssyncset.done $0x0  }
0x351: {  	[sflag:s17] =	ssyncadd.s32 $0xFFFFA000  }
0x352: {  	v3 =	vld [tilespmem:$0x240];
	_ =	sdelay $0x4  }
0x353: {  	v36 =	vshrl.u32 v3, $0x3  }
0x354: {  	v4 =	vmul.u32 $0x30, v36  }
0x355: {  	v3 =	vand.u32 $0x7, v3  }
0x356: {  	v3 =	vor.u32 v3, v4  }
0x357: {  	v4 =	vperm.xlane v3, v0;
	_ =	sdelay $0x1  }
0x358: {  	v4 =	vadd.s32 v1, v4;
	_ =	sdelay $0x3  }
0x359: {  	v3 =	vperm.xlane v3, v2  }
0x35a: {  	[tilespmem:s1], [sflag:$0x3] =	stream.indirect_vreg.gather [hbm4b:s2+s3], $0x80, v4, vm0, $0xb8;
	[tilespmem:$0x18400] =	vst v63  }
0x35b: {  	s20 =	simm.s32 $0xCC00;
	v3 =	vadd.s32 v1, v3  }
0x35c: {  	[tilespmem:s20], [sflag:$0x3] =	stream.indirect_vreg.gather [hbm4b:s6+s3], $0x80, v4, vm0, $0xb8;
	[tilespmem:$0x18400] =	vst v63  }
0x35d: {  	s23 =	simm.s32 $0xD400  }
0x35e: {  	[tilespmem:s23], [sflag:$0x3] =	stream.indirect_vreg.gather [hbm4b:s7+s3], $0x80, v4, vm0, $0xb8;
	[tilespmem:$0x18400] =	vst v63  }
0x35f: {  	s5 =	simm.s32 $0xDC00  }
0x360: {  	[tilespmem:s5], [sflag:$0x3] =	stream.indirect_vreg.gather [hbm4b:s2+s3], $0x80, v3, vm0, $0xb8;
	[tilespmem:$0x18400] =	vst v63  }
0x361: {  	s11 =	simm.s32 $0xE400  }
0x362: {  	[tilespmem:s11], [sflag:$0x3] =	stream.indirect_vreg.gather [hbm4b:s6+s3], $0x80, v3, vm0, $0xb8;
	[tilespmem:$0x18400] =	vst v63  }
0x363: {  	s20 =	simm.s32 $0xEC00  }
0x364: {  	[tilespmem:s20], [sflag:$0x3] =	stream.indirect_vreg.gather [hbm4b:s7+s3], $0x80, v3, vm0, $0xb8;
	[tilespmem:$0x18400] =	vst v63  }
0x365: {  	v3 =	vld [tilespmem:$0x250];
	_ =	sdelay $0x4  }
0x366: {  	v37 =	vshrl.u32 v3, $0x3  }
0x367: {  	v4 =	vmul.u32 $0x30, v37  }
0x368: {  	v3 =	vand.u32 $0x7, v3  }
0x369: {  	v3 =	vor.u32 v3, v4  }
0x36a: {  	v4 =	vperm.xlane v3, v0;
	_ =	sdelay $0x1  }
0x36b: {  	v4 =	vadd.s32 v1, v4;
	_ =	sdelay $0x3  }
0x36c: {  	s22 =	simm.s32 $0xF400;
	v3 =	vperm.xlane v3, v2  }
0x36d: {  	[tilespmem:s22], [sflag:$0x3] =	stream.indirect_vreg.gather [hbm4b:s2+s3], $0x80, v4, vm0, $0xb8;
	[tilespmem:$0x18400] =	vst v63  }
0x36e: {  	s24 =	simm.s32 $0xFC00;
	v3 =	vadd.s32 v1, v3  }
0x36f: {  	[tilespmem:s24], [sflag:$0x3] =	stream.indirect_vreg.gather [hbm4b:s6+s3], $0x80, v4, vm0, $0xb8;
	[tilespmem:$0x18400] =	vst v63  }
0x370: {  	s24 =	simm.s32 $0x10400  }
0x371: {  	[tilespmem:s24], [sflag:$0x3] =	stream.indirect_vreg.gather [hbm4b:s7+s3], $0x80, v4, vm0, $0xb8;
	[tilespmem:$0x18400] =	vst v63  }
0x372: {  	s24 =	simm.s32 $0x10C00  }
0x373: {  	[tilespmem:s24], [sflag:$0x3] =	stream.indirect_vreg.gather [hbm4b:s2+s3], $0x80, v3, vm0, $0xb8;
	[tilespmem:$0x18400] =	vst v63  }
0x374: {  	s24 =	simm.s32 $0x11400  }
0x375: {  	[tilespmem:s24], [sflag:$0x3] =	stream.indirect_vreg.gather [hbm4b:s6+s3], $0x80, v3, vm0, $0xb8;
	[tilespmem:$0x18400] =	vst v63  }
0x376: {  	s0 =	simm.s32 $0x11C00  }
0x377: {  	[tilespmem:s0], [sflag:$0x3] =	stream.indirect_vreg.gather [hbm4b:s7+s3], $0x80, v3, vm0, $0xb8;
	[tilespmem:$0x18400] =	vst v63  }
0x378: {  	_ =	swait.ge [sflag:s18], $0x6000  }
0x379: {  	[sflag:s18] =	ssyncset.done $0x0  }
0x37a: {  	s24 =	rddreg [dreg:$0x15];
	[sflag:s18] =	ssyncadd.s32 $0xFFFFA000  }
0x37b: {  	[hbm4b:s24+s3] =	stream.linear.scatter [tilespmem:s28], [sflag:$0x8], $0x6000, $0x38;
	[tilespmem:$0x18400] =	vst v63  }
0x37c: {  	_ =	swait.ge [sflag:s19], $0x6000  }
0x37d: {  	[sflag:s19] =	ssyncset.done $0x0  }
0x37e: {  	[sflag:s19] =	ssyncadd.s32 $0xFFFFA000  }
0x37f: {  	v3 =	vld [tilespmem:$0x260];
	_ =	sdelay $0x4  }
0x380: {  	v38 =	vshrl.u32 v3, $0x3  }
0x381: {  	v4 =	vmul.u32 $0x30, v38  }
0x382: {  	v3 =	vand.u32 $0x7, v3  }
0x383: {  	v3 =	vor.u32 v3, v4  }
0x384: {  	v4 =	vperm.xlane v3, v0;
	_ =	sdelay $0x1  }
0x385: {  	v4 =	vadd.s32 v1, v4;
	_ =	sdelay $0x3  }
0x386: {  	v3 =	vperm.xlane v3, v2  }
0x387: {  	[tilespmem:s28], [sflag:$0x4] =	stream.indirect_vreg.gather [hbm4b:s2+s3], $0x80, v4, vm0, $0xb8;
	[tilespmem:$0x18400] =	vst v63  }
0x388: {  	s21 =	simm.s32 $0x12C00;
	v3 =	vadd.s32 v1, v3  }
0x389: {  	[tilespmem:s21], [sflag:$0x4] =	stream.indirect_vreg.gather [hbm4b:s6+s3], $0x80, v4, vm0, $0xb8;
	[tilespmem:$0x18400] =	vst v63  }
0x38a: {  	s31 =	simm.s32 $0x13400  }
0x38b: {  	[tilespmem:s31], [sflag:$0x4] =	stream.indirect_vreg.gather [hbm4b:s7+s3], $0x80, v4, vm0, $0xb8;
	[tilespmem:$0x18400] =	vst v63  }
0x38c: {  	s29 =	simm.s32 $0x13C00  }
0x38d: {  	[tilespmem:s29], [sflag:$0x4] =	stream.indirect_vreg.gather [hbm4b:s2+s3], $0x80, v3, vm0, $0xb8;
	[tilespmem:$0x18400] =	vst v63  }
0x38e: {  	s31 =	simm.s32 $0x14400  }
0x38f: {  	[tilespmem:s31], [sflag:$0x4] =	stream.indirect_vreg.gather [hbm4b:s6+s3], $0x80, v3, vm0, $0xb8;
	[tilespmem:$0x18400] =	vst v63  }
0x390: {  	s20 =	simm.s32 $0x14C00  }
0x391: {  	[tilespmem:s20], [sflag:$0x4] =	stream.indirect_vreg.gather [hbm4b:s7+s3], $0x80, v3, vm0, $0xb8;
	[tilespmem:$0x18400] =	vst v63  }
0x392: {  	v3 =	vld [tilespmem:$0x270];
	_ =	sdelay $0x4  }
0x393: {  	v39 =	vshrl.u32 v3, $0x3  }
0x394: {  	v4 =	vmul.u32 $0x30, v39  }
0x395: {  	v3 =	vand.u32 $0x7, v3  }
0x396: {  	v3 =	vor.u32 v3, v4  }
0x397: {  	v4 =	vperm.xlane v3, v0;
	_ =	sdelay $0x1  }
0x398: {  	v4 =	vadd.s32 v1, v4;
	_ =	sdelay $0x3  }
0x399: {  	s20 =	simm.s32 $0x15400;
	v3 =	vperm.xlane v3, v2  }
0x39a: {  	[tilespmem:s20], [sflag:$0x4] =	stream.indirect_vreg.gather [hbm4b:s2+s3], $0x80, v4, vm0, $0xb8;
	[tilespmem:$0x18400] =	vst v63  }
0x39b: {  	s30 =	simm.s32 $0x15C00;
	v3 =	vadd.s32 v1, v3  }
0x39c: {  	[tilespmem:s30], [sflag:$0x4] =	stream.indirect_vreg.gather [hbm4b:s6+s3], $0x80, v4, vm0, $0xb8;
	[tilespmem:$0x18400] =	vst v63  }
0x39d: {  	s10 =	simm.s32 $0x16400  }
0x39e: {  	[tilespmem:s10], [sflag:$0x4] =	stream.indirect_vreg.gather [hbm4b:s7+s3], $0x80, v4, vm0, $0xb8;
	[tilespmem:$0x18400] =	vst v63  }
0x39f: {  	s12 =	simm.s32 $0x16C00  }
0x3a0: {  	[tilespmem:s12], [sflag:$0x4] =	stream.indirect_vreg.gather [hbm4b:s2+s3], $0x80, v3, vm0, $0xb8;
	[tilespmem:$0x18400] =	vst v63  }
0x3a1: {  	s25 =	simm.s32 $0x17400  }
0x3a2: {  	[tilespmem:s25], [sflag:$0x4] =	stream.indirect_vreg.gather [hbm4b:s6+s3], $0x80, v3, vm0, $0xb8;
	[tilespmem:$0x18400] =	vst v63  }
0x3a3: {  	s26 =	simm.s32 $0x17C00  }
0x3a4: {  	[tilespmem:s26], [sflag:$0x4] =	stream.indirect_vreg.gather [hbm4b:s7+s3], $0x80, v3, vm0, $0xb8;
	[tilespmem:$0x18400] =	vst v63  }
0x3a5: {  	_ =	swait.ge [sflag:s8], $0x6000  }
0x3a6: {  	[sflag:s8] =	ssyncset.done $0x0  }
0x3a7: {  	s20 =	rddreg [dreg:$0x16];
	[sflag:s8] =	ssyncadd.s32 $0xFFFFA000  }
0x3a8: {  	[hbm4b:s20+s3] =	stream.linear.scatter [tilespmem:s9], [sflag:$0x5], $0x6000, $0x38;
	[tilespmem:$0x18400] =	vst v63  }
0x3a9: {  	_ =	swait.ge [sflag:s13], $0x6000  }
0x3aa: {  	[sflag:s13] =	ssyncset.done $0x0  }
0x3ab: {  	[sflag:s13] =	ssyncadd.s32 $0xFFFFA000  }
0x3ac: {  	v3 =	vld [tilespmem:$0x280];
	_ =	sdelay $0x4  }
0x3ad: {  	v40 =	vshrl.u32 v3, $0x3  }
0x3ae: {  	v4 =	vmul.u32 $0x30, v40  }
0x3af: {  	v3 =	vand.u32 $0x7, v3  }
0x3b0: {  	v3 =	vor.u32 v3, v4  }
0x3b1: {  	v4 =	vperm.xlane v3, v0;
	_ =	sdelay $0x1  }
0x3b2: {  	v4 =	vadd.s32 v1, v4;
	_ =	sdelay $0x3  }
0x3b3: {  	v3 =	vperm.xlane v3, v2  }
0x3b4: {  	[tilespmem:s9], [sflag:$0x1] =	stream.indirect_vreg.gather [hbm4b:s2+s3], $0x80, v4, vm0, $0xb8;
	[tilespmem:$0x18400] =	vst v63  }
0x3b5: {  	s20 =	simm.s32 $0xC00;
	v3 =	vadd.s32 v1, v3  }
0x3b6: {  	[tilespmem:s20], [sflag:$0x1] =	stream.indirect_vreg.gather [hbm4b:s6+s3], $0x80, v4, vm0, $0xb8;
	[tilespmem:$0x18400] =	vst v63  }
0x3b7: {  	s20 =	simm.s32 $0x1400  }
0x3b8: {  	[tilespmem:s20], [sflag:$0x1] =	stream.indirect_vreg.gather [hbm4b:s7+s3], $0x80, v4, vm0, $0xb8;
	[tilespmem:$0x18400] =	vst v63  }
0x3b9: {  	s20 =	simm.s32 $0x1C00  }
0x3ba: {  	[tilespmem:s20], [sflag:$0x1] =	stream.indirect_vreg.gather [hbm4b:s2+s3], $0x80, v3, vm0, $0xb8;
	[tilespmem:$0x18400] =	vst v63  }
0x3bb: {  	s20 =	simm.s32 $0x2400  }
0x3bc: {  	[tilespmem:s20], [sflag:$0x1] =	stream.indirect_vreg.gather [hbm4b:s6+s3], $0x80, v3, vm0, $0xb8;
	[tilespmem:$0x18400] =	vst v63  }
0x3bd: {  	s20 =	simm.s32 $0x2C00  }
0x3be: {  	[tilespmem:s20], [sflag:$0x1] =	stream.indirect_vreg.gather [hbm4b:s7+s3], $0x80, v3, vm0, $0xb8;
	[tilespmem:$0x18400] =	vst v63  }
0x3bf: {  	v3 =	vld [tilespmem:$0x290];
	_ =	sdelay $0x4  }
0x3c0: {  	v41 =	vshrl.u32 v3, $0x3  }
0x3c1: {  	v4 =	vmul.u32 $0x30, v41  }
0x3c2: {  	v3 =	vand.u32 $0x7, v3  }
0x3c3: {  	v3 =	vor.u32 v3, v4  }
0x3c4: {  	v4 =	vperm.xlane v3, v0;
	_ =	sdelay $0x1  }
0x3c5: {  	v4 =	vadd.s32 v1, v4;
	_ =	sdelay $0x3  }
0x3c6: {  	s20 =	simm.s32 $0x3400;
	v3 =	vperm.xlane v3, v2  }
0x3c7: {  	[tilespmem:s20], [sflag:$0x1] =	stream.indirect_vreg.gather [hbm4b:s2+s3], $0x80, v4, vm0, $0xb8;
	[tilespmem:$0x18400] =	vst v63  }
0x3c8: {  	v3 =	vadd.s32 v1, v3;
	s20 =	simm.s32 $0x3C00  }
0x3c9: {  	[tilespmem:s20], [sflag:$0x1] =	stream.indirect_vreg.gather [hbm4b:s6+s3], $0x80, v4, vm0, $0xb8;
	[tilespmem:$0x18400] =	vst v63  }
0x3ca: {  	s20 =	simm.s32 $0x4400  }
0x3cb: {  	[tilespmem:s20], [sflag:$0x1] =	stream.indirect_vreg.gather [hbm4b:s7+s3], $0x80, v4, vm0, $0xb8;
	[tilespmem:$0x18400] =	vst v63  }
0x3cc: {  	s20 =	simm.s32 $0x4C00  }
0x3cd: {  	[tilespmem:s20], [sflag:$0x1] =	stream.indirect_vreg.gather [hbm4b:s2+s3], $0x80, v3, vm0, $0xb8;
	[tilespmem:$0x18400] =	vst v63  }
0x3ce: {  	s20 =	simm.s32 $0x5400  }
0x3cf: {  	[tilespmem:s20], [sflag:$0x1] =	stream.indirect_vreg.gather [hbm4b:s6+s3], $0x80, v3, vm0, $0xb8;
	[tilespmem:$0x18400] =	vst v63  }
0x3d0: {  	s20 =	simm.s32 $0x5C00  }
0x3d1: {  	[tilespmem:s20], [sflag:$0x1] =	stream.indirect_vreg.gather [hbm4b:s7+s3], $0x80, v3, vm0, $0xb8;
	[tilespmem:$0x18400] =	vst v63  }
0x3d2: {  	_ =	swait.ge [sflag:s14], $0x6000  }
0x3d3: {  	[sflag:s14] =	ssyncset.done $0x0  }
0x3d4: {  	s20 =	rddreg [dreg:$0x17];
	[sflag:s14] =	ssyncadd.s32 $0xFFFFA000  }
0x3d5: {  	[hbm4b:s20+s3] =	stream.linear.scatter [tilespmem:s4], [sflag:$0x6], $0x6000, $0x38;
	[tilespmem:$0x18400] =	vst v63  }
0x3d6: {  	_ =	swait.ge [sflag:s15], $0x6000  }
0x3d7: {  	[sflag:s15] =	ssyncset.done $0x0  }
0x3d8: {  	[sflag:s15] =	ssyncadd.s32 $0xFFFFA000  }
0x3d9: {  	v3 =	vld [tilespmem:$0x2A0];
	_ =	sdelay $0x4  }
0x3da: {  	v42 =	vshrl.u32 v3, $0x3  }
0x3db: {  	v4 =	vmul.u32 $0x30, v42  }
0x3dc: {  	v3 =	vand.u32 $0x7, v3  }
0x3dd: {  	v3 =	vor.u32 v3, v4  }
0x3de: {  	v4 =	vperm.xlane v3, v0;
	_ =	sdelay $0x1  }
0x3df: {  	v4 =	vadd.s32 v1, v4;
	_ =	sdelay $0x3  }
0x3e0: {  	v3 =	vperm.xlane v3, v2  }
0x3e1: {  	[tilespmem:s4], [sflag:$0x2] =	stream.indirect_vreg.gather [hbm4b:s2+s3], $0x80, v4, vm0, $0xb8;
	[tilespmem:$0x18400] =	vst v63  }
0x3e2: {  	s20 =	simm.s32 $0x6C00;
	v3 =	vadd.s32 v1, v3  }
0x3e3: {  	[tilespmem:s20], [sflag:$0x2] =	stream.indirect_vreg.gather [hbm4b:s6+s3], $0x80, v4, vm0, $0xb8;
	[tilespmem:$0x18400] =	vst v63  }
0x3e4: {  	s20 =	simm.s32 $0x7400  }
0x3e5: {  	[tilespmem:s20], [sflag:$0x2] =	stream.indirect_vreg.gather [hbm4b:s7+s3], $0x80, v4, vm0, $0xb8;
	[tilespmem:$0x18400] =	vst v63  }
0x3e6: {  	s20 =	simm.s32 $0x7C00  }
0x3e7: {  	[tilespmem:s20], [sflag:$0x2] =	stream.indirect_vreg.gather [hbm4b:s2+s3], $0x80, v3, vm0, $0xb8;
	[tilespmem:$0x18400] =	vst v63  }
0x3e8: {  	s20 =	simm.s32 $0x8400  }
0x3e9: {  	[tilespmem:s20], [sflag:$0x2] =	stream.indirect_vreg.gather [hbm4b:s6+s3], $0x80, v3, vm0, $0xb8;
	[tilespmem:$0x18400] =	vst v63  }
0x3ea: {  	s20 =	simm.s32 $0x8C00  }
0x3eb: {  	[tilespmem:s20], [sflag:$0x2] =	stream.indirect_vreg.gather [hbm4b:s7+s3], $0x80, v3, vm0, $0xb8;
	[tilespmem:$0x18400] =	vst v63  }
0x3ec: {  	v3 =	vld [tilespmem:$0x2B0];
	_ =	sdelay $0x4  }
0x3ed: {  	v43 =	vshrl.u32 v3, $0x3  }
0x3ee: {  	v4 =	vmul.u32 $0x30, v43  }
0x3ef: {  	v3 =	vand.u32 $0x7, v3  }
0x3f0: {  	v3 =	vor.u32 v3, v4  }
0x3f1: {  	v4 =	vperm.xlane v3, v0;
	_ =	sdelay $0x1  }
0x3f2: {  	v4 =	vadd.s32 v1, v4;
	_ =	sdelay $0x3  }
0x3f3: {  	s20 =	simm.s32 $0x9400;
	v3 =	vperm.xlane v3, v2  }
0x3f4: {  	[tilespmem:s20], [sflag:$0x2] =	stream.indirect_vreg.gather [hbm4b:s2+s3], $0x80, v4, vm0, $0xb8;
	[tilespmem:$0x18400] =	vst v63  }
0x3f5: {  	v3 =	vadd.s32 v1, v3;
	s20 =	simm.s32 $0x9C00  }
0x3f6: {  	[tilespmem:s20], [sflag:$0x2] =	stream.indirect_vreg.gather [hbm4b:s6+s3], $0x80, v4, vm0, $0xb8;
	[tilespmem:$0x18400] =	vst v63  }
0x3f7: {  	s20 =	simm.s32 $0xA400  }
0x3f8: {  	[tilespmem:s20], [sflag:$0x2] =	stream.indirect_vreg.gather [hbm4b:s7+s3], $0x80, v4, vm0, $0xb8;
	[tilespmem:$0x18400] =	vst v63  }
0x3f9: {  	s20 =	simm.s32 $0xAC00  }
0x3fa: {  	[tilespmem:s20], [sflag:$0x2] =	stream.indirect_vreg.gather [hbm4b:s2+s3], $0x80, v3, vm0, $0xb8;
	[tilespmem:$0x18400] =	vst v63  }
0x3fb: {  	s20 =	simm.s32 $0xB400  }
0x3fc: {  	[tilespmem:s20], [sflag:$0x2] =	stream.indirect_vreg.gather [hbm4b:s6+s3], $0x80, v3, vm0, $0xb8;
	[tilespmem:$0x18400] =	vst v63  }
0x3fd: {  	s20 =	simm.s32 $0xBC00  }
0x3fe: {  	[tilespmem:s20], [sflag:$0x2] =	stream.indirect_vreg.gather [hbm4b:s7+s3], $0x80, v3, vm0, $0xb8;
	[tilespmem:$0x18400] =	vst v63  }
0x3ff: {  	_ =	swait.ge [sflag:s16], $0x6000  }
0x400: {  	[sflag:s16] =	ssyncset.done $0x0  }
0x401: {  	s20 =	rddreg [dreg:$0x18];
	[sflag:s16] =	ssyncadd.s32 $0xFFFFA000  }
0x402: {  	[hbm4b:s20+s3] =	stream.linear.scatter [tilespmem:s1], [sflag:$0x7], $0x6000, $0x38;
	[tilespmem:$0x18400] =	vst v63  }
0x403: {  	_ =	swait.ge [sflag:s17], $0x6000  }
0x404: {  	[sflag:s17] =	ssyncset.done $0x0  }
0x405: {  	[sflag:s17] =	ssyncadd.s32 $0xFFFFA000  }
0x406: {  	v3 =	vld [tilespmem:$0x2C0];
	_ =	sdelay $0x4  }
0x407: {  	v44 =	vshrl.u32 v3, $0x3  }
0x408: {  	v4 =	vmul.u32 $0x30, v44  }
0x409: {  	v3 =	vand.u32 $0x7, v3  }
0x40a: {  	v3 =	vor.u32 v3, v4  }
0x40b: {  	v4 =	vperm.xlane v3, v0;
	_ =	sdelay $0x1  }
0x40c: {  	v4 =	vadd.s32 v1, v4;
	_ =	sdelay $0x3  }
0x40d: {  	v3 =	vperm.xlane v3, v2  }
0x40e: {  	[tilespmem:s1], [sflag:$0x3] =	stream.indirect_vreg.gather [hbm4b:s2+s3], $0x80, v4, vm0, $0xb8;
	[tilespmem:$0x18400] =	vst v63  }
0x40f: {  	s20 =	simm.s32 $0xCC00;
	v3 =	vadd.s32 v1, v3  }
0x410: {  	[tilespmem:s20], [sflag:$0x3] =	stream.indirect_vreg.gather [hbm4b:s6+s3], $0x80, v4, vm0, $0xb8;
	[tilespmem:$0x18400] =	vst v63  }
0x411: {  	s23 =	simm.s32 $0xD400  }
0x412: {  	[tilespmem:s23], [sflag:$0x3] =	stream.indirect_vreg.gather [hbm4b:s7+s3], $0x80, v4, vm0, $0xb8;
	[tilespmem:$0x18400] =	vst v63  }
0x413: {  	s20 =	simm.s32 $0xDC00  }
0x414: {  	[tilespmem:s20], [sflag:$0x3] =	stream.indirect_vreg.gather [hbm4b:s2+s3], $0x80, v3, vm0, $0xb8;
	[tilespmem:$0x18400] =	vst v63  }
0x415: {  	s11 =	simm.s32 $0xE400  }
0x416: {  	[tilespmem:s11], [sflag:$0x3] =	stream.indirect_vreg.gather [hbm4b:s6+s3], $0x80, v3, vm0, $0xb8;
	[tilespmem:$0x18400] =	vst v63  }
0x417: {  	s5 =	simm.s32 $0xEC00  }
0x418: {  	[tilespmem:s5], [sflag:$0x3] =	stream.indirect_vreg.gather [hbm4b:s7+s3], $0x80, v3, vm0, $0xb8;
	[tilespmem:$0x18400] =	vst v63  }
0x419: {  	v3 =	vld [tilespmem:$0x2D0];
	_ =	sdelay $0x4  }
0x41a: {  	v45 =	vshrl.u32 v3, $0x3  }
0x41b: {  	v4 =	vmul.u32 $0x30, v45  }
0x41c: {  	v3 =	vand.u32 $0x7, v3  }
0x41d: {  	v3 =	vor.u32 v3, v4  }
0x41e: {  	v4 =	vperm.xlane v3, v0;
	_ =	sdelay $0x1  }
0x41f: {  	v4 =	vadd.s32 v1, v4;
	_ =	sdelay $0x3  }
0x420: {  	s20 =	simm.s32 $0xF400;
	v3 =	vperm.xlane v3, v2  }
0x421: {  	[tilespmem:s20], [sflag:$0x3] =	stream.indirect_vreg.gather [hbm4b:s2+s3], $0x80, v4, vm0, $0xb8;
	[tilespmem:$0x18400] =	vst v63  }
0x422: {  	s22 =	simm.s32 $0xFC00;
	v3 =	vadd.s32 v1, v3  }
0x423: {  	[tilespmem:s22], [sflag:$0x3] =	stream.indirect_vreg.gather [hbm4b:s6+s3], $0x80, v4, vm0, $0xb8;
	[tilespmem:$0x18400] =	vst v63  }
0x424: {  	s22 =	simm.s32 $0x10400  }
0x425: {  	[tilespmem:s22], [sflag:$0x3] =	stream.indirect_vreg.gather [hbm4b:s7+s3], $0x80, v4, vm0, $0xb8;
	[tilespmem:$0x18400] =	vst v63  }
0x426: {  	s20 =	simm.s32 $0x10C00  }
0x427: {  	[tilespmem:s20], [sflag:$0x3] =	stream.indirect_vreg.gather [hbm4b:s2+s3], $0x80, v3, vm0, $0xb8;
	[tilespmem:$0x18400] =	vst v63  }
0x428: {  	s22 =	simm.s32 $0x11400  }
0x429: {  	[tilespmem:s22], [sflag:$0x3] =	stream.indirect_vreg.gather [hbm4b:s6+s3], $0x80, v3, vm0, $0xb8;
	[tilespmem:$0x18400] =	vst v63  }
0x42a: {  	s0 =	simm.s32 $0x11C00  }
0x42b: {  	[tilespmem:s0], [sflag:$0x3] =	stream.indirect_vreg.gather [hbm4b:s7+s3], $0x80, v3, vm0, $0xb8;
	[tilespmem:$0x18400] =	vst v63  }
0x42c: {  	_ =	swait.ge [sflag:s18], $0x6000  }
0x42d: {  	[sflag:s18] =	ssyncset.done $0x0  }
0x42e: {  	s5 =	rddreg [dreg:$0x19];
	[sflag:s18] =	ssyncadd.s32 $0xFFFFA000  }
0x42f: {  	[hbm4b:s5+s3] =	stream.linear.scatter [tilespmem:s28], [sflag:$0x8], $0x6000, $0x38;
	[tilespmem:$0x18400] =	vst v63  }
0x430: {  	_ =	swait.ge [sflag:s19], $0x6000  }
0x431: {  	[sflag:s19] =	ssyncset.done $0x0  }
0x432: {  	[sflag:s19] =	ssyncadd.s32 $0xFFFFA000  }
0x433: {  	v3 =	vld [tilespmem:$0x2E0];
	_ =	sdelay $0x4  }
0x434: {  	v46 =	vshrl.u32 v3, $0x3  }
0x435: {  	v4 =	vmul.u32 $0x30, v46  }
0x436: {  	v3 =	vand.u32 $0x7, v3  }
0x437: {  	v3 =	vor.u32 v3, v4  }
0x438: {  	v4 =	vperm.xlane v3, v0;
	_ =	sdelay $0x1  }
0x439: {  	v4 =	vadd.s32 v1, v4;
	_ =	sdelay $0x3  }
0x43a: {  	v3 =	vperm.xlane v3, v2  }
0x43b: {  	[tilespmem:s28], [sflag:$0x4] =	stream.indirect_vreg.gather [hbm4b:s2+s3], $0x80, v4, vm0, $0xb8;
	[tilespmem:$0x18400] =	vst v63  }
0x43c: {  	s21 =	simm.s32 $0x12C00;
	v3 =	vadd.s32 v1, v3  }
0x43d: {  	[tilespmem:s21], [sflag:$0x4] =	stream.indirect_vreg.gather [hbm4b:s6+s3], $0x80, v4, vm0, $0xb8;
	[tilespmem:$0x18400] =	vst v63  }
0x43e: {  	s24 =	simm.s32 $0x13400  }
0x43f: {  	[tilespmem:s24], [sflag:$0x4] =	stream.indirect_vreg.gather [hbm4b:s7+s3], $0x80, v4, vm0, $0xb8;
	[tilespmem:$0x18400] =	vst v63  }
0x440: {  	s29 =	simm.s32 $0x13C00  }
0x441: {  	[tilespmem:s29], [sflag:$0x4] =	stream.indirect_vreg.gather [hbm4b:s2+s3], $0x80, v3, vm0, $0xb8;
	[tilespmem:$0x18400] =	vst v63  }
0x442: {  	s31 =	simm.s32 $0x14400  }
0x443: {  	[tilespmem:s31], [sflag:$0x4] =	stream.indirect_vreg.gather [hbm4b:s6+s3], $0x80, v3, vm0, $0xb8;
	[tilespmem:$0x18400] =	vst v63  }
0x444: {  	s22 =	simm.s32 $0x14C00  }
0x445: {  	[tilespmem:s22], [sflag:$0x4] =	stream.indirect_vreg.gather [hbm4b:s7+s3], $0x80, v3, vm0, $0xb8;
	[tilespmem:$0x18400] =	vst v63  }
0x446: {  	v3 =	vld [tilespmem:$0x2F0];
	_ =	sdelay $0x4  }
0x447: {  	v47 =	vshrl.u32 v3, $0x3  }
0x448: {  	v4 =	vmul.u32 $0x30, v47  }
0x449: {  	v3 =	vand.u32 $0x7, v3  }
0x44a: {  	v3 =	vor.u32 v3, v4  }
0x44b: {  	v4 =	vperm.xlane v3, v0;
	_ =	sdelay $0x1  }
0x44c: {  	v4 =	vadd.s32 v1, v4;
	_ =	sdelay $0x3  }
0x44d: {  	s24 =	simm.s32 $0x15400;
	v3 =	vperm.xlane v3, v2  }
0x44e: {  	[tilespmem:s24], [sflag:$0x4] =	stream.indirect_vreg.gather [hbm4b:s2+s3], $0x80, v4, vm0, $0xb8;
	[tilespmem:$0x18400] =	vst v63  }
0x44f: {  	s30 =	simm.s32 $0x15C00;
	v3 =	vadd.s32 v1, v3  }
0x450: {  	[tilespmem:s30], [sflag:$0x4] =	stream.indirect_vreg.gather [hbm4b:s6+s3], $0x80, v4, vm0, $0xb8;
	[tilespmem:$0x18400] =	vst v63  }
0x451: {  	s10 =	simm.s32 $0x16400  }
0x452: {  	[tilespmem:s10], [sflag:$0x4] =	stream.indirect_vreg.gather [hbm4b:s7+s3], $0x80, v4, vm0, $0xb8;
	[tilespmem:$0x18400] =	vst v63  }
0x453: {  	s12 =	simm.s32 $0x16C00  }
0x454: {  	[tilespmem:s12], [sflag:$0x4] =	stream.indirect_vreg.gather [hbm4b:s2+s3], $0x80, v3, vm0, $0xb8;
	[tilespmem:$0x18400] =	vst v63  }
0x455: {  	s25 =	simm.s32 $0x17400  }
0x456: {  	[tilespmem:s25], [sflag:$0x4] =	stream.indirect_vreg.gather [hbm4b:s6+s3], $0x80, v3, vm0, $0xb8;
	[tilespmem:$0x18400] =	vst v63  }
0x457: {  	s26 =	simm.s32 $0x17C00  }
0x458: {  	[tilespmem:s26], [sflag:$0x4] =	stream.indirect_vreg.gather [hbm4b:s7+s3], $0x80, v3, vm0, $0xb8;
	[tilespmem:$0x18400] =	vst v63  }
0x459: {  	_ =	swait.ge [sflag:s8], $0x6000  }
0x45a: {  	[sflag:s8] =	ssyncset.done $0x0  }
0x45b: {  	s29 =	rddreg [dreg:$0x1a];
	[sflag:s8] =	ssyncadd.s32 $0xFFFFA000  }
0x45c: {  	[hbm4b:s29+s3] =	stream.linear.scatter [tilespmem:s9], [sflag:$0x5], $0x6000, $0x38;
	[tilespmem:$0x18400] =	vst v63  }
0x45d: {  	_ =	swait.ge [sflag:s13], $0x6000  }
0x45e: {  	[sflag:s13] =	ssyncset.done $0x0  }
0x45f: {  	[sflag:s13] =	ssyncadd.s32 $0xFFFFA000  }
0x460: {  	v3 =	vld [tilespmem:$0x300];
	_ =	sdelay $0x4  }
0x461: {  	v48 =	vshrl.u32 v3, $0x3  }
0x462: {  	v4 =	vmul.u32 $0x30, v48  }
0x463: {  	v3 =	vand.u32 $0x7, v3  }
0x464: {  	v3 =	vor.u32 v3, v4  }
0x465: {  	v4 =	vperm.xlane v3, v0;
	_ =	sdelay $0x1  }
0x466: {  	v4 =	vadd.s32 v1, v4;
	_ =	sdelay $0x3  }
0x467: {  	v3 =	vperm.xlane v3, v2  }
0x468: {  	[tilespmem:s9], [sflag:$0x1] =	stream.indirect_vreg.gather [hbm4b:s2+s3], $0x80, v4, vm0, $0xb8;
	[tilespmem:$0x18400] =	vst v63  }
0x469: {  	s30 =	simm.s32 $0xC00;
	v3 =	vadd.s32 v1, v3  }
0x46a: {  	[tilespmem:s30], [sflag:$0x1] =	stream.indirect_vreg.gather [hbm4b:s6+s3], $0x80, v4, vm0, $0xb8;
	[tilespmem:$0x18400] =	vst v63  }
0x46b: {  	s31 =	simm.s32 $0x1400  }
0x46c: {  	[tilespmem:s31], [sflag:$0x1] =	stream.indirect_vreg.gather [hbm4b:s7+s3], $0x80, v4, vm0, $0xb8;
	[tilespmem:$0x18400] =	vst v63  }
0x46d: {  	s5 =	simm.s32 $0x1C00  }
0x46e: {  	[tilespmem:s5], [sflag:$0x1] =	stream.indirect_vreg.gather [hbm4b:s2+s3], $0x80, v3, vm0, $0xb8;
	[tilespmem:$0x18400] =	vst v63  }
0x46f: {  	s9 =	simm.s32 $0x2400  }
0x470: {  	[tilespmem:s9], [sflag:$0x1] =	stream.indirect_vreg.gather [hbm4b:s6+s3], $0x80, v3, vm0, $0xb8;
	[tilespmem:$0x18400] =	vst v63  }
0x471: {  	s10 =	simm.s32 $0x2C00  }
0x472: {  	[tilespmem:s10], [sflag:$0x1] =	stream.indirect_vreg.gather [hbm4b:s7+s3], $0x80, v3, vm0, $0xb8;
	[tilespmem:$0x18400] =	vst v63  }
0x473: {  	v3 =	vld [tilespmem:$0x310];
	_ =	sdelay $0x4  }
0x474: {  	v49 =	vshrl.u32 v3, $0x3  }
0x475: {  	v4 =	vmul.u32 $0x30, v49  }
0x476: {  	v3 =	vand.u32 $0x7, v3  }
0x477: {  	v3 =	vor.u32 v3, v4  }
0x478: {  	v4 =	vperm.xlane v3, v0;
	_ =	sdelay $0x1  }
0x479: {  	v4 =	vadd.s32 v1, v4;
	_ =	sdelay $0x3  }
0x47a: {  	s12 =	simm.s32 $0x3400;
	v3 =	vperm.xlane v3, v2  }
0x47b: {  	[tilespmem:s12], [sflag:$0x1] =	stream.indirect_vreg.gather [hbm4b:s2+s3], $0x80, v4, vm0, $0xb8;
	[tilespmem:$0x18400] =	vst v63  }
0x47c: {  	s20 =	simm.s32 $0x3C00;
	v3 =	vadd.s32 v1, v3  }
0x47d: {  	[tilespmem:s20], [sflag:$0x1] =	stream.indirect_vreg.gather [hbm4b:s6+s3], $0x80, v4, vm0, $0xb8;
	[tilespmem:$0x18400] =	vst v63  }
0x47e: {  	s21 =	simm.s32 $0x4400  }
0x47f: {  	[tilespmem:s21], [sflag:$0x1] =	stream.indirect_vreg.gather [hbm4b:s7+s3], $0x80, v4, vm0, $0xb8;
	[tilespmem:$0x18400] =	vst v63  }
0x480: {  	s22 =	simm.s32 $0x4C00  }
0x481: {  	[tilespmem:s22], [sflag:$0x1] =	stream.indirect_vreg.gather [hbm4b:s2+s3], $0x80, v3, vm0, $0xb8;
	[tilespmem:$0x18400] =	vst v63  }
0x482: {  	s24 =	simm.s32 $0x5400  }
0x483: {  	[tilespmem:s24], [sflag:$0x1] =	stream.indirect_vreg.gather [hbm4b:s6+s3], $0x80, v3, vm0, $0xb8;
	[tilespmem:$0x18400] =	vst v63  }
0x484: {  	s25 =	simm.s32 $0x5C00  }
0x485: {  	[tilespmem:s25], [sflag:$0x1] =	stream.indirect_vreg.gather [hbm4b:s7+s3], $0x80, v3, vm0, $0xb8;
	[tilespmem:$0x18400] =	vst v63  }
0x486: {  	_ =	swait.ge [sflag:s14], $0x6000  }
0x487: {  	[sflag:s14] =	ssyncset.done $0x0  }
0x488: {  	s26 =	rddreg [dreg:$0x1b];
	[sflag:s14] =	ssyncadd.s32 $0xFFFFA000  }
0x489: {  	[hbm4b:s26+s3] =	stream.linear.scatter [tilespmem:s4], [sflag:$0x6], $0x6000, $0x38;
	[tilespmem:$0x18400] =	vst v63  }
0x48a: {  	_ =	swait.ge [sflag:s15], $0x6000  }
0x48b: {  	[sflag:s15] =	ssyncset.done $0x0  }
0x48c: {  	[sflag:s15] =	ssyncadd.s32 $0xFFFFA000  }
0x48d: {  	v3 =	vld [tilespmem:$0x320];
	_ =	sdelay $0x4  }
0x48e: {  	v50 =	vshrl.u32 v3, $0x3  }
0x48f: {  	v4 =	vmul.u32 $0x30, v50  }
0x490: {  	v3 =	vand.u32 $0x7, v3  }
0x491: {  	v3 =	vor.u32 v3, v4  }
0x492: {  	v4 =	vperm.xlane v3, v0;
	_ =	sdelay $0x1  }
0x493: {  	v4 =	vadd.s32 v1, v4;
	_ =	sdelay $0x3  }
0x494: {  	v3 =	vperm.xlane v3, v2  }
0x495: {  	[tilespmem:s4], [sflag:$0x2] =	stream.indirect_vreg.gather [hbm4b:s2+s3], $0x80, v4, vm0, $0xb8;
	[tilespmem:$0x18400] =	vst v63  }
0x496: {  	s29 =	simm.s32 $0x6C00;
	v3 =	vadd.s32 v1, v3  }
0x497: {  	[tilespmem:s29], [sflag:$0x2] =	stream.indirect_vreg.gather [hbm4b:s6+s3], $0x80, v4, vm0, $0xb8;
	[tilespmem:$0x18400] =	vst v63  }
0x498: {  	s31 =	simm.s32 $0x7400  }
0x499: {  	[tilespmem:s31], [sflag:$0x2] =	stream.indirect_vreg.gather [hbm4b:s7+s3], $0x80, v4, vm0, $0xb8;
	[tilespmem:$0x18400] =	vst v63  }
0x49a: {  	s4 =	simm.s32 $0x7C00  }
0x49b: {  	[tilespmem:s4], [sflag:$0x2] =	stream.indirect_vreg.gather [hbm4b:s2+s3], $0x80, v3, vm0, $0xb8;
	[tilespmem:$0x18400] =	vst v63  }
0x49c: {  	s9 =	simm.s32 $0x8400  }
0x49d: {  	[tilespmem:s9], [sflag:$0x2] =	stream.indirect_vreg.gather [hbm4b:s6+s3], $0x80, v3, vm0, $0xb8;
	[tilespmem:$0x18400] =	vst v63  }
0x49e: {  	s10 =	simm.s32 $0x8C00  }
0x49f: {  	[tilespmem:s10], [sflag:$0x2] =	stream.indirect_vreg.gather [hbm4b:s7+s3], $0x80, v3, vm0, $0xb8;
	[tilespmem:$0x18400] =	vst v63  }
0x4a0: {  	v3 =	vld [tilespmem:$0x330];
	_ =	sdelay $0x4  }
0x4a1: {  	v51 =	vshrl.u32 v3, $0x3  }
0x4a2: {  	v4 =	vmul.u32 $0x30, v51  }
0x4a3: {  	v3 =	vand.u32 $0x7, v3  }
0x4a4: {  	v3 =	vor.u32 v3, v4  }
0x4a5: {  	v4 =	vperm.xlane v3, v0;
	_ =	sdelay $0x1  }
0x4a6: {  	v4 =	vadd.s32 v1, v4;
	_ =	sdelay $0x3  }
0x4a7: {  	s20 =	simm.s32 $0x9400;
	v3 =	vperm.xlane v3, v2  }
0x4a8: {  	[tilespmem:s20], [sflag:$0x2] =	stream.indirect_vreg.gather [hbm4b:s2+s3], $0x80, v4, vm0, $0xb8;
	[tilespmem:$0x18400] =	vst v63  }
0x4a9: {  	s24 =	simm.s32 $0x9C00;
	v3 =	vadd.s32 v1, v3  }
0x4aa: {  	[tilespmem:s24], [sflag:$0x2] =	stream.indirect_vreg.gather [hbm4b:s6+s3], $0x80, v4, vm0, $0xb8;
	[tilespmem:$0x18400] =	vst v63  }
0x4ab: {  	s25 =	simm.s32 $0xA400  }
0x4ac: {  	[tilespmem:s25], [sflag:$0x2] =	stream.indirect_vreg.gather [hbm4b:s7+s3], $0x80, v4, vm0, $0xb8;
	[tilespmem:$0x18400] =	vst v63  }
0x4ad: {  	s26 =	simm.s32 $0xAC00  }
0x4ae: {  	[tilespmem:s26], [sflag:$0x2] =	stream.indirect_vreg.gather [hbm4b:s2+s3], $0x80, v3, vm0, $0xb8;
	[tilespmem:$0x18400] =	vst v63  }
0x4af: {  	s31 =	simm.s32 $0xB400  }
0x4b0: {  	[tilespmem:s31], [sflag:$0x2] =	stream.indirect_vreg.gather [hbm4b:s6+s3], $0x80, v3, vm0, $0xb8;
	[tilespmem:$0x18400] =	vst v63  }
0x4b1: {  	s4 =	simm.s32 $0xBC00  }
0x4b2: {  	[tilespmem:s4], [sflag:$0x2] =	stream.indirect_vreg.gather [hbm4b:s7+s3], $0x80, v3, vm0, $0xb8;
	[tilespmem:$0x18400] =	vst v63  }
0x4b3: {  	_ =	swait.ge [sflag:s16], $0x6000  }
0x4b4: {  	[sflag:s16] =	ssyncset.done $0x0  }
0x4b5: {  	s9 =	rddreg [dreg:$0x1c];
	[sflag:s16] =	ssyncadd.s32 $0xFFFFA000  }
0x4b6: {  	[hbm4b:s9+s3] =	stream.linear.scatter [tilespmem:s1], [sflag:$0x7], $0x6000, $0x38;
	[tilespmem:$0x18400] =	vst v63  }
0x4b7: {  	_ =	swait.ge [sflag:s17], $0x6000  }
0x4b8: {  	[sflag:s17] =	ssyncset.done $0x0  }
0x4b9: {  	[sflag:s17] =	ssyncadd.s32 $0xFFFFA000  }
0x4ba: {  	v3 =	vld [tilespmem:$0x340];
	_ =	sdelay $0x4  }
0x4bb: {  	v52 =	vshrl.u32 v3, $0x3  }
0x4bc: {  	v4 =	vmul.u32 $0x30, v52  }
0x4bd: {  	v3 =	vand.u32 $0x7, v3  }
0x4be: {  	v3 =	vor.u32 v3, v4  }
0x4bf: {  	v4 =	vperm.xlane v3, v0;
	_ =	sdelay $0x1  }
0x4c0: {  	v4 =	vadd.s32 v1, v4;
	_ =	sdelay $0x3  }
0x4c1: {  	v3 =	vperm.xlane v3, v2  }
0x4c2: {  	[tilespmem:s1], [sflag:$0x3] =	stream.indirect_vreg.gather [hbm4b:s2+s3], $0x80, v4, vm0, $0xb8;
	[tilespmem:$0x18400] =	vst v63  }
0x4c3: {  	s10 =	simm.s32 $0xCC00;
	v3 =	vadd.s32 v1, v3  }
0x4c4: {  	[tilespmem:s10], [sflag:$0x3] =	stream.indirect_vreg.gather [hbm4b:s6+s3], $0x80, v4, vm0, $0xb8;
	[tilespmem:$0x18400] =	vst v63  }
0x4c5: {  	s23 =	simm.s32 $0xD400  }
0x4c6: {  	[tilespmem:s23], [sflag:$0x3] =	stream.indirect_vreg.gather [hbm4b:s7+s3], $0x80, v4, vm0, $0xb8;
	[tilespmem:$0x18400] =	vst v63  }
0x4c7: {  	s20 =	simm.s32 $0xDC00  }
0x4c8: {  	[tilespmem:s20], [sflag:$0x3] =	stream.indirect_vreg.gather [hbm4b:s2+s3], $0x80, v3, vm0, $0xb8;
	[tilespmem:$0x18400] =	vst v63  }
0x4c9: {  	s11 =	simm.s32 $0xE400  }
0x4ca: {  	[tilespmem:s11], [sflag:$0x3] =	stream.indirect_vreg.gather [hbm4b:s6+s3], $0x80, v3, vm0, $0xb8;
	[tilespmem:$0x18400] =	vst v63  }
0x4cb: {  	s23 =	simm.s32 $0xEC00  }
0x4cc: {  	[tilespmem:s23], [sflag:$0x3] =	stream.indirect_vreg.gather [hbm4b:s7+s3], $0x80, v3, vm0, $0xb8;
	[tilespmem:$0x18400] =	vst v63  }
0x4cd: {  	v3 =	vld [tilespmem:$0x350];
	_ =	sdelay $0x4  }
0x4ce: {  	v53 =	vshrl.u32 v3, $0x3  }
0x4cf: {  	v4 =	vmul.u32 $0x30, v53  }
0x4d0: {  	v3 =	vand.u32 $0x7, v3  }
0x4d1: {  	v3 =	vor.u32 v3, v4  }
0x4d2: {  	v4 =	vperm.xlane v3, v0;
	_ =	sdelay $0x1  }
0x4d3: {  	v4 =	vadd.s32 v1, v4;
	_ =	sdelay $0x3  }
0x4d4: {  	s24 =	simm.s32 $0xF400;
	v3 =	vperm.xlane v3, v2  }
0x4d5: {  	[tilespmem:s24], [sflag:$0x3] =	stream.indirect_vreg.gather [hbm4b:s2+s3], $0x80, v4, vm0, $0xb8;
	[tilespmem:$0x18400] =	vst v63  }
0x4d6: {  	s25 =	simm.s32 $0xFC00;
	v3 =	vadd.s32 v1, v3  }
0x4d7: {  	[tilespmem:s25], [sflag:$0x3] =	stream.indirect_vreg.gather [hbm4b:s6+s3], $0x80, v4, vm0, $0xb8;
	[tilespmem:$0x18400] =	vst v63  }
0x4d8: {  	s11 =	simm.s32 $0x10400  }
0x4d9: {  	[tilespmem:s11], [sflag:$0x3] =	stream.indirect_vreg.gather [hbm4b:s7+s3], $0x80, v4, vm0, $0xb8;
	[tilespmem:$0x18400] =	vst v63  }
0x4da: {  	s20 =	simm.s32 $0x10C00  }
0x4db: {  	[tilespmem:s20], [sflag:$0x3] =	stream.indirect_vreg.gather [hbm4b:s2+s3], $0x80, v3, vm0, $0xb8;
	[tilespmem:$0x18400] =	vst v63  }
0x4dc: {  	s23 =	simm.s32 $0x11400  }
0x4dd: {  	[tilespmem:s23], [sflag:$0x3] =	stream.indirect_vreg.gather [hbm4b:s6+s3], $0x80, v3, vm0, $0xb8;
	[tilespmem:$0x18400] =	vst v63  }
0x4de: {  	s25 =	simm.s32 $0x11C00  }
0x4df: {  	[tilespmem:s25], [sflag:$0x3] =	stream.indirect_vreg.gather [hbm4b:s7+s3], $0x80, v3, vm0, $0xb8;
	[tilespmem:$0x18400] =	vst v63  }
0x4e0: {  	_ =	swait.ge [sflag:s18], $0x6000  }
0x4e1: {  	[sflag:s18] =	ssyncset.done $0x0  }
0x4e2: {  	s11 =	rddreg [dreg:$0x1d];
	[sflag:s18] =	ssyncadd.s32 $0xFFFFA000  }
0x4e3: {  	[hbm4b:s11+s3] =	stream.linear.scatter [tilespmem:s28], [sflag:$0x8], $0x6000, $0x38;
	[tilespmem:$0x18400] =	vst v63  }
0x4e4: {  	_ =	swait.ge [sflag:s19], $0x6000  }
0x4e5: {  	[sflag:s19] =	ssyncset.done $0x0  }
0x4e6: {  	[sflag:s19] =	ssyncadd.s32 $0xFFFFA000  }
0x4e7: {  	v3 =	vld [tilespmem:$0x360];
	_ =	sdelay $0x4  }
0x4e8: {  	v54 =	vshrl.u32 v3, $0x3  }
0x4e9: {  	v4 =	vmul.u32 $0x30, v54  }
0x4ea: {  	v3 =	vand.u32 $0x7, v3  }
0x4eb: {  	v3 =	vor.u32 v3, v4  }
0x4ec: {  	v4 =	vperm.xlane v3, v0;
	_ =	sdelay $0x1  }
0x4ed: {  	v4 =	vadd.s32 v1, v4;
	_ =	sdelay $0x3  }
0x4ee: {  	v3 =	vperm.xlane v3, v2  }
0x4ef: {  	[tilespmem:s28], [sflag:$0x4] =	stream.indirect_vreg.gather [hbm4b:s2+s3], $0x80, v4, vm0, $0xb8;
	[tilespmem:$0x18400] =	vst v63  }
0x4f0: {  	s20 =	simm.s32 $0x12C00;
	v3 =	vadd.s32 v1, v3  }
0x4f1: {  	[tilespmem:s20], [sflag:$0x4] =	stream.indirect_vreg.gather [hbm4b:s6+s3], $0x80, v4, vm0, $0xb8;
	[tilespmem:$0x18400] =	vst v63  }
0x4f2: {  	s23 =	simm.s32 $0x13400  }
0x4f3: {  	[tilespmem:s23], [sflag:$0x4] =	stream.indirect_vreg.gather [hbm4b:s7+s3], $0x80, v4, vm0, $0xb8;
	[tilespmem:$0x18400] =	vst v63  }
0x4f4: {  	s11 =	simm.s32 $0x13C00  }
0x4f5: {  	[tilespmem:s11], [sflag:$0x4] =	stream.indirect_vreg.gather [hbm4b:s2+s3], $0x80, v3, vm0, $0xb8;
	[tilespmem:$0x18400] =	vst v63  }
0x4f6: {  	s20 =	simm.s32 $0x14400  }
0x4f7: {  	[tilespmem:s20], [sflag:$0x4] =	stream.indirect_vreg.gather [hbm4b:s6+s3], $0x80, v3, vm0, $0xb8;
	[tilespmem:$0x18400] =	vst v63  }
0x4f8: {  	s23 =	simm.s32 $0x14C00  }
0x4f9: {  	[tilespmem:s23], [sflag:$0x4] =	stream.indirect_vreg.gather [hbm4b:s7+s3], $0x80, v3, vm0, $0xb8;
	[tilespmem:$0x18400] =	vst v63  }
0x4fa: {  	v3 =	vld [tilespmem:$0x370];
	_ =	sdelay $0x4  }
0x4fb: {  	v55 =	vshrl.u32 v3, $0x3  }
0x4fc: {  	v4 =	vmul.u32 $0x30, v55  }
0x4fd: {  	v3 =	vand.u32 $0x7, v3  }
0x4fe: {  	v3 =	vor.u32 v3, v4  }
0x4ff: {  	v4 =	vperm.xlane v3, v0;
	_ =	sdelay $0x1  }
0x500: {  	v4 =	vadd.s32 v1, v4;
	_ =	sdelay $0x3  }
0x501: {  	s11 =	simm.s32 $0x15400;
	v3 =	vperm.xlane v3, v2  }
0x502: {  	[tilespmem:s11], [sflag:$0x4] =	stream.indirect_vreg.gather [hbm4b:s2+s3], $0x80, v4, vm0, $0xb8;
	[tilespmem:$0x18400] =	vst v63  }
0x503: {  	s20 =	simm.s32 $0x15C00;
	v3 =	vadd.s32 v1, v3  }
0x504: {  	[tilespmem:s20], [sflag:$0x4] =	stream.indirect_vreg.gather [hbm4b:s6+s3], $0x80, v4, vm0, $0xb8;
	[tilespmem:$0x18400] =	vst v63  }
0x505: {  	s23 =	simm.s32 $0x16400  }
0x506: {  	[tilespmem:s23], [sflag:$0x4] =	stream.indirect_vreg.gather [hbm4b:s7+s3], $0x80, v4, vm0, $0xb8;
	[tilespmem:$0x18400] =	vst v63  }
0x507: {  	s11 =	simm.s32 $0x16C00  }
0x508: {  	[tilespmem:s11], [sflag:$0x4] =	stream.indirect_vreg.gather [hbm4b:s2+s3], $0x80, v3, vm0, $0xb8;
	[tilespmem:$0x18400] =	vst v63  }
0x509: {  	s20 =	simm.s32 $0x17400  }
0x50a: {  	[tilespmem:s20], [sflag:$0x4] =	stream.indirect_vreg.gather [hbm4b:s6+s3], $0x80, v3, vm0, $0xb8;
	[tilespmem:$0x18400] =	vst v63  }
0x50b: {  	s23 =	simm.s32 $0x17C00  }
0x50c: {  	[tilespmem:s23], [sflag:$0x4] =	stream.indirect_vreg.gather [hbm4b:s7+s3], $0x80, v3, vm0, $0xb8;
	[tilespmem:$0x18400] =	vst v63  }
0x50d: {  	_ =	swait.ge [sflag:s8], $0x6000  }
0x50e: {  	[sflag:s8] =	ssyncset.done $0x0  }
0x50f: {  	s11 =	simm.s32 $0x400;
	s4 =	rddreg [dreg:$0x1e];
	[sflag:s8] =	ssyncadd.s32 $0xFFFFA000  }
0x510: {  	[hbm4b:s4+s3] =	stream.linear.scatter [tilespmem:s11], [sflag:$0x5], $0x6000, $0x38;
	[tilespmem:$0x18400] =	vst v63  }
0x511: {  	_ =	swait.ge [sflag:s13], $0x6000  }
0x512: {  	[sflag:s13] =	ssyncset.done $0x0  }
0x513: {  	[sflag:s13] =	ssyncadd.s32 $0xFFFFA000  }
0x514: {  	v3 =	vld [tilespmem:$0x380];
	_ =	sdelay $0x4  }
0x515: {  	v56 =	vshrl.u32 v3, $0x3  }
0x516: {  	v4 =	vmul.u32 $0x30, v56  }
0x517: {  	v3 =	vand.u32 $0x7, v3  }
0x518: {  	v3 =	vor.u32 v3, v4  }
0x519: {  	v4 =	vperm.xlane v3, v0;
	_ =	sdelay $0x1  }
0x51a: {  	v4 =	vadd.s32 v1, v4;
	_ =	sdelay $0x3  }
0x51b: {  	v3 =	vperm.xlane v3, v2  }
0x51c: {  	[tilespmem:s11], [sflag:$0x1] =	stream.indirect_vreg.gather [hbm4b:s2+s3], $0x80, v4, vm0, $0xb8;
	[tilespmem:$0x18400] =	vst v63  }
0x51d: {  	s30 =	simm.s32 $0xC00;
	v3 =	vadd.s32 v1, v3  }
0x51e: {  	[tilespmem:s30], [sflag:$0x1] =	stream.indirect_vreg.gather [hbm4b:s6+s3], $0x80, v4, vm0, $0xb8;
	[tilespmem:$0x18400] =	vst v63  }
0x51f: {  	s23 =	simm.s32 $0x1400  }
0x520: {  	[tilespmem:s23], [sflag:$0x1] =	stream.indirect_vreg.gather [hbm4b:s7+s3], $0x80, v4, vm0, $0xb8;
	[tilespmem:$0x18400] =	vst v63  }
0x521: {  	s30 =	simm.s32 $0x1C00  }
0x522: {  	[tilespmem:s30], [sflag:$0x1] =	stream.indirect_vreg.gather [hbm4b:s2+s3], $0x80, v3, vm0, $0xb8;
	[tilespmem:$0x18400] =	vst v63  }
0x523: {  	s20 =	simm.s32 $0x2400  }
0x524: {  	[tilespmem:s20], [sflag:$0x1] =	stream.indirect_vreg.gather [hbm4b:s6+s3], $0x80, v3, vm0, $0xb8;
	[tilespmem:$0x18400] =	vst v63  }
0x525: {  	s23 =	simm.s32 $0x2C00  }
0x526: {  	[tilespmem:s23], [sflag:$0x1] =	stream.indirect_vreg.gather [hbm4b:s7+s3], $0x80, v3, vm0, $0xb8;
	[tilespmem:$0x18400] =	vst v63  }
0x527: {  	v3 =	vld [tilespmem:$0x390];
	_ =	sdelay $0x4  }
0x528: {  	v57 =	vshrl.u32 v3, $0x3  }
0x529: {  	v4 =	vmul.u32 $0x30, v57  }
0x52a: {  	v3 =	vand.u32 $0x7, v3  }
0x52b: {  	v3 =	vor.u32 v3, v4  }
0x52c: {  	v4 =	vperm.xlane v3, v0;
	_ =	sdelay $0x1  }
0x52d: {  	v4 =	vadd.s32 v1, v4;
	_ =	sdelay $0x3  }
0x52e: {  	s30 =	simm.s32 $0x3400;
	v3 =	vperm.xlane v3, v2  }
0x52f: {  	[tilespmem:s30], [sflag:$0x1] =	stream.indirect_vreg.gather [hbm4b:s2+s3], $0x80, v4, vm0, $0xb8;
	[tilespmem:$0x18400] =	vst v63  }
0x530: {  	s20 =	simm.s32 $0x3C00;
	v3 =	vadd.s32 v1, v3  }
0x531: {  	[tilespmem:s20], [sflag:$0x1] =	stream.indirect_vreg.gather [hbm4b:s6+s3], $0x80, v4, vm0, $0xb8;
	[tilespmem:$0x18400] =	vst v63  }
0x532: {  	s23 =	simm.s32 $0x4400  }
0x533: {  	[tilespmem:s23], [sflag:$0x1] =	stream.indirect_vreg.gather [hbm4b:s7+s3], $0x80, v4, vm0, $0xb8;
	[tilespmem:$0x18400] =	vst v63  }
0x534: {  	s30 =	simm.s32 $0x4C00  }
0x535: {  	[tilespmem:s30], [sflag:$0x1] =	stream.indirect_vreg.gather [hbm4b:s2+s3], $0x80, v3, vm0, $0xb8;
	[tilespmem:$0x18400] =	vst v63  }
0x536: {  	s20 =	simm.s32 $0x5400  }
0x537: {  	[tilespmem:s20], [sflag:$0x1] =	stream.indirect_vreg.gather [hbm4b:s6+s3], $0x80, v3, vm0, $0xb8;
	[tilespmem:$0x18400] =	vst v63  }
0x538: {  	s23 =	simm.s32 $0x5C00  }
0x539: {  	[tilespmem:s23], [sflag:$0x1] =	stream.indirect_vreg.gather [hbm4b:s7+s3], $0x80, v3, vm0, $0xb8;
	[tilespmem:$0x18400] =	vst v63  }
0x53a: {  	_ =	swait.ge [sflag:s14], $0x6000  }
0x53b: {  	[sflag:s14] =	ssyncset.done $0x0  }
0x53c: {  	s11 =	simm.s32 $0x6400;
	s30 =	rddreg [dreg:$0x1f];
	[sflag:s14] =	ssyncadd.s32 $0xFFFFA000  }
0x53d: {  	[hbm4b:s30+s3] =	stream.linear.scatter [tilespmem:s11], [sflag:$0x6], $0x6000, $0x38;
	[tilespmem:$0x18400] =	vst v63  }
0x53e: {  	_ =	swait.ge [sflag:s15], $0x6000  }
0x53f: {  	[sflag:s15] =	ssyncset.done $0x0  }
0x540: {  	[sflag:s15] =	ssyncadd.s32 $0xFFFFA000  }
0x541: {  	v3 =	vld [tilespmem:$0x3A0];
	_ =	sdelay $0x4  }
0x542: {  	v58 =	vshrl.u32 v3, $0x3  }
0x543: {  	v4 =	vmul.u32 $0x30, v58  }
0x544: {  	v3 =	vand.u32 $0x7, v3  }
0x545: {  	v3 =	vor.u32 v3, v4  }
0x546: {  	v4 =	vperm.xlane v3, v0;
	_ =	sdelay $0x1  }
0x547: {  	v4 =	vadd.s32 v1, v4;
	_ =	sdelay $0x3  }
0x548: {  	v3 =	vperm.xlane v3, v2  }
0x549: {  	[tilespmem:s11], [sflag:$0x2] =	stream.indirect_vreg.gather [hbm4b:s2+s3], $0x80, v4, vm0, $0xb8;
	[tilespmem:$0x18400] =	vst v63  }
0x54a: {  	s5 =	simm.s32 $0x6C00;
	v3 =	vadd.s32 v1, v3  }
0x54b: {  	[tilespmem:s5], [sflag:$0x2] =	stream.indirect_vreg.gather [hbm4b:s6+s3], $0x80, v4, vm0, $0xb8;
	[tilespmem:$0x18400] =	vst v63  }
0x54c: {  	s12 =	simm.s32 $0x7400  }
0x54d: {  	[tilespmem:s12], [sflag:$0x2] =	stream.indirect_vreg.gather [hbm4b:s7+s3], $0x80, v4, vm0, $0xb8;
	[tilespmem:$0x18400] =	vst v63  }
0x54e: {  	s21 =	simm.s32 $0x7C00  }
0x54f: {  	[tilespmem:s21], [sflag:$0x2] =	stream.indirect_vreg.gather [hbm4b:s2+s3], $0x80, v3, vm0, $0xb8;
	[tilespmem:$0x18400] =	vst v63  }
0x550: {  	s20 =	simm.s32 $0x8400  }
0x551: {  	[tilespmem:s20], [sflag:$0x2] =	stream.indirect_vreg.gather [hbm4b:s6+s3], $0x80, v3, vm0, $0xb8;
	[tilespmem:$0x18400] =	vst v63  }
0x552: {  	s22 =	simm.s32 $0x8C00  }
0x553: {  	[tilespmem:s22], [sflag:$0x2] =	stream.indirect_vreg.gather [hbm4b:s7+s3], $0x80, v3, vm0, $0xb8;
	[tilespmem:$0x18400] =	vst v63  }
0x554: {  	v3 =	vld [tilespmem:$0x3B0];
	_ =	sdelay $0x4  }
0x555: {  	v59 =	vshrl.u32 v3, $0x3  }
0x556: {  	v4 =	vmul.u32 $0x30, v59  }
0x557: {  	v3 =	vand.u32 $0x7, v3  }
0x558: {  	v3 =	vor.u32 v3, v4  }
0x559: {  	v4 =	vperm.xlane v3, v0;
	_ =	sdelay $0x1  }
0x55a: {  	v4 =	vadd.s32 v1, v4;
	_ =	sdelay $0x3  }
0x55b: {  	s29 =	simm.s32 $0x9400;
	v3 =	vperm.xlane v3, v2  }
0x55c: {  	[tilespmem:s29], [sflag:$0x2] =	stream.indirect_vreg.gather [hbm4b:s2+s3], $0x80, v4, vm0, $0xb8;
	[tilespmem:$0x18400] =	vst v63  }
0x55d: {  	s21 =	simm.s32 $0x9C00;
	v3 =	vadd.s32 v1, v3  }
0x55e: {  	[tilespmem:s21], [sflag:$0x2] =	stream.indirect_vreg.gather [hbm4b:s6+s3], $0x80, v4, vm0, $0xb8;
	[tilespmem:$0x18400] =	vst v63  }
0x55f: {  	s22 =	simm.s32 $0xA400  }
0x560: {  	[tilespmem:s22], [sflag:$0x2] =	stream.indirect_vreg.gather [hbm4b:s7+s3], $0x80, v4, vm0, $0xb8;
	[tilespmem:$0x18400] =	vst v63  }
0x561: {  	s29 =	simm.s32 $0xAC00  }
0x562: {  	[tilespmem:s29], [sflag:$0x2] =	stream.indirect_vreg.gather [hbm4b:s2+s3], $0x80, v3, vm0, $0xb8;
	[tilespmem:$0x18400] =	vst v63  }
0x563: {  	s30 =	simm.s32 $0xB400  }
0x564: {  	[tilespmem:s30], [sflag:$0x2] =	stream.indirect_vreg.gather [hbm4b:s6+s3], $0x80, v3, vm0, $0xb8;
	[tilespmem:$0x18400] =	vst v63  }
0x565: {  	s11 =	simm.s32 $0xBC00  }
0x566: {  	[tilespmem:s11], [sflag:$0x2] =	stream.indirect_vreg.gather [hbm4b:s7+s3], $0x80, v3, vm0, $0xb8;
	[tilespmem:$0x18400] =	vst v63  }
0x567: {  	_ =	swait.ge [sflag:s16], $0x6000  }
0x568: {  	s12 =	sld [smem:$0x7F7]  }
0x569: {  	[sflag:s16] =	ssyncset.done $0x0  }
0x56a: {  	s21 =	simm.s32 $0xC400;
	[sflag:s16] =	ssyncadd.s32 $0xFFFFA000  }
0x56b: {  	[hbm4b:s12+s3] =	stream.linear.scatter [tilespmem:s21], [sflag:$0x7], $0x6000, $0x38;
	[tilespmem:$0x18400] =	vst v63  }
0x56c: {  	_ =	swait.ge [sflag:s17], $0x6000  }
0x56d: {  	[sflag:s17] =	ssyncset.done $0x0  }
0x56e: {  	[sflag:s17] =	ssyncadd.s32 $0xFFFFA000  }
0x56f: {  	v3 =	vld [tilespmem:$0x3C0];
	_ =	sdelay $0x4  }
0x570: {  	v60 =	vshrl.u32 v3, $0x3  }
0x571: {  	v4 =	vmul.u32 $0x30, v60  }
0x572: {  	v3 =	vand.u32 $0x7, v3  }
0x573: {  	v3 =	vor.u32 v3, v4  }
0x574: {  	v4 =	vperm.xlane v3, v0;
	_ =	sdelay $0x1  }
0x575: {  	v4 =	vadd.s32 v1, v4;
	_ =	sdelay $0x3  }
0x576: {  	v3 =	vperm.xlane v3, v2  }
0x577: {  	[tilespmem:s21], [sflag:$0x3] =	stream.indirect_vreg.gather [hbm4b:s2+s3], $0x80, v4, vm0, $0xb8;
	[tilespmem:$0x18400] =	vst v63  }
0x578: {  	s1 =	simm.s32 $0xCC00;
	v3 =	vadd.s32 v1, v3  }
0x579: {  	[tilespmem:s1], [sflag:$0x3] =	stream.indirect_vreg.gather [hbm4b:s6+s3], $0x80, v4, vm0, $0xb8;
	[tilespmem:$0x18400] =	vst v63  }
0x57a: {  	s9 =	simm.s32 $0xD400  }
0x57b: {  	[tilespmem:s9], [sflag:$0x3] =	stream.indirect_vreg.gather [hbm4b:s7+s3], $0x80, v4, vm0, $0xb8;
	[tilespmem:$0x18400] =	vst v63  }
0x57c: {  	s26 =	simm.s32 $0xDC00  }
0x57d: {  	[tilespmem:s26], [sflag:$0x3] =	stream.indirect_vreg.gather [hbm4b:s2+s3], $0x80, v3, vm0, $0xb8;
	[tilespmem:$0x18400] =	vst v63  }
0x57e: {  	s0 =	simm.s32 $0xE400  }
0x57f: {  	[tilespmem:s0], [sflag:$0x3] =	stream.indirect_vreg.gather [hbm4b:s6+s3], $0x80, v3, vm0, $0xb8;
	[tilespmem:$0x18400] =	vst v63  }
0x580: {  	s10 =	simm.s32 $0xEC00  }
0x581: {  	[tilespmem:s10], [sflag:$0x3] =	stream.indirect_vreg.gather [hbm4b:s7+s3], $0x80, v3, vm0, $0xb8;
	[tilespmem:$0x18400] =	vst v63  }
0x582: {  	v3 =	vld [tilespmem:$0x3D0];
	_ =	sdelay $0x4  }
0x583: {  	v61 =	vshrl.u32 v3, $0x3  }
0x584: {  	v4 =	vmul.u32 $0x30, v61  }
0x585: {  	v3 =	vand.u32 $0x7, v3  }
0x586: {  	v3 =	vor.u32 v3, v4  }
0x587: {  	v4 =	vperm.xlane v3, v0;
	_ =	sdelay $0x1  }
0x588: {  	v4 =	vadd.s32 v1, v4;
	_ =	sdelay $0x3  }
0x589: {  	s31 =	simm.s32 $0xF400;
	v3 =	vperm.xlane v3, v2  }
0x58a: {  	[tilespmem:s31], [sflag:$0x3] =	stream.indirect_vreg.gather [hbm4b:s2+s3], $0x80, v4, vm0, $0xb8;
	[tilespmem:$0x18400] =	vst v63  }
0x58b: {  	s24 =	simm.s32 $0xFC00;
	v3 =	vadd.s32 v1, v3  }
0x58c: {  	[tilespmem:s24], [sflag:$0x3] =	stream.indirect_vreg.gather [hbm4b:s6+s3], $0x80, v4, vm0, $0xb8;
	[tilespmem:$0x18400] =	vst v63  }
0x58d: {  	s22 =	simm.s32 $0x10400  }
0x58e: {  	[tilespmem:s22], [sflag:$0x3] =	stream.indirect_vreg.gather [hbm4b:s7+s3], $0x80, v4, vm0, $0xb8;
	[tilespmem:$0x18400] =	vst v63  }
0x58f: {  	s24 =	simm.s32 $0x10C00  }
0x590: {  	[tilespmem:s24], [sflag:$0x3] =	stream.indirect_vreg.gather [hbm4b:s2+s3], $0x80, v3, vm0, $0xb8;
	[tilespmem:$0x18400] =	vst v63  }
0x591: {  	s26 =	simm.s32 $0x11400  }
0x592: {  	[tilespmem:s26], [sflag:$0x3] =	stream.indirect_vreg.gather [hbm4b:s6+s3], $0x80, v3, vm0, $0xb8;
	[tilespmem:$0x18400] =	vst v63  }
0x593: {  	s25 =	simm.s32 $0x11C00  }
0x594: {  	[tilespmem:s25], [sflag:$0x3] =	stream.indirect_vreg.gather [hbm4b:s7+s3], $0x80, v3, vm0, $0xb8;
	[tilespmem:$0x18400] =	vst v63  }
0x595: {  	_ =	swait.ge [sflag:s18], $0x6000  }
0x596: {  	s29 =	sld [smem:$0x7F8]  }
0x597: {  	[sflag:s18] =	ssyncset.done $0x0  }
0x598: {  	s30 =	simm.s32 $0x12400;
	[sflag:s18] =	ssyncadd.s32 $0xFFFFA000  }
0x599: {  	[hbm4b:s29+s3] =	stream.linear.scatter [tilespmem:s30], [sflag:$0x8], $0x6000, $0x38;
	[tilespmem:$0x18400] =	vst v63  }
0x59a: {  	_ =	swait.ge [sflag:s19], $0x6000  }
0x59b: {  	[sflag:s19] =	ssyncset.done $0x0  }
0x59c: {  	[sflag:s19] =	ssyncadd.s32 $0xFFFFA000  }
0x59d: {  	v3 =	vld [tilespmem:$0x3E0];
	_ =	sdelay $0x4  }
0x59e: {  	v62 =	vshrl.u32 v3, $0x3  }
0x59f: {  	v4 =	vmul.u32 $0x30, v62  }
0x5a0: {  	v3 =	vand.u32 $0x7, v3  }
0x5a1: {  	v3 =	vor.u32 v3, v4  }
0x5a2: {  	v4 =	vperm.xlane v3, v0;
	_ =	sdelay $0x1  }
0x5a3: {  	v4 =	vadd.s32 v1, v4;
	_ =	sdelay $0x3  }
0x5a4: {  	v3 =	vperm.xlane v3, v2  }
0x5a5: {  	[tilespmem:s30], [sflag:$0x4] =	stream.indirect_vreg.gather [hbm4b:s2+s3], $0x80, v4, vm0, $0xb8;
	[tilespmem:$0x18400] =	vst v63  }
0x5a6: {  	s28 =	simm.s32 $0x12C00;
	v3 =	vadd.s32 v1, v3  }
0x5a7: {  	[tilespmem:s28], [sflag:$0x4] =	stream.indirect_vreg.gather [hbm4b:s6+s3], $0x80, v4, vm0, $0xb8;
	[tilespmem:$0x18400] =	vst v63  }
0x5a8: {  	s31 =	simm.s32 $0x13400  }
0x5a9: {  	[tilespmem:s31], [sflag:$0x4] =	stream.indirect_vreg.gather [hbm4b:s7+s3], $0x80, v4, vm0, $0xb8;
	[tilespmem:$0x18400] =	vst v63  }
0x5aa: {  	s1 =	simm.s32 $0x13C00  }
0x5ab: {  	[tilespmem:s1], [sflag:$0x4] =	stream.indirect_vreg.gather [hbm4b:s2+s3], $0x80, v3, vm0, $0xb8;
	[tilespmem:$0x18400] =	vst v63  }
0x5ac: {  	s5 =	simm.s32 $0x14400  }
0x5ad: {  	[tilespmem:s5], [sflag:$0x4] =	stream.indirect_vreg.gather [hbm4b:s6+s3], $0x80, v3, vm0, $0xb8;
	[tilespmem:$0x18400] =	vst v63  }
0x5ae: {  	s9 =	simm.s32 $0x14C00  }
0x5af: {  	[tilespmem:s9], [sflag:$0x4] =	stream.indirect_vreg.gather [hbm4b:s7+s3], $0x80, v3, vm0, $0xb8;
	[tilespmem:$0x18400] =	vst v63  }
0x5b0: {  	v3 =	vld [tilespmem:$0x3F0];
	_ =	sdelay $0x4  }
0x5b1: {  	v63 =	vshrl.u32 v3, $0x3  }
0x5b2: {  	v4 =	vmul.u32 $0x30, v63  }
0x5b3: {  	v3 =	vand.u32 $0x7, v3  }
0x5b4: {  	v3 =	vor.u32 v3, v4  }
0x5b5: {  	v4 =	vperm.xlane v3, v0;
	_ =	sdelay $0x1  }
0x5b6: {  	v4 =	vadd.s32 v1, v4;
	_ =	sdelay $0x3  }
0x5b7: {  	s10 =	simm.s32 $0x15400;
	v3 =	vperm.xlane v3, v2  }
0x5b8: {  	[tilespmem:s10], [sflag:$0x4] =	stream.indirect_vreg.gather [hbm4b:s2+s3], $0x80, v4, vm0, $0xb8;
	[tilespmem:$0x18400] =	vst v63  }
0x5b9: {  	s12 =	simm.s32 $0x15C00;
	v3 =	vadd.s32 v1, v3  }
0x5ba: {  	[tilespmem:s12], [sflag:$0x4] =	stream.indirect_vreg.gather [hbm4b:s6+s3], $0x80, v4, vm0, $0xb8;
	[tilespmem:$0x18400] =	vst v63  }
0x5bb: {  	s20 =	simm.s32 $0x16400  }
0x5bc: {  	[tilespmem:s20], [sflag:$0x4] =	stream.indirect_vreg.gather [hbm4b:s7+s3], $0x80, v4, vm0, $0xb8;
	[tilespmem:$0x18400] =	vst v63  }
0x5bd: {  	s24 =	simm.s32 $0x16C00  }
0x5be: {  	[tilespmem:s24], [sflag:$0x4] =	stream.indirect_vreg.gather [hbm4b:s2+s3], $0x80, v3, vm0, $0xb8;
	[tilespmem:$0x18400] =	vst v63  }
0x5bf: {  	s25 =	simm.s32 $0x17400  }
0x5c0: {  	[tilespmem:s25], [sflag:$0x4] =	stream.indirect_vreg.gather [hbm4b:s6+s3], $0x80, v3, vm0, $0xb8;
	[tilespmem:$0x18400] =	vst v63  }
0x5c1: {  	s26 =	simm.s32 $0x17C00  }
0x5c2: {  	[tilespmem:s26], [sflag:$0x4] =	stream.indirect_vreg.gather [hbm4b:s7+s3], $0x80, v3, vm0, $0xb8;
	[tilespmem:$0x18400] =	vst v63  }
0x5c3: {  	s21 =	sld [smem:$0x7F5];
	_ =	swait.ge [sflag:s8], $0x6000  }
0x5c4: {  	s28 =	sld [smem:$0x7F9]  }
0x5c5: {  	[sflag:s8] =	ssyncset.done $0x0  }
0x5c6: {  	s4 =	simm.s32 $0x400;
	[sflag:s8] =	ssyncadd.s32 $0xFFFFA000  }
0x5c7: {  	[hbm4b:s28+s3] =	stream.linear.scatter [tilespmem:s4], [sflag:$0x5], $0x6000, $0x38;
	[tilespmem:$0x18400] =	vst v63  }
0x5c8: {  	_ =	swait.ge [sflag:s14], $0x6000  }
0x5c9: {  	s29 =	sld [smem:$0x7FA]  }
0x5ca: {  	[sflag:s14] =	ssyncset.done $0x0  }
0x5cb: {  	s23 =	simm.s32 $0x6400;
	[sflag:s14] =	ssyncadd.s32 $0xFFFFA000  }
0x5cc: {  	[hbm4b:s29+s3] =	stream.linear.scatter [tilespmem:s23], [sflag:$0x6], $0x6000, $0x38;
	[tilespmem:$0x18400] =	vst v63  }
0x5cd: {  	_ =	swait.ge [sflag:s16], $0x6000  }
0x5ce: {  	s30 =	sld [smem:$0x7FB]  }
0x5cf: {  	[sflag:s16] =	ssyncset.done $0x0  }
0x5d0: {  	s11 =	simm.s32 $0xC400;
	[sflag:s16] =	ssyncadd.s32 $0xFFFFA000  }
0x5d1: {  	[hbm4b:s30+s3] =	stream.linear.scatter [tilespmem:s11], [sflag:$0x7], $0x6000, $0x38;
	[tilespmem:$0x18400] =	vst v63  }
0x5d2: {  	_ =	swait.ge [sflag:s18], $0x6000  }
0x5d3: {  	s31 =	sld [smem:$0x7FD]  }
0x5d4: {  	[sflag:s18] =	ssyncset.done $0x0  }
0x5d5: {  	s22 =	simm.s32 $0x12400;
	[sflag:s18] =	ssyncadd.s32 $0xFFFFA000  }
0x5d6: {  	[hbm4b:s31+s3] =	stream.linear.scatter [tilespmem:s22], [sflag:$0x8], $0x6000, $0x38;
	[tilespmem:$0x18400] =	vst v63  }
0x5d7: {  	_ =	swait.ge [sflag:s13], $0x6000  }
0x5d8: {  	[sflag:s13] =	ssyncset.done $0x0  }
0x5d9: {  	[sflag:s13] =	ssyncadd.s32 $0xFFFFA000  }
0x5da: {  	_ =	swait.ge [sflag:s15], $0x6000  }
0x5db: {  	[sflag:s15] =	ssyncset.done $0x0  }
0x5dc: {  	[sflag:s15] =	ssyncadd.s32 $0xFFFFA000  }
0x5dd: {  	p0 =	sne.s32 s21, $0x1;
	_ =	swait.ge [sflag:s17], $0x6000  }
.Ltmp0:
0x5de: {  	[sflag:s17] =	ssyncset.done $0x0;
	(pc) =	sbr.rel @p0 .LBB2_1-.Ltmp0, $4  }
0x5df: {  	[sflag:s17] =	ssyncadd.s32 $0xFFFFA000  }
0x5e0: {  	_ =	swait.ge [sflag:s19], $0x6000  }
0x5e1: {  	[sflag:s19] =	ssyncset.done $0x0  }
0x5e2: {  	s5 =	sadd.s32 $0xFFFFFFFF, s21;
	[sflag:s19] =	ssyncadd.s32 $0xFFFFA000  }
0x5e3: {  	_ =	sfence.sel $0x180000  }
0x5e4: {  	[bflag:$0x0] =	sbarrier.arrive $0xFFFF  }
0x5e5: {  	_ =	strace $0x90000047  }
0x5e6: {  	s0 =	stileid.u32;
	[bflag:$0x2] =	sbarrier.arrive $0xFFFF  }
0x5e7: {  	p0 =	sne.s32 s0, $0x0;
	s0 =	rddreg [dreg:$0x3]  }
0x5e8: {  	s0 =	sadd.s32 @!p0 $0x100000, s0  }
0x5e9: {  	[sflag:s0] =	ssyncadd.tile.s32 @!p0 $0x1;
	_ =	shalt  }
.Lfunc_end2:
_tile_overlayer_lowered:
.L_overlay_start_2:
0x5ea: {  	(tag) =	ssettag $0x2  }
0x5eb: {  	s0 =	rddreg [dreg:$0x0];
	s2 =	stileid.u32  }
0x5ec: {  	s1 =	rddreg [dreg:$0x1];
	p0 =	sne.s32 s2, $0x0  }
0x5ed: {  	s3 =	rddreg [dreg:$0x2];
	[bflag:$0x3] =	sbarrier.arrive $0xFFFF;
	s2 =	simm.s32 @!p0 $0x1C09  }
0x5ee: {  	[timem:s3], [sflag:s2] =	dma.local @!p0 [hbm:s0], s1  }
0x5ef: {  	s0 =	simm.s32 @!p0 $0x9  }
0x5f0: {  	_ =	swait.ge @!p0 [sflag:s0], s1  }
0x5f1: {  	s1 =	ssub.s32 @!p0 $0x0, s1;
	[sflag:s0] =	ssyncset.done @!p0 $0x0  }
0x5f2: {  	[sflag:s0] =	ssyncadd.s32 @!p0 s1  }
0x5f3: {  	[bflag:$0x3] =	sbarrier.arrive $0xFFFF  }
0x5f4: {  	_ =	shalt  }

</sc_bundles>
